<compile_context>
chip_gen: v7x
topology: tpu7x:2x2x1
jax: 0.10.2.dev20260603
libtpu: 0.0.44.dev20260713+nightly
codegen_flags: <defaults>
</compile_context>

<pallas_src>
import functools

import jax
import jax.numpy as jnp
from jax import lax
from jax.experimental import pallas as pl
from jax.experimental.pallas import tpu as pltpu
from jax.experimental.pallas import tpu_sc as plsc

_WEIGHT = 4.0
_SIGMA_DATA = 16.0
_ALPHA_DNA = 5.0
_ALPHA_RNA = 5.0
_ALPHA_LIGAND = 10.0
_EPS = 1e-06
_DD_MAX = 22.0

_B = 512


def _loss_body(xr_ref, xc_ref, xgr_ref, xgc_ref, crdT_ref, crd0c_ref,
               tokr_ref, tokc_ref, dna_ref, rna_ref, lig_ref,
               parts_ref, t_ref,
               out_ref, acc_ref, naat_ref, arow_ref, acol_ref):
    i = pl.program_id(0)
    j = pl.program_id(1)
    ni = pl.num_programs(0)
    nj = pl.num_programs(1)
    L = xr_ref.shape[0]
    T = dna_ref.shape[1]
    D = crdT_ref.shape[1]
    iS = i * _B
    jS = j * _B

    @pl.when((i == 0) & (j == 0))
    def _prologue():
        for k in range(16):
            acc_ref[k] = 0.0
        tok = tokr_ref[:, :]
        tt = jax.lax.broadcasted_iota(jnp.int32, (1, T), 1)
        onehot = (tok == tt).astype(jnp.float32)
        dna = dna_ref[0:1, :]
        rna = rna_ref[0:1, :]
        na_tok = jnp.minimum(dna + rna, 1.0)
        naat_ref[:, :] = jnp.sum(onehot * na_tok, axis=1, keepdims=True)

        onesL = jnp.ones((L, 1), jnp.float32)
        onesR = jnp.ones((1, L), jnp.float32)
        zerosL = jnp.zeros((L, 3), jnp.float32)
        zerosR = jnp.zeros((3, L), jnp.float32)
        apieces = []
        bpieces = []
        for d in range(D + 1):
            if d < D:
                xs = xr_ref[:, 3 * d:3 * d + 3]
                xcs = xc_ref[3 * d:3 * d + 3, :]
            else:
                xs = jnp.where(jnp.isnan(xgr_ref[:, :]), 0.0, xgr_ref[:, :])
                xcs = jnp.where(jnp.isnan(xgc_ref[:, :]), 0.0, xgc_ref[:, :])
            n_r = jnp.sum(xs * xs, axis=1, keepdims=True)
            n_c = jnp.sum(xcs * xcs, axis=0, keepdims=True)
            apieces += [-2.0 * xs, n_r, onesL, zerosL]
            bpieces += [xcs, onesR, n_c, zerosR]
        arow_ref[:, :] = jnp.concatenate(apieces, axis=1).astype(jnp.bfloat16)
        acol_ref[:, :] = jnp.concatenate(bpieces, axis=0).astype(jnp.bfloat16)

    @pl.when(j >= i)
    def _pairs():
        def dist2(d):
            a = arow_ref[pl.ds(iS, _B), 8 * d:8 * d + 8]
            b = acol_ref[8 * d:8 * d + 8, pl.ds(jS, _B)]
            g = jax.lax.dot_general(a, b, (((1,), (0,)), ((), ())),
                                    preferred_element_type=jnp.float32)
            return jnp.maximum(g, 0.0)

        gt_d = jnp.sqrt(dist2(D))

        na_i = naat_ref[pl.ds(iS, _B), :]
        cutoff = jnp.where(na_i > 0.5, 30.0, 15.0)
        keep = (gt_d > 0.0) & (gt_d < cutoff)
        tok_i = tokr_ref[pl.ds(iS, _B), :]
        tok_j = tokc_ref[0:1, pl.ds(jS, _B)]
        keep = keep & (tok_i != tok_j)
        rows = iS + jax.lax.broadcasted_iota(jnp.int32, (_B, 1), 0)
        cols = jS + jax.lax.broadcasted_iota(jnp.int32, (1, _B), 1)
        keep = keep & (cols > rows)
        mrow = crdT_ref[pl.ds(iS, _B), 0:1]
        mcol = crd0c_ref[0:1, pl.ds(jS, _B)]
        pm = jnp.where(keep, mrow * mcol, 0.0)
        acc_ref[4] = acc_ref[4] + jnp.sum(pm)

        c1 = 0.6065306597126334
        c2 = 0.36787944117144233
        c3 = 0.1353352832366127
        c4 = 0.01831563888873418
        s_total = jnp.zeros((_B, _B), jnp.float32)
        for d in range(D):
            pred = jnp.sqrt(dist2(d))
            dd = jnp.minimum(jnp.abs(pred - gt_d + _EPS), _DD_MAX)
            e = jnp.exp(dd)
            sa = 1.0 + c1 * e
            sb = 1.0 + c2 * e
            sc = 1.0 + c3 * e
            sd = 1.0 + c4 * e
            p1 = sa * sb
            p2 = sc * sd
            s_total = s_total + ((sa + sb) * p2 + (sc + sd) * p1) / (p1 * p2)
        acc_ref[0] = acc_ref[0] + jnp.sum(s_total * pm)

    @pl.when((i == ni - 1) & (j == nj - 1))
    def _epilogue():
        den = acc_ref[4]
        total = D - 0.25 * acc_ref[0] / (den + _EPS)
        p = parts_ref[:, :]
        csum = jnp.sum(p[:, 4 * 16:5 * 16])
        sig2 = _SIGMA_DATA * _SIGMA_DATA
        for d in range(D):
            l_mse = (jnp.sum(p[:, 16 * d:16 * d + 16]) / 3.0) / (csum + 0.0001)
            td = t_ref[d]
            lam = (td * td + sig2) / (td * td * sig2)
            total = total + jnp.minimum(lam * l_mse, 2.0)
        out_ref[:, :] = jnp.broadcast_to(_WEIGHT * (total / D), (1, 1))



_NW = 16
_CHUNK = 2048 // _NW
_VL = 16


def _mse_sc_body(x_hbm, crd_hbm, tok_hbm, tabs_hbm, out_hbm,
                 xbuf, crdbuf, idxbuf, tabsbuf, wtab, accbuf,
                 sem0, sem1, sem2, sem3):
    wid = lax.axis_index("s")
    cp0 = pltpu.async_copy(tabs_hbm, tabsbuf, sem0)
    cp1 = pltpu.async_copy(x_hbm.at[wid], xbuf, sem1)
    cp2 = pltpu.async_copy(crd_hbm.at[wid], crdbuf, sem2)
    cp3 = pltpu.async_copy(tok_hbm.at[wid], idxbuf, sem3)
    cp0.wait()
    for v in range(256 // _VL):
        sl = pl.ds(v * _VL, _VL)
        wtab[sl] = (1.0 + _ALPHA_DNA * tabsbuf[0, sl]
                    + _ALPHA_RNA * tabsbuf[1, sl]
                    + _ALPHA_LIGAND * tabsbuf[2, sl])
    cp1.wait()
    cp2.wait()
    cp3.wait()
    accs = [jnp.zeros((_VL,), jnp.float32) for _ in range(5)]
    for v in range(_CHUNK // _VL):
        sl = pl.ds(v * _VL, _VL)
        idx16 = idxbuf[sl]
        w16 = plsc.load_gather(wtab, [idx16])
        xg = []
        for k in range(3):
            g = xbuf[12 + k, sl]
            xg.append(jnp.where(g != g, 0.0, g))
        for d in range(4):
            sq = jnp.zeros((_VL,), jnp.float32)
            for k in range(3):
                dk = xbuf[3 * d + k, sl] - xg[k]
                sq = sq + dk * dk
            accs[d] = accs[d] + w16 * crdbuf[d, sl] * sq
        accs[4] = accs[4] + crdbuf[0, sl]
    for d in range(5):
        accbuf[pl.ds(d * _VL, _VL)] = accs[d]
    pltpu.sync_copy(accbuf, out_hbm.at[wid])


def _mse_partials(X_L, X_gt_L, crd_mask_L, dna, rna, lig, tok):
    D, L, _ = X_L.shape
    xz = jnp.concatenate(
        [jnp.transpose(X_L, (0, 2, 1)).reshape(D * 3, L),
         jnp.transpose(X_gt_L[0], (1, 0))], axis=0)
    xw = jnp.transpose(xz.reshape(15, _NW, _CHUNK), (1, 0, 2))
    crdw = jnp.transpose(crd_mask_L.reshape(D, _NW, _CHUNK), (1, 0, 2))
    tokw = tok.reshape(_NW, _CHUNK)

    mesh = plsc.VectorSubcoreMesh(core_axis_name="c", subcore_axis_name="s",
                                  num_cores=1)
    run = functools.partial(
        pl.kernel, mesh=mesh,
        compiler_params=pltpu.CompilerParams(needs_layout_passes=False),
        out_type=jax.ShapeDtypeStruct((_NW, 5 * _VL), jnp.float32),
        scratch_types=[
            pltpu.VMEM((15, _CHUNK), jnp.float32),
            pltpu.VMEM((4, _CHUNK), jnp.float32),
            pltpu.VMEM((_CHUNK,), jnp.int32),
            pltpu.VMEM((3, 256), jnp.float32),
            pltpu.VMEM((256,), jnp.float32),
            pltpu.VMEM((5 * _VL,), jnp.float32),
            pltpu.SemaphoreType.DMA,
            pltpu.SemaphoreType.DMA,
            pltpu.SemaphoreType.DMA,
            pltpu.SemaphoreType.DMA,
        ],
    )
    tabs = jnp.stack([dna, rna, lig], axis=0)
    return run(_mse_sc_body)(xw, crdw, tokw, tabs)


@jax.jit
def kernel(X_L, X_gt_L, crd_mask_L, is_dna, is_rna, is_ligand,
           atom_to_token_map, t):
    D, L, _ = X_L.shape
    T = is_dna.shape[0]
    n = L // _B

    xr = jnp.transpose(X_L, (1, 0, 2)).reshape(L, D * 3)
    xc = jnp.transpose(X_L, (0, 2, 1)).reshape(D * 3, L)
    xgr = X_gt_L[0]
    xgc = jnp.transpose(X_gt_L[0], (1, 0))
    crdT = jnp.transpose(crd_mask_L, (1, 0))
    crd0c = crd_mask_L[0:1, :]
    tok = atom_to_token_map.astype(jnp.int32)
    tokr = tok.reshape(L, 1)
    tokc = tok.reshape(1, L)
    dna = is_dna.astype(jnp.float32)
    rna = is_rna.astype(jnp.float32)
    lig = is_ligand.astype(jnp.float32)
    tf = t.astype(jnp.float32)

    parts = _mse_partials(X_L, X_gt_L, crd_mask_L, dna, rna, lig, tok)

    full = lambda shape: pl.BlockSpec(shape, lambda i, j: (0,) * len(shape))
    out = pl.pallas_call(
        _loss_body,
        grid=(n, n),
        in_specs=[
            full((L, D * 3)),
            full((D * 3, L)),
            full((L, 3)),
            full((3, L)),
            full((L, D)),
            full((1, L)),
            full((L, 1)),
            full((1, L)),
            full((1, T)),
            full((1, T)),
            full((1, T)),
            full((_NW, 5 * _VL)),
            pl.BlockSpec(memory_space=pltpu.SMEM),
        ],
        out_specs=pl.BlockSpec((1, 1), lambda i, j: (0, 0)),
        out_shape=jax.ShapeDtypeStruct((1, 1), jnp.float32),
        scratch_shapes=[
            pltpu.SMEM((16,), jnp.float32),
            pltpu.VMEM((L, 1), jnp.float32),
            pltpu.VMEM((L, 8 * (D + 1)), jnp.bfloat16),
            pltpu.VMEM((8 * (D + 1), L), jnp.bfloat16),
        ],
    )(xr, xc, xgr, xgc, crdT, crd0c, tokr, tokc,
      dna.reshape(1, T), rna.reshape(1, T), lig.reshape(1, T), parts, tf)
    return out[0, 0]

# --- scband reference (transcript-rebuilt; emitter-appended) ---
"""Pipeline reference for scband-diffusion-loss-2370821947571 (READ-ONLY COPY).

The authoritative reference and input builder live on the scoring server;
editing this copy changes nothing except your own understanding.
"""

import jax, jax.numpy as jnp
import numpy as np

WEIGHT = 4.0
SIGMA_DATA = 16.0
ALPHA_DNA = 5.0
ALPHA_RNA = 5.0
ALPHA_LIGAND = 10.0
EPS = 1e-06


def setup_inputs(seed: int = 0) -> dict:
    key = jax.random.key(seed)
    D, L, T = 4, 2048, 256
    ks = jax.random.split(key, 8)
    X_L = jax.random.normal(ks[0], (D, L, 3), dtype=jnp.float32)
    X_gt_L = jax.random.normal(ks[1], (D, L, 3), dtype=jnp.float32)
    crd_mask_L = jnp.ones((D, L), dtype=jnp.float32)
    is_dna = jax.random.randint(ks[2], (T,), 0, 2).astype(bool)
    is_rna = jax.random.randint(ks[3], (T,), 0, 2).astype(bool)
    is_ligand = jax.random.randint(ks[4], (T,), 0, 2).astype(bool)
    atom_to_token_map = jnp.sort(jax.random.randint(ks[5], (L,), 0, T))
    t = jax.random.uniform(ks[6], (D,), minval=0.1, maxval=2.0, dtype=jnp.float32)
    return {
        'X_L': X_L,
        'X_gt_L': X_gt_L,
        'crd_mask_L': crd_mask_L,
        'is_dna': is_dna,
        'is_rna': is_rna,
        'is_ligand': is_ligand,
        'atom_to_token_map': atom_to_token_map,
        't': t,
    }


def reference(X_L, X_gt_L, crd_mask_L, is_dna, is_rna, is_ligand, atom_to_token_map, t):
    tok_idx = atom_to_token_map
    D, L = X_L.shape[:2]
    # weighted MSE term
    w = 1.0 + (is_dna.astype(jnp.float32) * ALPHA_DNA
               + is_rna.astype(jnp.float32) * ALPHA_RNA
               + is_ligand.astype(jnp.float32) * ALPHA_LIGAND)
    w_L = jnp.broadcast_to(w[tok_idx][None, :], (D, L)) * crd_mask_L
    X_gt_aligned = jnp.nan_to_num(X_gt_L)
    l_mse = (1.0 / 3.0) * jnp.sum(w_L * jnp.sum((X_L - X_gt_aligned) ** 2, axis=-1), axis=-1) / (jnp.sum(crd_mask_L[0]) + 0.0001)
    # edm lambda
    lam = (t ** 2 + SIGMA_DATA ** 2) / ((t * SIGMA_DATA) ** 2)
    l_diffusion = jnp.minimum(lam * l_mse, 2.0)
    total = jnp.mean(l_diffusion)
    # smoothed lddt loss
    fi, si = jnp.triu_indices(L, k=1)
    Xg = jnp.nan_to_num(X_gt_L)
    gt_d = jnp.linalg.norm(Xg[0:1, fi] - Xg[0:1, si], axis=-1)  # [1, P]
    is_na = is_dna[tok_idx][fi] | is_rna[tok_idx][fi]
    pm = ((gt_d > 0) & (gt_d < jnp.where(is_na, 30.0, 15.0))).astype(jnp.float32)
    pm = pm * crd_mask_L[0:1, fi] * crd_mask_L[0:1, si]
    pm = pm * (tok_idx[fi] != tok_idx[si]).astype(jnp.float32)
    pred_d = jnp.linalg.norm(X_L[:, fi] - X_L[:, si], axis=-1)  # [D, P]
    dd = jnp.abs(pred_d - gt_d + EPS)
    num = (jnp.sum(jax.nn.sigmoid(0.5 - dd) * pm, axis=1)
           + jnp.sum(jax.nn.sigmoid(1.0 - dd) * pm, axis=1)
           + jnp.sum(jax.nn.sigmoid(2.0 - dd) * pm, axis=1)
           + jnp.sum(jax.nn.sigmoid(4.0 - dd) * pm, axis=1))
    lddt = 0.25 * num / (jnp.sum(pm, axis=1) + EPS)
    lddt_loss = 1.0 - lddt  # [D]
    total = total + jnp.mean(lddt_loss)
    return WEIGHT * total

if __name__ == "__main__":
    import jax
    _d = setup_inputs()
    print(jax.jit(kernel)(*tuple(_d.values())))

</pallas_src>

<mosaic_0001>
#map = affine_map<(d0, d1) -> (0, 0, 0)>
#map1 = affine_map<(d0, d1) -> (0, 0)>
module attributes {stable_mosaic.version = 14 : i64} {
  func.func @_mse_sc_body(%arg0: i32, %arg1: i32, %arg2: memref<16x15x128xf32, #tpu.memory_space<hbm>>, %arg3: memref<16x4x128xf32, #tpu.memory_space<hbm>>, %arg4: memref<16x128xi32, #tpu.memory_space<hbm>>, %arg5: memref<3x256xf32, #tpu.memory_space<hbm>>, %arg6: memref<16x80xf32, #tpu.memory_space<hbm>>, %arg7: memref<15x128xf32, #tpu.memory_space<vmem>>, %arg8: memref<4x128xf32, #tpu.memory_space<vmem>>, %arg9: memref<128xi32, #tpu.memory_space<vmem>>, %arg10: memref<3x256xf32, #tpu.memory_space<vmem>>, %arg11: memref<256xf32, #tpu.memory_space<vmem>>, %arg12: memref<80xf32, #tpu.memory_space<vmem>>, %arg13: memref<!tpu.dma_semaphore, #tpu.memory_space<semaphore_mem>>, %arg14: memref<!tpu.dma_semaphore, #tpu.memory_space<semaphore_mem>>, %arg15: memref<!tpu.dma_semaphore, #tpu.memory_space<semaphore_mem>>, %arg16: memref<!tpu.dma_semaphore, #tpu.memory_space<semaphore_mem>>) attributes {dimension_semantics = [#tpu.dimension_semantics<core_parallel>, #tpu.dimension_semantics<subcore_parallel>], iteration_bounds = array<i64: 1, 16>, scalar_prefetch = 0 : i64, scratch_operands = 10 : i64, tpu.core_type = #tpu.core_type<sc_vector_subcore>, window_params = [{transform_indices = #map}, {transform_indices = #map}, {transform_indices = #map1}, {transform_indices = #map1}, {transform_indices = #map1}]} {
    tpu.enqueue_dma source(%arg5 : memref<3x256xf32, #tpu.memory_space<hbm>>) target(%arg10 : memref<3x256xf32, #tpu.memory_space<vmem>>) target_semaphore(%arg13 : memref<!tpu.dma_semaphore, #tpu.memory_space<semaphore_mem>>)
    %dma_start3A = arith.constant 0 : i32
    %dma_start3A_0 = arith.constant 0 : i32
    %dma_start3A_1 = tpu.memref_slice %arg2[%arg1, %dma_start3A, %dma_start3A_0] : memref<16x15x128xf32, #tpu.memory_space<hbm>> -> memref<1x15x128xf32, #tpu.memory_space<hbm>>
    %dma_start3A_2 = tpu.memref_squeeze %dma_start3A_1 : memref<1x15x128xf32, #tpu.memory_space<hbm>> -> memref<15x128xf32, #tpu.memory_space<hbm>>
    %dma_start3A_3 = arith.constant 0 : i32
    %dma_start3A_4 = arith.constant 0 : i32
    %dma_start3A_5 = tpu.memref_slice %arg2[%arg1, %dma_start3A_3, %dma_start3A_4] : memref<16x15x128xf32, #tpu.memory_space<hbm>> -> memref<1x15x128xf32, #tpu.memory_space<hbm>>
    %dma_start3A_6 = tpu.memref_squeeze %dma_start3A_5 : memref<1x15x128xf32, #tpu.memory_space<hbm>> -> memref<15x128xf32, #tpu.memory_space<hbm>>
    tpu.enqueue_dma source(%dma_start3A_6 : memref<15x128xf32, #tpu.memory_space<hbm>>) target(%arg7 : memref<15x128xf32, #tpu.memory_space<vmem>>) target_semaphore(%arg14 : memref<!tpu.dma_semaphore, #tpu.memory_space<semaphore_mem>>)
    %dma_start3A_7 = arith.constant 0 : i32
    %dma_start3A_8 = arith.constant 0 : i32
    %dma_start3A_9 = tpu.memref_slice %arg3[%arg1, %dma_start3A_7, %dma_start3A_8] : memref<16x4x128xf32, #tpu.memory_space<hbm>> -> memref<1x4x128xf32, #tpu.memory_space<hbm>>
    %dma_start3A_10 = tpu.memref_squeeze %dma_start3A_9 : memref<1x4x128xf32, #tpu.memory_space<hbm>> -> memref<4x128xf32, #tpu.memory_space<hbm>>
    %dma_start3A_11 = arith.constant 0 : i32
    %dma_start3A_12 = arith.constant 0 : i32
    %dma_start3A_13 = tpu.memref_slice %arg3[%arg1, %dma_start3A_11, %dma_start3A_12] : memref<16x4x128xf32, #tpu.memory_space<hbm>> -> memref<1x4x128xf32, #tpu.memory_space<hbm>>
    %dma_start3A_14 = tpu.memref_squeeze %dma_start3A_13 : memref<1x4x128xf32, #tpu.memory_space<hbm>> -> memref<4x128xf32, #tpu.memory_space<hbm>>
    tpu.enqueue_dma source(%dma_start3A_14 : memref<4x128xf32, #tpu.memory_space<hbm>>) target(%arg8 : memref<4x128xf32, #tpu.memory_space<vmem>>) target_semaphore(%arg15 : memref<!tpu.dma_semaphore, #tpu.memory_space<semaphore_mem>>)
    %dma_start3A_15 = arith.constant 0 : i32
    %dma_start3A_16 = tpu.memref_slice %arg4[%arg1, %dma_start3A_15] : memref<16x128xi32, #tpu.memory_space<hbm>> -> memref<1x128xi32, #tpu.memory_space<hbm>>
    %dma_start3A_17 = tpu.memref_squeeze %dma_start3A_16 : memref<1x128xi32, #tpu.memory_space<hbm>> -> memref<128xi32, #tpu.memory_space<hbm>>
    %dma_start3A_18 = arith.constant 0 : i32
    %dma_start3A_19 = tpu.memref_slice %arg4[%arg1, %dma_start3A_18] : memref<16x128xi32, #tpu.memory_space<hbm>> -> memref<1x128xi32, #tpu.memory_space<hbm>>
    %dma_start3A_20 = tpu.memref_squeeze %dma_start3A_19 : memref<1x128xi32, #tpu.memory_space<hbm>> -> memref<128xi32, #tpu.memory_space<hbm>>
    tpu.enqueue_dma source(%dma_start3A_20 : memref<128xi32, #tpu.memory_space<hbm>>) target(%arg9 : memref<128xi32, #tpu.memory_space<vmem>>) target_semaphore(%arg16 : memref<!tpu.dma_semaphore, #tpu.memory_space<semaphore_mem>>)
    tpu.wait_dma2 semaphore(%arg13 : memref<!tpu.dma_semaphore, #tpu.memory_space<semaphore_mem>>) src(%arg5 : memref<3x256xf32, #tpu.memory_space<hbm>>) dst(%arg10 : memref<3x256xf32, #tpu.memory_space<vmem>>)
    %get3A = arith.constant 0 : i32
    %get3A_21 = arith.index_cast %get3A : i32 to index
    %get3A_22 = arith.constant 0 : index
    %get3A_23 = tpu.vector_load %arg10[%get3A_21, %get3A_22] {strides = array<i32>} : memref<3x256xf32, #tpu.memory_space<vmem>>, vector<16xf32>,
    %mul3A = arith.constant 5.000000e+00 : f32
    %mul3A_24 = vector.broadcast %mul3A : f32 to vector<16xf32>
    %mul3A_25 = arith.mulf %mul3A_24, %get3A_23 : vector<16xf32>
    %add3A = arith.constant 1.000000e+00 : f32
    %add3A_26 = vector.broadcast %add3A : f32 to vector<16xf32>
    %add3A_27 = arith.addf %add3A_26, %mul3A_25 : vector<16xf32>
    %get3A_28 = arith.constant 1 : i32
    %get3A_29 = arith.index_cast %get3A_28 : i32 to index
    %get3A_30 = arith.constant 0 : index
    %get3A_31 = tpu.vector_load %arg10[%get3A_29, %get3A_30] {strides = array<i32>} : memref<3x256xf32, #tpu.memory_space<vmem>>, vector<16xf32>,
    %mul3A_32 = arith.constant 5.000000e+00 : f32
    %mul3A_33 = vector.broadcast %mul3A_32 : f32 to vector<16xf32>
    %mul3A_34 = arith.mulf %mul3A_33, %get3A_31 : vector<16xf32>
    %add3A_35 = arith.addf %add3A_27, %mul3A_34 : vector<16xf32>
    %get3A_36 = arith.constant 2 : i32
    %get3A_37 = arith.index_cast %get3A_36 : i32 to index
    %get3A_38 = arith.constant 0 : index
    %get3A_39 = tpu.vector_load %arg10[%get3A_37, %get3A_38] {strides = array<i32>} : memref<3x256xf32, #tpu.memory_space<vmem>>, vector<16xf32>,
    %mul3A_40 = arith.constant 1.000000e+01 : f32
    %mul3A_41 = vector.broadcast %mul3A_40 : f32 to vector<16xf32>
    %mul3A_42 = arith.mulf %mul3A_41, %get3A_39 : vector<16xf32>
    %add3A_43 = arith.addf %add3A_35, %mul3A_42 : vector<16xf32>
    %swap3A = arith.constant 0 : index
    %swap3A_44 = tpu.vector_load %arg11[%swap3A] {strides = array<i32>} : memref<256xf32, #tpu.memory_space<vmem>>, vector<16xf32>,
    tpu.vector_store %arg11[%swap3A], %add3A_43 {strides = array<i32>} : memref<256xf32, #tpu.memory_space<vmem>>, vector<16xf32>,
    %get3A_45 = arith.constant 0 : i32
    %get3A_46 = arith.index_cast %get3A_45 : i32 to index
    %get3A_47 = arith.constant 16 : index
    %get3A_48 = tpu.vector_load %arg10[%get3A_46, %get3A_47] {strides = array<i32>} : memref<3x256xf32, #tpu.memory_space<vmem>>, vector<16xf32>,
    %mul3A_49 = arith.constant 5.000000e+00 : f32
    %mul3A_50 = vector.broadcast %mul3A_49 : f32 to vector<16xf32>
    %mul3A_51 = arith.mulf %mul3A_50, %get3A_48 : vector<16xf32>
    %add3A_52 = arith.constant 1.000000e+00 : f32
    %add3A_53 = vector.broadcast %add3A_52 : f32 to vector<16xf32>
    %add3A_54 = arith.addf %add3A_53, %mul3A_51 : vector<16xf32>
    %get3A_55 = arith.constant 1 : i32
    %get3A_56 = arith.index_cast %get3A_55 : i32 to index
    %get3A_57 = arith.constant 16 : index
    %get3A_58 = tpu.vector_load %arg10[%get3A_56, %get3A_57] {strides = array<i32>} : memref<3x256xf32, #tpu.memory_space<vmem>>, vector<16xf32>,
    %mul3A_59 = arith.constant 5.000000e+00 : f32
    %mul3A_60 = vector.broadcast %mul3A_59 : f32 to vector<16xf32>
    %mul3A_61 = arith.mulf %mul3A_60, %get3A_58 : vector<16xf32>
    %add3A_62 = arith.addf %add3A_54, %mul3A_61 : vector<16xf32>
    %get3A_63 = arith.constant 2 : i32
    %get3A_64 = arith.index_cast %get3A_63 : i32 to index
    %get3A_65 = arith.constant 16 : index
    %get3A_66 = tpu.vector_load %arg10[%get3A_64, %get3A_65] {strides = array<i32>} : memref<3x256xf32, #tpu.memory_space<vmem>>, vector<16xf32>,
    %mul3A_67 = arith.constant 1.000000e+01 : f32
    %mul3A_68 = vector.broadcast %mul3A_67 : f32 to vector<16xf32>
    %mul3A_69 = arith.mulf %mul3A_68, %get3A_66 : vector<16xf32>
    %add3A_70 = arith.addf %add3A_62, %mul3A_69 : vector<16xf32>
    %swap3A_71 = arith.constant 16 : index
    %swap3A_72 = tpu.vector_load %arg11[%swap3A_71] {strides = array<i32>} : memref<256xf32, #tpu.memory_space<vmem>>, vector<16xf32>,
    tpu.vector_store %arg11[%swap3A_71], %add3A_70 {strides = array<i32>} : memref<256xf32, #tpu.memory_space<vmem>>, vector<16xf32>,
    %get3A_73 = arith.constant 0 : i32
    %get3A_74 = arith.index_cast %get3A_73 : i32 to index
    %get3A_75 = arith.constant 32 : index
    %get3A_76 = tpu.vector_load %arg10[%get3A_74, %get3A_75] {strides = array<i32>} : memref<3x256xf32, #tpu.memory_space<vmem>>, vector<16xf32>,
    %mul3A_77 = arith.constant 5.000000e+00 : f32
    %mul3A_78 = vector.broadcast %mul3A_77 : f32 to vector<16xf32>
    %mul3A_79 = arith.mulf %mul3A_78, %get3A_76 : vector<16xf32>
    %add3A_80 = arith.constant 1.000000e+00 : f32
    %add3A_81 = vector.broadcast %add3A_80 : f32 to vector<16xf32>
    %add3A_82 = arith.addf %add3A_81, %mul3A_79 : vector<16xf32>
    %get3A_83 = arith.constant 1 : i32
    %get3A_84 = arith.index_cast %get3A_83 : i32 to index
    %get3A_85 = arith.constant 32 : index
    %get3A_86 = tpu.vector_load %arg10[%get3A_84, %get3A_85] {strides = array<i32>} : memref<3x256xf32, #tpu.memory_space<vmem>>, vector<16xf32>,
    %mul3A_87 = arith.constant 5.000000e+00 : f32
    %mul3A_88 = vector.broadcast %mul3A_87 : f32 to vector<16xf32>
    %mul3A_89 = arith.mulf %mul3A_88, %get3A_86 : vector<16xf32>
    %add3A_90 = arith.addf %add3A_82, %mul3A_89 : vector<16xf32>
    %get3A_91 = arith.constant 2 : i32
    %get3A_92 = arith.index_cast %get3A_91 : i32 to index
    %get3A_93 = arith.constant 32 : index
    %get3A_94 = tpu.vector_load %arg10[%get3A_92, %get3A_93] {strides = array<i32>} : memref<3x256xf32, #tpu.memory_space<vmem>>, vector<16xf32>,
    %mul3A_95 = arith.constant 1.000000e+01 : f32
    %mul3A_96 = vector.broadcast %mul3A_95 : f32 to vector<16xf32>
    %mul3A_97 = arith.mulf %mul3A_96, %get3A_94 : vector<16xf32>
    %add3A_98 = arith.addf %add3A_90, %mul3A_97 : vector<16xf32>
    %swap3A_99 = arith.constant 32 : index
    %swap3A_100 = tpu.vector_load %arg11[%swap3A_99] {strides = array<i32>} : memref<256xf32, #tpu.memory_space<vmem>>, vector<16xf32>,
    tpu.vector_store %arg11[%swap3A_99], %add3A_98 {strides = array<i32>} : memref<256xf32, #tpu.memory_space<vmem>>, vector<16xf32>,
    %get3A_101 = arith.constant 0 : i32
    %get3A_102 = arith.index_cast %get3A_101 : i32 to index
    %get3A_103 = arith.constant 48 : index
    %get3A_104 = tpu.vector_load %arg10[%get3A_102, %get3A_103] {strides = array<i32>} : memref<3x256xf32, #tpu.memory_space<vmem>>, vector<16xf32>,
    %mul3A_105 = arith.constant 5.000000e+00 : f32
    %mul3A_106 = vector.broadcast %mul3A_105 : f32 to vector<16xf32>
    %mul3A_107 = arith.mulf %mul3A_106, %get3A_104 : vector<16xf32>
    %add3A_108 = arith.constant 1.000000e+00 : f32
    %add3A_109 = vector.broadcast %add3A_108 : f32 to vector<16xf32>
    %add3A_110 = arith.addf %add3A_109, %mul3A_107 : vector<16xf32>
    %get3A_111 = arith.constant 1 : i32
    %get3A_112 = arith.index_cast %get3A_111 : i32 to index
    %get3A_113 = arith.constant 48 : index
    %get3A_114 = tpu.vector_load %arg10[%get3A_112, %get3A_113] {strides = array<i32>} : memref<3x256xf32, #tpu.memory_space<vmem>>, vector<16xf32>,
    %mul3A_115 = arith.constant 5.000000e+00 : f32
    %mul3A_116 = vector.broadcast %mul3A_115 : f32 to vector<16xf32>
    %mul3A_117 = arith.mulf %mul3A_116, %get3A_114 : vector<16xf32>
    %add3A_118 = arith.addf %add3A_110, %mul3A_117 : vector<16xf32>
    %get3A_119 = arith.constant 2 : i32
    %get3A_120 = arith.index_cast %get3A_119 : i32 to index
    %get3A_121 = arith.constant 48 : index
    %get3A_122 = tpu.vector_load %arg10[%get3A_120, %get3A_121] {strides = array<i32>} : memref<3x256xf32, #tpu.memory_space<vmem>>, vector<16xf32>,
    %mul3A_123 = arith.constant 1.000000e+01 : f32
    %mul3A_124 = vector.broadcast %mul3A_123 : f32 to vector<16xf32>
    %mul3A_125 = arith.mulf %mul3A_124, %get3A_122 : vector<16xf32>
    %add3A_126 = arith.addf %add3A_118, %mul3A_125 : vector<16xf32>
    %swap3A_127 = arith.constant 48 : index
    %swap3A_128 = tpu.vector_load %arg11[%swap3A_127] {strides = array<i32>} : memref<256xf32, #tpu.memory_space<vmem>>, vector<16xf32>,
    tpu.vector_store %arg11[%swap3A_127], %add3A_126 {strides = array<i32>} : memref<256xf32, #tpu.memory_space<vmem>>, vector<16xf32>,
    %get3A_129 = arith.constant 0 : i32
    %get3A_130 = arith.index_cast %get3A_129 : i32 to index
    %get3A_131 = arith.constant 64 : index
    %get3A_132 = tpu.vector_load %arg10[%get3A_130, %get3A_131] {strides = array<i32>} : memref<3x256xf32, #tpu.memory_space<vmem>>, vector<16xf32>,
    %mul3A_133 = arith.constant 5.000000e+00 : f32
    %mul3A_134 = vector.broadcast %mul3A_133 : f32 to vector<16xf32>
    %mul3A_135 = arith.mulf %mul3A_134, %get3A_132 : vector<16xf32>
    %add3A_136 = arith.constant 1.000000e+00 : f32
    %add3A_137 = vector.broadcast %add3A_136 : f32 to vector<16xf32>
    %add3A_138 = arith.addf %add3A_137, %mul3A_135 : vector<16xf32>
    %get3A_139 = arith.constant 1 : i32
    %get3A_140 = arith.index_cast %get3A_139 : i32 to index
    %get3A_141 = arith.constant 64 : index
    %get3A_142 = tpu.vector_load %arg10[%get3A_140, %get3A_141] {strides = array<i32>} : memref<3x256xf32, #tpu.memory_space<vmem>>, vector<16xf32>,
    %mul3A_143 = arith.constant 5.000000e+00 : f32
    %mul3A_144 = vector.broadcast %mul3A_143 : f32 to vector<16xf32>
    %mul3A_145 = arith.mulf %mul3A_144, %get3A_142 : vector<16xf32>
    %add3A_146 = arith.addf %add3A_138, %mul3A_145 : vector<16xf32>
    %get3A_147 = arith.constant 2 : i32
    %get3A_148 = arith.index_cast %get3A_147 : i32 to index
    %get3A_149 = arith.constant 64 : index
    %get3A_150 = tpu.vector_load %arg10[%get3A_148, %get3A_149] {strides = array<i32>} : memref<3x256xf32, #tpu.memory_space<vmem>>, vector<16xf32>,
    %mul3A_151 = arith.constant 1.000000e+01 : f32
    %mul3A_152 = vector.broadcast %mul3A_151 : f32 to vector<16xf32>
    %mul3A_153 = arith.mulf %mul3A_152, %get3A_150 : vector<16xf32>
    %add3A_154 = arith.addf %add3A_146, %mul3A_153 : vector<16xf32>
    %swap3A_155 = arith.constant 64 : index
    %swap3A_156 = tpu.vector_load %arg11[%swap3A_155] {strides = array<i32>} : memref<256xf32, #tpu.memory_space<vmem>>, vector<16xf32>,
    tpu.vector_store %arg11[%swap3A_155], %add3A_154 {strides = array<i32>} : memref<256xf32, #tpu.memory_space<vmem>>, vector<16xf32>,
    %get3A_157 = arith.constant 0 : i32
    %get3A_158 = arith.index_cast %get3A_157 : i32 to index
    %get3A_159 = arith.constant 80 : index
    %get3A_160 = tpu.vector_load %arg10[%get3A_158, %get3A_159] {strides = array<i32>} : memref<3x256xf32, #tpu.memory_space<vmem>>, vector<16xf32>,
    %mul3A_161 = arith.constant 5.000000e+00 : f32
    %mul3A_162 = vector.broadcast %mul3A_161 : f32 to vector<16xf32>
    %mul3A_163 = arith.mulf %mul3A_162, %get3A_160 : vector<16xf32>
    %add3A_164 = arith.constant 1.000000e+00 : f32
    %add3A_165 = vector.broadcast %add3A_164 : f32 to vector<16xf32>
    %add3A_166 = arith.addf %add3A_165, %mul3A_163 : vector<16xf32>
    %get3A_167 = arith.constant 1 : i32
    %get3A_168 = arith.index_cast %get3A_167 : i32 to index
    %get3A_169 = arith.constant 80 : index
    %get3A_170 = tpu.vector_load %arg10[%get3A_168, %get3A_169] {strides = array<i32>} : memref<3x256xf32, #tpu.memory_space<vmem>>, vector<16xf32>,
    %mul3A_171 = arith.constant 5.000000e+00 : f32
    %mul3A_172 = vector.broadcast %mul3A_171 : f32 to vector<16xf32>
    %mul3A_173 = arith.mulf %mul3A_172, %get3A_170 : vector<16xf32>
    %add3A_174 = arith.addf %add3A_166, %mul3A_173 : vector<16xf32>
    %get3A_175 = arith.constant 2 : i32
    %get3A_176 = arith.index_cast %get3A_175 : i32 to index
    %get3A_177 = arith.constant 80 : index
    %get3A_178 = tpu.vector_load %arg10[%get3A_176, %get3A_177] {strides = array<i32>} : memref<3x256xf32, #tpu.memory_space<vmem>>, vector<16xf32>,
    %mul3A_179 = arith.constant 1.000000e+01 : f32
    %mul3A_180 = vector.broadcast %mul3A_179 : f32 to vector<16xf32>
    %mul3A_181 = arith.mulf %mul3A_180, %get3A_178 : vector<16xf32>
    %add3A_182 = arith.addf %add3A_174, %mul3A_181 : vector<16xf32>
    %swap3A_183 = arith.constant 80 : index
    %swap3A_184 = tpu.vector_load %arg11[%swap3A_183] {strides = array<i32>} : memref<256xf32, #tpu.memory_space<vmem>>, vector<16xf32>,
    tpu.vector_store %arg11[%swap3A_183], %add3A_182 {strides = array<i32>} : memref<256xf32, #tpu.memory_space<vmem>>, vector<16xf32>,
    %get3A_185 = arith.constant 0 : i32
    %get3A_186 = arith.index_cast %get3A_185 : i32 to index
    %get3A_187 = arith.constant 96 : index
    %get3A_188 = tpu.vector_load %arg10[%get3A_186, %get3A_187] {strides = array<i32>} : memref<3x256xf32, #tpu.memory_space<vmem>>, vector<16xf32>,
    %mul3A_189 = arith.constant 5.000000e+00 : f32
    %mul3A_190 = vector.broadcast %mul3A_189 : f32 to vector<16xf32>
    %mul3A_191 = arith.mulf %mul3A_190, %get3A_188 : vector<16xf32>
    %add3A_192 = arith.constant 1.000000e+00 : f32
    %add3A_193 = vector.broadcast %add3A_192 : f32 to vector<16xf32>
    %add3A_194 = arith.addf %add3A_193, %mul3A_191 : vector<16xf32>
    %get3A_195 = arith.constant 1 : i32
    %get3A_196 = arith.index_cast %get3A_195 : i32 to index
    %get3A_197 = arith.constant 96 : index
    %get3A_198 = tpu.vector_load %arg10[%get3A_196, %get3A_197] {strides = array<i32>} : memref<3x256xf32, #tpu.memory_space<vmem>>, vector<16xf32>,
    %mul3A_199 = arith.constant 5.000000e+00 : f32
    %mul3A_200 = vector.broadcast %mul3A_199 : f32 to vector<16xf32>
    %mul3A_201 = arith.mulf %mul3A_200, %get3A_198 : vector<16xf32>
    %add3A_202 = arith.addf %add3A_194, %mul3A_201 : vector<16xf32>
    %get3A_203 = arith.constant 2 : i32
    %get3A_204 = arith.index_cast %get3A_203 : i32 to index
    %get3A_205 = arith.constant 96 : index
    %get3A_206 = tpu.vector_load %arg10[%get3A_204, %get3A_205] {strides = array<i32>} : memref<3x256xf32, #tpu.memory_space<vmem>>, vector<16xf32>,
    %mul3A_207 = arith.constant 1.000000e+01 : f32
    %mul3A_208 = vector.broadcast %mul3A_207 : f32 to vector<16xf32>
    %mul3A_209 = arith.mulf %mul3A_208, %get3A_206 : vector<16xf32>
    %add3A_210 = arith.addf %add3A_202, %mul3A_209 : vector<16xf32>
    %swap3A_211 = arith.constant 96 : index
    %swap3A_212 = tpu.vector_load %arg11[%swap3A_211] {strides = array<i32>} : memref<256xf32, #tpu.memory_space<vmem>>, vector<16xf32>,
    tpu.vector_store %arg11[%swap3A_211], %add3A_210 {strides = array<i32>} : memref<256xf32, #tpu.memory_space<vmem>>, vector<16xf32>,
    %get3A_213 = arith.constant 0 : i32
    %get3A_214 = arith.index_cast %get3A_213 : i32 to index
    %get3A_215 = arith.constant 112 : index
    %get3A_216 = tpu.vector_load %arg10[%get3A_214, %get3A_215] {strides = array<i32>} : memref<3x256xf32, #tpu.memory_space<vmem>>, vector<16xf32>,
    %mul3A_217 = arith.constant 5.000000e+00 : f32
    %mul3A_218 = vector.broadcast %mul3A_217 : f32 to vector<16xf32>
    %mul3A_219 = arith.mulf %mul3A_218, %get3A_216 : vector<16xf32>
    %add3A_220 = arith.constant 1.000000e+00 : f32
    %add3A_221 = vector.broadcast %add3A_220 : f32 to vector<16xf32>
    %add3A_222 = arith.addf %add3A_221, %mul3A_219 : vector<16xf32>
    %get3A_223 = arith.constant 1 : i32
    %get3A_224 = arith.index_cast %get3A_223 : i32 to index
    %get3A_225 = arith.constant 112 : index
    %get3A_226 = tpu.vector_load %arg10[%get3A_224, %get3A_225] {strides = array<i32>} : memref<3x256xf32, #tpu.memory_space<vmem>>, vector<16xf32>,
    %mul3A_227 = arith.constant 5.000000e+00 : f32
    %mul3A_228 = vector.broadcast %mul3A_227 : f32 to vector<16xf32>
    %mul3A_229 = arith.mulf %mul3A_228, %get3A_226 : vector<16xf32>
    %add3A_230 = arith.addf %add3A_222, %mul3A_229 : vector<16xf32>
    %get3A_231 = arith.constant 2 : i32
    %get3A_232 = arith.index_cast %get3A_231 : i32 to index
    %get3A_233 = arith.constant 112 : index
    %get3A_234 = tpu.vector_load %arg10[%get3A_232, %get3A_233] {strides = array<i32>} : memref<3x256xf32, #tpu.memory_space<vmem>>, vector<16xf32>,
    %mul3A_235 = arith.constant 1.000000e+01 : f32
    %mul3A_236 = vector.broadcast %mul3A_235 : f32 to vector<16xf32>
    %mul3A_237 = arith.mulf %mul3A_236, %get3A_234 : vector<16xf32>
    %add3A_238 = arith.addf %add3A_230, %mul3A_237 : vector<16xf32>
    %swap3A_239 = arith.constant 112 : index
    %swap3A_240 = tpu.vector_load %arg11[%swap3A_239] {strides = array<i32>} : memref<256xf32, #tpu.memory_space<vmem>>, vector<16xf32>,
    tpu.vector_store %arg11[%swap3A_239], %add3A_238 {strides = array<i32>} : memref<256xf32, #tpu.memory_space<vmem>>, vector<16xf32>,
    %get3A_241 = arith.constant 0 : i32
    %get3A_242 = arith.index_cast %get3A_241 : i32 to index
    %get3A_243 = arith.constant 128 : index
    %get3A_244 = tpu.vector_load %arg10[%get3A_242, %get3A_243] {strides = array<i32>} : memref<3x256xf32, #tpu.memory_space<vmem>>, vector<16xf32>,
    %mul3A_245 = arith.constant 5.000000e+00 : f32
    %mul3A_246 = vector.broadcast %mul3A_245 : f32 to vector<16xf32>
    %mul3A_247 = arith.mulf %mul3A_246, %get3A_244 : vector<16xf32>
    %add3A_248 = arith.constant 1.000000e+00 : f32
    %add3A_249 = vector.broadcast %add3A_248 : f32 to vector<16xf32>
    %add3A_250 = arith.addf %add3A_249, %mul3A_247 : vector<16xf32>
    %get3A_251 = arith.constant 1 : i32
    %get3A_252 = arith.index_cast %get3A_251 : i32 to index
    %get3A_253 = arith.constant 128 : index
    %get3A_254 = tpu.vector_load %arg10[%get3A_252, %get3A_253] {strides = array<i32>} : memref<3x256xf32, #tpu.memory_space<vmem>>, vector<16xf32>,
    %mul3A_255 = arith.constant 5.000000e+00 : f32
    %mul3A_256 = vector.broadcast %mul3A_255 : f32 to vector<16xf32>
    %mul3A_257 = arith.mulf %mul3A_256, %get3A_254 : vector<16xf32>
    %add3A_258 = arith.addf %add3A_250, %mul3A_257 : vector<16xf32>
    %get3A_259 = arith.constant 2 : i32
    %get3A_260 = arith.index_cast %get3A_259 : i32 to index
    %get3A_261 = arith.constant 128 : index
    %get3A_262 = tpu.vector_load %arg10[%get3A_260, %get3A_261] {strides = array<i32>} : memref<3x256xf32, #tpu.memory_space<vmem>>, vector<16xf32>,
    %mul3A_263 = arith.constant 1.000000e+01 : f32
    %mul3A_264 = vector.broadcast %mul3A_263 : f32 to vector<16xf32>
    %mul3A_265 = arith.mulf %mul3A_264, %get3A_262 : vector<16xf32>
    %add3A_266 = arith.addf %add3A_258, %mul3A_265 : vector<16xf32>
    %swap3A_267 = arith.constant 128 : index
    %swap3A_268 = tpu.vector_load %arg11[%swap3A_267] {strides = array<i32>} : memref<256xf32, #tpu.memory_space<vmem>>, vector<16xf32>,
    tpu.vector_store %arg11[%swap3A_267], %add3A_266 {strides = array<i32>} : memref<256xf32, #tpu.memory_space<vmem>>, vector<16xf32>,
    %get3A_269 = arith.constant 0 : i32
    %get3A_270 = arith.index_cast %get3A_269 : i32 to index
    %get3A_271 = arith.constant 144 : index
    %get3A_272 = tpu.vector_load %arg10[%get3A_270, %get3A_271] {strides = array<i32>} : memref<3x256xf32, #tpu.memory_space<vmem>>, vector<16xf32>,
    %mul3A_273 = arith.constant 5.000000e+00 : f32
    %mul3A_274 = vector.broadcast %mul3A_273 : f32 to vector<16xf32>
    %mul3A_275 = arith.mulf %mul3A_274, %get3A_272 : vector<16xf32>
    %add3A_276 = arith.constant 1.000000e+00 : f32
    %add3A_277 = vector.broadcast %add3A_276 : f32 to vector<16xf32>
    %add3A_278 = arith.addf %add3A_277, %mul3A_275 : vector<16xf32>
    %get3A_279 = arith.constant 1 : i32
    %get3A_280 = arith.index_cast %get3A_279 : i32 to index
    %get3A_281 = arith.constant 144 : index
    %get3A_282 = tpu.vector_load %arg10[%get3A_280, %get3A_281] {strides = array<i32>} : memref<3x256xf32, #tpu.memory_space<vmem>>, vector<16xf32>,
    %mul3A_283 = arith.constant 5.000000e+00 : f32
    %mul3A_284 = vector.broadcast %mul3A_283 : f32 to vector<16xf32>
    %mul3A_285 = arith.mulf %mul3A_284, %get3A_282 : vector<16xf32>
    %add3A_286 = arith.addf %add3A_278, %mul3A_285 : vector<16xf32>
    %get3A_287 = arith.constant 2 : i32
    %get3A_288 = arith.index_cast %get3A_287 : i32 to index
    %get3A_289 = arith.constant 144 : index
    %get3A_290 = tpu.vector_load %arg10[%get3A_288, %get3A_289] {strides = array<i32>} : memref<3x256xf32, #tpu.memory_space<vmem>>, vector<16xf32>,
    %mul3A_291 = arith.constant 1.000000e+01 : f32
    %mul3A_292 = vector.broadcast %mul3A_291 : f32 to vector<16xf32>
    %mul3A_293 = arith.mulf %mul3A_292, %get3A_290 : vector<16xf32>
    %add3A_294 = arith.addf %add3A_286, %mul3A_293 : vector<16xf32>
    %swap3A_295 = arith.constant 144 : index
    %swap3A_296 = tpu.vector_load %arg11[%swap3A_295] {strides = array<i32>} : memref<256xf32, #tpu.memory_space<vmem>>, vector<16xf32>,
    tpu.vector_store %arg11[%swap3A_295], %add3A_294 {strides = array<i32>} : memref<256xf32, #tpu.memory_space<vmem>>, vector<16xf32>,
    %get3A_297 = arith.constant 0 : i32
    %get3A_298 = arith.index_cast %get3A_297 : i32 to index
    %get3A_299 = arith.constant 160 : index
    %get3A_300 = tpu.vector_load %arg10[%get3A_298, %get3A_299] {strides = array<i32>} : memref<3x256xf32, #tpu.memory_space<vmem>>, vector<16xf32>,
    %mul3A_301 = arith.constant 5.000000e+00 : f32
    %mul3A_302 = vector.broadcast %mul3A_301 : f32 to vector<16xf32>
    %mul3A_303 = arith.mulf %mul3A_302, %get3A_300 : vector<16xf32>
    %add3A_304 = arith.constant 1.000000e+00 : f32
    %add3A_305 = vector.broadcast %add3A_304 : f32 to vector<16xf32>
    %add3A_306 = arith.addf %add3A_305, %mul3A_303 : vector<16xf32>
    %get3A_307 = arith.constant 1 : i32
    %get3A_308 = arith.index_cast %get3A_307 : i32 to index
    %get3A_309 = arith.constant 160 : index
    %get3A_310 = tpu.vector_load %arg10[%get3A_308, %get3A_309] {strides = array<i32>} : memref<3x256xf32, #tpu.memory_space<vmem>>, vector<16xf32>,
    %mul3A_311 = arith.constant 5.000000e+00 : f32
    %mul3A_312 = vector.broadcast %mul3A_311 : f32 to vector<16xf32>
    %mul3A_313 = arith.mulf %mul3A_312, %get3A_310 : vector<16xf32>
    %add3A_314 = arith.addf %add3A_306, %mul3A_313 : vector<16xf32>
    %get3A_315 = arith.constant 2 : i32
    %get3A_316 = arith.index_cast %get3A_315 : i32 to index
    %get3A_317 = arith.constant 160 : index
    %get3A_318 = tpu.vector_load %arg10[%get3A_316, %get3A_317] {strides = array<i32>} : memref<3x256xf32, #tpu.memory_space<vmem>>, vector<16xf32>,
    %mul3A_319 = arith.constant 1.000000e+01 : f32
    %mul3A_320 = vector.broadcast %mul3A_319 : f32 to vector<16xf32>
    %mul3A_321 = arith.mulf %mul3A_320, %get3A_318 : vector<16xf32>
    %add3A_322 = arith.addf %add3A_314, %mul3A_321 : vector<16xf32>
    %swap3A_323 = arith.constant 160 : index
    %swap3A_324 = tpu.vector_load %arg11[%swap3A_323] {strides = array<i32>} : memref<256xf32, #tpu.memory_space<vmem>>, vector<16xf32>,
    tpu.vector_store %arg11[%swap3A_323], %add3A_322 {strides = array<i32>} : memref<256xf32, #tpu.memory_space<vmem>>, vector<16xf32>,
    %get3A_325 = arith.constant 0 : i32
    %get3A_326 = arith.index_cast %get3A_325 : i32 to index
    %get3A_327 = arith.constant 176 : index
    %get3A_328 = tpu.vector_load %arg10[%get3A_326, %get3A_327] {strides = array<i32>} : memref<3x256xf32, #tpu.memory_space<vmem>>, vector<16xf32>,
    %mul3A_329 = arith.constant 5.000000e+00 : f32
    %mul3A_330 = vector.broadcast %mul3A_329 : f32 to vector<16xf32>
    %mul3A_331 = arith.mulf %mul3A_330, %get3A_328 : vector<16xf32>
    %add3A_332 = arith.constant 1.000000e+00 : f32
    %add3A_333 = vector.broadcast %add3A_332 : f32 to vector<16xf32>
    %add3A_334 = arith.addf %add3A_333, %mul3A_331 : vector<16xf32>
    %get3A_335 = arith.constant 1 : i32
    %get3A_336 = arith.index_cast %get3A_335 : i32 to index
    %get3A_337 = arith.constant 176 : index
    %get3A_338 = tpu.vector_load %arg10[%get3A_336, %get3A_337] {strides = array<i32>} : memref<3x256xf32, #tpu.memory_space<vmem>>, vector<16xf32>,
    %mul3A_339 = arith.constant 5.000000e+00 : f32
    %mul3A_340 = vector.broadcast %mul3A_339 : f32 to vector<16xf32>
    %mul3A_341 = arith.mulf %mul3A_340, %get3A_338 : vector<16xf32>
    %add3A_342 = arith.addf %add3A_334, %mul3A_341 : vector<16xf32>
    %get3A_343 = arith.constant 2 : i32
    %get3A_344 = arith.index_cast %get3A_343 : i32 to index
    %get3A_345 = arith.constant 176 : index
    %get3A_346 = tpu.vector_load %arg10[%get3A_344, %get3A_345] {strides = array<i32>} : memref<3x256xf32, #tpu.memory_space<vmem>>, vector<16xf32>,
    %mul3A_347 = arith.constant 1.000000e+01 : f32
    %mul3A_348 = vector.broadcast %mul3A_347 : f32 to vector<16xf32>
    %mul3A_349 = arith.mulf %mul3A_348, %get3A_346 : vector<16xf32>
    %add3A_350 = arith.addf %add3A_342, %mul3A_349 : vector<16xf32>
    %swap3A_351 = arith.constant 176 : index
    %swap3A_352 = tpu.vector_load %arg11[%swap3A_351] {strides = array<i32>} : memref<256xf32, #tpu.memory_space<vmem>>, vector<16xf32>,
    tpu.vector_store %arg11[%swap3A_351], %add3A_350 {strides = array<i32>} : memref<256xf32, #tpu.memory_space<vmem>>, vector<16xf32>,
    %get3A_353 = arith.constant 0 : i32
    %get3A_354 = arith.index_cast %get3A_353 : i32 to index
    %get3A_355 = arith.constant 192 : index
    %get3A_356 = tpu.vector_load %arg10[%get3A_354, %get3A_355] {strides = array<i32>} : memref<3x256xf32, #tpu.memory_space<vmem>>, vector<16xf32>,
    %mul3A_357 = arith.constant 5.000000e+00 : f32
    %mul3A_358 = vector.broadcast %mul3A_357 : f32 to vector<16xf32>
    %mul3A_359 = arith.mulf %mul3A_358, %get3A_356 : vector<16xf32>
    %add3A_360 = arith.constant 1.000000e+00 : f32
    %add3A_361 = vector.broadcast %add3A_360 : f32 to vector<16xf32>
    %add3A_362 = arith.addf %add3A_361, %mul3A_359 : vector<16xf32>
    %get3A_363 = arith.constant 1 : i32
    %get3A_364 = arith.index_cast %get3A_363 : i32 to index
    %get3A_365 = arith.constant 192 : index
    %get3A_366 = tpu.vector_load %arg10[%get3A_364, %get3A_365] {strides = array<i32>} : memref<3x256xf32, #tpu.memory_space<vmem>>, vector<16xf32>,
    %mul3A_367 = arith.constant 5.000000e+00 : f32
    %mul3A_368 = vector.broadcast %mul3A_367 : f32 to vector<16xf32>
    %mul3A_369 = arith.mulf %mul3A_368, %get3A_366 : vector<16xf32>
    %add3A_370 = arith.addf %add3A_362, %mul3A_369 : vector<16xf32>
    %get3A_371 = arith.constant 2 : i32
    %get3A_372 = arith.index_cast %get3A_371 : i32 to index
    %get3A_373 = arith.constant 192 : index
    %get3A_374 = tpu.vector_load %arg10[%get3A_372, %get3A_373] {strides = array<i32>} : memref<3x256xf32, #tpu.memory_space<vmem>>, vector<16xf32>,
    %mul3A_375 = arith.constant 1.000000e+01 : f32
    %mul3A_376 = vector.broadcast %mul3A_375 : f32 to vector<16xf32>
    %mul3A_377 = arith.mulf %mul3A_376, %get3A_374 : vector<16xf32>
    %add3A_378 = arith.addf %add3A_370, %mul3A_377 : vector<16xf32>
    %swap3A_379 = arith.constant 192 : index
    %swap3A_380 = tpu.vector_load %arg11[%swap3A_379] {strides = array<i32>} : memref<256xf32, #tpu.memory_space<vmem>>, vector<16xf32>,
    tpu.vector_store %arg11[%swap3A_379], %add3A_378 {strides = array<i32>} : memref<256xf32, #tpu.memory_space<vmem>>, vector<16xf32>,
    %get3A_381 = arith.constant 0 : i32
    %get3A_382 = arith.index_cast %get3A_381 : i32 to index
    %get3A_383 = arith.constant 208 : index
    %get3A_384 = tpu.vector_load %arg10[%get3A_382, %get3A_383] {strides = array<i32>} : memref<3x256xf32, #tpu.memory_space<vmem>>, vector<16xf32>,
    %mul3A_385 = arith.constant 5.000000e+00 : f32
    %mul3A_386 = vector.broadcast %mul3A_385 : f32 to vector<16xf32>
    %mul3A_387 = arith.mulf %mul3A_386, %get3A_384 : vector<16xf32>
    %add3A_388 = arith.constant 1.000000e+00 : f32
    %add3A_389 = vector.broadcast %add3A_388 : f32 to vector<16xf32>
    %add3A_390 = arith.addf %add3A_389, %mul3A_387 : vector<16xf32>
    %get3A_391 = arith.constant 1 : i32
    %get3A_392 = arith.index_cast %get3A_391 : i32 to index
    %get3A_393 = arith.constant 208 : index
    %get3A_394 = tpu.vector_load %arg10[%get3A_392, %get3A_393] {strides = array<i32>} : memref<3x256xf32, #tpu.memory_space<vmem>>, vector<16xf32>,
    %mul3A_395 = arith.constant 5.000000e+00 : f32
    %mul3A_396 = vector.broadcast %mul3A_395 : f32 to vector<16xf32>
    %mul3A_397 = arith.mulf %mul3A_396, %get3A_394 : vector<16xf32>
    %add3A_398 = arith.addf %add3A_390, %mul3A_397 : vector<16xf32>
    %get3A_399 = arith.constant 2 : i32
    %get3A_400 = arith.index_cast %get3A_399 : i32 to index
    %get3A_401 = arith.constant 208 : index
    %get3A_402 = tpu.vector_load %arg10[%get3A_400, %get3A_401] {strides = array<i32>} : memref<3x256xf32, #tpu.memory_space<vmem>>, vector<16xf32>,
    %mul3A_403 = arith.constant 1.000000e+01 : f32
    %mul3A_404 = vector.broadcast %mul3A_403 : f32 to vector<16xf32>
    %mul3A_405 = arith.mulf %mul3A_404, %get3A_402 : vector<16xf32>
    %add3A_406 = arith.addf %add3A_398, %mul3A_405 : vector<16xf32>
    %swap3A_407 = arith.constant 208 : index
    %swap3A_408 = tpu.vector_load %arg11[%swap3A_407] {strides = array<i32>} : memref<256xf32, #tpu.memory_space<vmem>>, vector<16xf32>,
    tpu.vector_store %arg11[%swap3A_407], %add3A_406 {strides = array<i32>} : memref<256xf32, #tpu.memory_space<vmem>>, vector<16xf32>,
    %get3A_409 = arith.constant 0 : i32
    %get3A_410 = arith.index_cast %get3A_409 : i32 to index
    %get3A_411 = arith.constant 224 : index
    %get3A_412 = tpu.vector_load %arg10[%get3A_410, %get3A_411] {strides = array<i32>} : memref<3x256xf32, #tpu.memory_space<vmem>>, vector<16xf32>,
    %mul3A_413 = arith.constant 5.000000e+00 : f32
    %mul3A_414 = vector.broadcast %mul3A_413 : f32 to vector<16xf32>
    %mul3A_415 = arith.mulf %mul3A_414, %get3A_412 : vector<16xf32>
    %add3A_416 = arith.constant 1.000000e+00 : f32
    %add3A_417 = vector.broadcast %add3A_416 : f32 to vector<16xf32>
    %add3A_418 = arith.addf %add3A_417, %mul3A_415 : vector<16xf32>
    %get3A_419 = arith.constant 1 : i32
    %get3A_420 = arith.index_cast %get3A_419 : i32 to index
    %get3A_421 = arith.constant 224 : index
    %get3A_422 = tpu.vector_load %arg10[%get3A_420, %get3A_421] {strides = array<i32>} : memref<3x256xf32, #tpu.memory_space<vmem>>, vector<16xf32>,
    %mul3A_423 = arith.constant 5.000000e+00 : f32
    %mul3A_424 = vector.broadcast %mul3A_423 : f32 to vector<16xf32>
    %mul3A_425 = arith.mulf %mul3A_424, %get3A_422 : vector<16xf32>
    %add3A_426 = arith.addf %add3A_418, %mul3A_425 : vector<16xf32>
    %get3A_427 = arith.constant 2 : i32
    %get3A_428 = arith.index_cast %get3A_427 : i32 to index
    %get3A_429 = arith.constant 224 : index
    %get3A_430 = tpu.vector_load %arg10[%get3A_428, %get3A_429] {strides = array<i32>} : memref<3x256xf32, #tpu.memory_space<vmem>>, vector<16xf32>,
    %mul3A_431 = arith.constant 1.000000e+01 : f32
    %mul3A_432 = vector.broadcast %mul3A_431 : f32 to vector<16xf32>
    %mul3A_433 = arith.mulf %mul3A_432, %get3A_430 : vector<16xf32>
    %add3A_434 = arith.addf %add3A_426, %mul3A_433 : vector<16xf32>
    %swap3A_435 = arith.constant 224 : index
    %swap3A_436 = tpu.vector_load %arg11[%swap3A_435] {strides = array<i32>} : memref<256xf32, #tpu.memory_space<vmem>>, vector<16xf32>,
    tpu.vector_store %arg11[%swap3A_435], %add3A_434 {strides = array<i32>} : memref<256xf32, #tpu.memory_space<vmem>>, vector<16xf32>,
    %get3A_437 = arith.constant 0 : i32
    %get3A_438 = arith.index_cast %get3A_437 : i32 to index
    %get3A_439 = arith.constant 240 : index
    %get3A_440 = tpu.vector_load %arg10[%get3A_438, %get3A_439] {strides = array<i32>} : memref<3x256xf32, #tpu.memory_space<vmem>>, vector<16xf32>,
    %mul3A_441 = arith.constant 5.000000e+00 : f32
    %mul3A_442 = vector.broadcast %mul3A_441 : f32 to vector<16xf32>
    %mul3A_443 = arith.mulf %mul3A_442, %get3A_440 : vector<16xf32>
    %add3A_444 = arith.constant 1.000000e+00 : f32
    %add3A_445 = vector.broadcast %add3A_444 : f32 to vector<16xf32>
    %add3A_446 = arith.addf %add3A_445, %mul3A_443 : vector<16xf32>
    %get3A_447 = arith.constant 1 : i32
    %get3A_448 = arith.index_cast %get3A_447 : i32 to index
    %get3A_449 = arith.constant 240 : index
    %get3A_450 = tpu.vector_load %arg10[%get3A_448, %get3A_449] {strides = array<i32>} : memref<3x256xf32, #tpu.memory_space<vmem>>, vector<16xf32>,
    %mul3A_451 = arith.constant 5.000000e+00 : f32
    %mul3A_452 = vector.broadcast %mul3A_451 : f32 to vector<16xf32>
    %mul3A_453 = arith.mulf %mul3A_452, %get3A_450 : vector<16xf32>
    %add3A_454 = arith.addf %add3A_446, %mul3A_453 : vector<16xf32>
    %get3A_455 = arith.constant 2 : i32
    %get3A_456 = arith.index_cast %get3A_455 : i32 to index
    %get3A_457 = arith.constant 240 : index
    %get3A_458 = tpu.vector_load %arg10[%get3A_456, %get3A_457] {strides = array<i32>} : memref<3x256xf32, #tpu.memory_space<vmem>>, vector<16xf32>,
    %mul3A_459 = arith.constant 1.000000e+01 : f32
    %mul3A_460 = vector.broadcast %mul3A_459 : f32 to vector<16xf32>
    %mul3A_461 = arith.mulf %mul3A_460, %get3A_458 : vector<16xf32>
    %add3A_462 = arith.addf %add3A_454, %mul3A_461 : vector<16xf32>
    %swap3A_463 = arith.constant 240 : index
    %swap3A_464 = tpu.vector_load %arg11[%swap3A_463] {strides = array<i32>} : memref<256xf32, #tpu.memory_space<vmem>>, vector<16xf32>,
    tpu.vector_store %arg11[%swap3A_463], %add3A_462 {strides = array<i32>} : memref<256xf32, #tpu.memory_space<vmem>>, vector<16xf32>,
    %dma_wait3A = arith.constant 0 : i32
    %dma_wait3A_465 = arith.constant 0 : i32
    %dma_wait3A_466 = tpu.memref_slice %arg2[%arg1, %dma_wait3A, %dma_wait3A_465] : memref<16x15x128xf32, #tpu.memory_space<hbm>> -> memref<1x15x128xf32, #tpu.memory_space<hbm>>
    %dma_wait3A_467 = tpu.memref_squeeze %dma_wait3A_466 : memref<1x15x128xf32, #tpu.memory_space<hbm>> -> memref<15x128xf32, #tpu.memory_space<hbm>>
    %dma_wait3A_468 = arith.constant 0 : i32
    %dma_wait3A_469 = arith.constant 0 : i32
    %dma_wait3A_470 = tpu.memref_slice %arg2[%arg1, %dma_wait3A_468, %dma_wait3A_469] : memref<16x15x128xf32, #tpu.memory_space<hbm>> -> memref<1x15x128xf32, #tpu.memory_space<hbm>>
    %dma_wait3A_471 = tpu.memref_squeeze %dma_wait3A_470 : memref<1x15x128xf32, #tpu.memory_space<hbm>> -> memref<15x128xf32, #tpu.memory_space<hbm>>
    tpu.wait_dma2 semaphore(%arg14 : memref<!tpu.dma_semaphore, #tpu.memory_space<semaphore_mem>>) src(%dma_wait3A_471 : memref<15x128xf32, #tpu.memory_space<hbm>>) dst(%arg7 : memref<15x128xf32, #tpu.memory_space<vmem>>)
    %dma_wait3A_472 = arith.constant 0 : i32
    %dma_wait3A_473 = arith.constant 0 : i32
    %dma_wait3A_474 = tpu.memref_slice %arg3[%arg1, %dma_wait3A_472, %dma_wait3A_473] : memref<16x4x128xf32, #tpu.memory_space<hbm>> -> memref<1x4x128xf32, #tpu.memory_space<hbm>>
    %dma_wait3A_475 = tpu.memref_squeeze %dma_wait3A_474 : memref<1x4x128xf32, #tpu.memory_space<hbm>> -> memref<4x128xf32, #tpu.memory_space<hbm>>
    %dma_wait3A_476 = arith.constant 0 : i32
    %dma_wait3A_477 = arith.constant 0 : i32
    %dma_wait3A_478 = tpu.memref_slice %arg3[%arg1, %dma_wait3A_476, %dma_wait3A_477] : memref<16x4x128xf32, #tpu.memory_space<hbm>> -> memref<1x4x128xf32, #tpu.memory_space<hbm>>
    %dma_wait3A_479 = tpu.memref_squeeze %dma_wait3A_478 : memref<1x4x128xf32, #tpu.memory_space<hbm>> -> memref<4x128xf32, #tpu.memory_space<hbm>>
    tpu.wait_dma2 semaphore(%arg15 : memref<!tpu.dma_semaphore, #tpu.memory_space<semaphore_mem>>) src(%dma_wait3A_479 : memref<4x128xf32, #tpu.memory_space<hbm>>) dst(%arg8 : memref<4x128xf32, #tpu.memory_space<vmem>>)
    %dma_wait3A_480 = arith.constant 0 : i32
    %dma_wait3A_481 = tpu.memref_slice %arg4[%arg1, %dma_wait3A_480] : memref<16x128xi32, #tpu.memory_space<hbm>> -> memref<1x128xi32, #tpu.memory_space<hbm>>
    %dma_wait3A_482 = tpu.memref_squeeze %dma_wait3A_481 : memref<1x128xi32, #tpu.memory_space<hbm>> -> memref<128xi32, #tpu.memory_space<hbm>>
    %dma_wait3A_483 = arith.constant 0 : i32
    %dma_wait3A_484 = tpu.memref_slice %arg4[%arg1, %dma_wait3A_483] : memref<16x128xi32, #tpu.memory_space<hbm>> -> memref<1x128xi32, #tpu.memory_space<hbm>>
    %dma_wait3A_485 = tpu.memref_squeeze %dma_wait3A_484 : memref<1x128xi32, #tpu.memory_space<hbm>> -> memref<128xi32, #tpu.memory_space<hbm>>
    tpu.wait_dma2 semaphore(%arg16 : memref<!tpu.dma_semaphore, #tpu.memory_space<semaphore_mem>>) src(%dma_wait3A_485 : memref<128xi32, #tpu.memory_space<hbm>>) dst(%arg9 : memref<128xi32, #tpu.memory_space<vmem>>)
    %broadcast_in_dim3A = arith.constant 0.000000e+00 : f32
    %broadcast_in_dim3A_486 = vector.broadcast %broadcast_in_dim3A : f32 to vector<16xf32>
    %broadcast_in_dim3A_487 = arith.constant 0.000000e+00 : f32
    %broadcast_in_dim3A_488 = vector.broadcast %broadcast_in_dim3A_487 : f32 to vector<16xf32>
    %broadcast_in_dim3A_489 = arith.constant 0.000000e+00 : f32
    %broadcast_in_dim3A_490 = vector.broadcast %broadcast_in_dim3A_489 : f32 to vector<16xf32>
    %broadcast_in_dim3A_491 = arith.constant 0.000000e+00 : f32
    %broadcast_in_dim3A_492 = vector.broadcast %broadcast_in_dim3A_491 : f32 to vector<16xf32>
    %broadcast_in_dim3A_493 = arith.constant 0.000000e+00 : f32
    %broadcast_in_dim3A_494 = vector.broadcast %broadcast_in_dim3A_493 : f32 to vector<16xf32>
    %get3A_495 = arith.constant 0 : index
    %get3A_496 = tpu.vector_load %arg9[%get3A_495] {strides = array<i32>} : memref<128xi32, #tpu.memory_space<vmem>>, vector<16xi32>,
    %gather3A = tpu.vector_load_idx %arg11[%get3A_496] : memref<256xf32, #tpu.memory_space<vmem>>[vector<16xi32>], vector<16xf32>,
    %get3A_497 = arith.constant 12 : i32
    %get3A_498 = arith.index_cast %get3A_497 : i32 to index
    %get3A_499 = arith.constant 0 : index
    %get3A_500 = tpu.vector_load %arg7[%get3A_498, %get3A_499] {strides = array<i32>} : memref<15x128xf32, #tpu.memory_space<vmem>>, vector<16xf32>,
    %ne3A = arith.cmpf one, %get3A_500, %get3A_500 : vector<16xf32>
    %jit3A = arith.constant 0.000000e+00 : f32
    %broadcast_in_dim3A_501 = vector.broadcast %jit3A : f32 to vector<16xf32>
    %select_n3A = arith.select %ne3A, %broadcast_in_dim3A_501, %get3A_500 : vector<16xi1>, vector<16xf32>
    %get3A_502 = arith.constant 13 : i32
    %get3A_503 = arith.index_cast %get3A_502 : i32 to index
    %get3A_504 = arith.constant 0 : index
    %get3A_505 = tpu.vector_load %arg7[%get3A_503, %get3A_504] {strides = array<i32>} : memref<15x128xf32, #tpu.memory_space<vmem>>, vector<16xf32>,
    %ne3A_506 = arith.cmpf one, %get3A_505, %get3A_505 : vector<16xf32>
    %jit3A_507 = arith.constant 0.000000e+00 : f32
    %broadcast_in_dim3A_508 = vector.broadcast %jit3A_507 : f32 to vector<16xf32>
    %select_n3A_509 = arith.select %ne3A_506, %broadcast_in_dim3A_508, %get3A_505 : vector<16xi1>, vector<16xf32>
    %get3A_510 = arith.constant 14 : i32
    %get3A_511 = arith.index_cast %get3A_510 : i32 to index
    %get3A_512 = arith.constant 0 : index
    %get3A_513 = tpu.vector_load %arg7[%get3A_511, %get3A_512] {strides = array<i32>} : memref<15x128xf32, #tpu.memory_space<vmem>>, vector<16xf32>,
    %ne3A_514 = arith.cmpf one, %get3A_513, %get3A_513 : vector<16xf32>
    %jit3A_515 = arith.constant 0.000000e+00 : f32
    %broadcast_in_dim3A_516 = vector.broadcast %jit3A_515 : f32 to vector<16xf32>
    %select_n3A_517 = arith.select %ne3A_514, %broadcast_in_dim3A_516, %get3A_513 : vector<16xi1>, vector<16xf32>
    %broadcast_in_dim3A_518 = arith.constant 0.000000e+00 : f32
    %broadcast_in_dim3A_519 = vector.broadcast %broadcast_in_dim3A_518 : f32 to vector<16xf32>
    %get3A_520 = arith.constant 0 : i32
    %get3A_521 = arith.index_cast %get3A_520 : i32 to index
    %get3A_522 = arith.constant 0 : index
    %get3A_523 = tpu.vector_load %arg7[%get3A_521, %get3A_522] {strides = array<i32>} : memref<15x128xf32, #tpu.memory_space<vmem>>, vector<16xf32>,
    %sub3A = arith.subf %get3A_523, %select_n3A : vector<16xf32>
    %mul3A_524 = arith.mulf %sub3A, %sub3A : vector<16xf32>
    %add3A_525 = arith.addf %broadcast_in_dim3A_519, %mul3A_524 : vector<16xf32>
    %get3A_526 = arith.constant 1 : i32
    %get3A_527 = arith.index_cast %get3A_526 : i32 to index
    %get3A_528 = arith.constant 0 : index
    %get3A_529 = tpu.vector_load %arg7[%get3A_527, %get3A_528] {strides = array<i32>} : memref<15x128xf32, #tpu.memory_space<vmem>>, vector<16xf32>,
    %sub3A_530 = arith.subf %get3A_529, %select_n3A_509 : vector<16xf32>
    %mul3A_531 = arith.mulf %sub3A_530, %sub3A_530 : vector<16xf32>
    %add3A_532 = arith.addf %add3A_525, %mul3A_531 : vector<16xf32>
    %get3A_533 = arith.constant 2 : i32
    %get3A_534 = arith.index_cast %get3A_533 : i32 to index
    %get3A_535 = arith.constant 0 : index
    %get3A_536 = tpu.vector_load %arg7[%get3A_534, %get3A_535] {strides = array<i32>} : memref<15x128xf32, #tpu.memory_space<vmem>>, vector<16xf32>,
    %sub3A_537 = arith.subf %get3A_536, %select_n3A_517 : vector<16xf32>
    %mul3A_538 = arith.mulf %sub3A_537, %sub3A_537 : vector<16xf32>
    %add3A_539 = arith.addf %add3A_532, %mul3A_538 : vector<16xf32>
    %get3A_540 = arith.constant 0 : i32
    %get3A_541 = arith.index_cast %get3A_540 : i32 to index
    %get3A_542 = arith.constant 0 : index
    %get3A_543 = tpu.vector_load %arg8[%get3A_541, %get3A_542] {strides = array<i32>} : memref<4x128xf32, #tpu.memory_space<vmem>>, vector<16xf32>,
    %mul3A_544 = arith.mulf %gather3A, %get3A_543 : vector<16xf32>
    %mul3A_545 = arith.mulf %mul3A_544, %add3A_539 : vector<16xf32>
    %add3A_546 = arith.addf %broadcast_in_dim3A_486, %mul3A_545 : vector<16xf32>
    %broadcast_in_dim3A_547 = arith.constant 0.000000e+00 : f32
    %broadcast_in_dim3A_548 = vector.broadcast %broadcast_in_dim3A_547 : f32 to vector<16xf32>
    %get3A_549 = arith.constant 3 : i32
    %get3A_550 = arith.index_cast %get3A_549 : i32 to index
    %get3A_551 = arith.constant 0 : index
    %get3A_552 = tpu.vector_load %arg7[%get3A_550, %get3A_551] {strides = array<i32>} : memref<15x128xf32, #tpu.memory_space<vmem>>, vector<16xf32>,
    %sub3A_553 = arith.subf %get3A_552, %select_n3A : vector<16xf32>
    %mul3A_554 = arith.mulf %sub3A_553, %sub3A_553 : vector<16xf32>
    %add3A_555 = arith.addf %broadcast_in_dim3A_548, %mul3A_554 : vector<16xf32>
    %get3A_556 = arith.constant 4 : i32
    %get3A_557 = arith.index_cast %get3A_556 : i32 to index
    %get3A_558 = arith.constant 0 : index
    %get3A_559 = tpu.vector_load %arg7[%get3A_557, %get3A_558] {strides = array<i32>} : memref<15x128xf32, #tpu.memory_space<vmem>>, vector<16xf32>,
    %sub3A_560 = arith.subf %get3A_559, %select_n3A_509 : vector<16xf32>
    %mul3A_561 = arith.mulf %sub3A_560, %sub3A_560 : vector<16xf32>
    %add3A_562 = arith.addf %add3A_555, %mul3A_561 : vector<16xf32>
    %get3A_563 = arith.constant 5 : i32
    %get3A_564 = arith.index_cast %get3A_563 : i32 to index
    %get3A_565 = arith.constant 0 : index
    %get3A_566 = tpu.vector_load %arg7[%get3A_564, %get3A_565] {strides = array<i32>} : memref<15x128xf32, #tpu.memory_space<vmem>>, vector<16xf32>,
    %sub3A_567 = arith.subf %get3A_566, %select_n3A_517 : vector<16xf32>
    %mul3A_568 = arith.mulf %sub3A_567, %sub3A_567 : vector<16xf32>
    %add3A_569 = arith.addf %add3A_562, %mul3A_568 : vector<16xf32>
    %get3A_570 = arith.constant 1 : i32
    %get3A_571 = arith.index_cast %get3A_570 : i32 to index
    %get3A_572 = arith.constant 0 : index
    %get3A_573 = tpu.vector_load %arg8[%get3A_571, %get3A_572] {strides = array<i32>} : memref<4x128xf32, #tpu.memory_space<vmem>>, vector<16xf32>,
    %mul3A_574 = arith.mulf %gather3A, %get3A_573 : vector<16xf32>
    %mul3A_575 = arith.mulf %mul3A_574, %add3A_569 : vector<16xf32>
    %add3A_576 = arith.addf %broadcast_in_dim3A_488, %mul3A_575 : vector<16xf32>
    %broadcast_in_dim3A_577 = arith.constant 0.000000e+00 : f32
    %broadcast_in_dim3A_578 = vector.broadcast %broadcast_in_dim3A_577 : f32 to vector<16xf32>
    %get3A_579 = arith.constant 6 : i32
    %get3A_580 = arith.index_cast %get3A_579 : i32 to index
    %get3A_581 = arith.constant 0 : index
    %get3A_582 = tpu.vector_load %arg7[%get3A_580, %get3A_581] {strides = array<i32>} : memref<15x128xf32, #tpu.memory_space<vmem>>, vector<16xf32>,
    %sub3A_583 = arith.subf %get3A_582, %select_n3A : vector<16xf32>
    %mul3A_584 = arith.mulf %sub3A_583, %sub3A_583 : vector<16xf32>
    %add3A_585 = arith.addf %broadcast_in_dim3A_578, %mul3A_584 : vector<16xf32>
    %get3A_586 = arith.constant 7 : i32
    %get3A_587 = arith.index_cast %get3A_586 : i32 to index
    %get3A_588 = arith.constant 0 : index
    %get3A_589 = tpu.vector_load %arg7[%get3A_587, %get3A_588] {strides = array<i32>} : memref<15x128xf32, #tpu.memory_space<vmem>>, vector<16xf32>,
    %sub3A_590 = arith.subf %get3A_589, %select_n3A_509 : vector<16xf32>
    %mul3A_591 = arith.mulf %sub3A_590, %sub3A_590 : vector<16xf32>
    %add3A_592 = arith.addf %add3A_585, %mul3A_591 : vector<16xf32>
    %get3A_593 = arith.constant 8 : i32
    %get3A_594 = arith.index_cast %get3A_593 : i32 to index
    %get3A_595 = arith.constant 0 : index
    %get3A_596 = tpu.vector_load %arg7[%get3A_594, %get3A_595] {strides = array<i32>} : memref<15x128xf32, #tpu.memory_space<vmem>>, vector<16xf32>,
    %sub3A_597 = arith.subf %get3A_596, %select_n3A_517 : vector<16xf32>
    %mul3A_598 = arith.mulf %sub3A_597, %sub3A_597 : vector<16xf32>
    %add3A_599 = arith.addf %add3A_592, %mul3A_598 : vector<16xf32>
    %get3A_600 = arith.constant 2 : i32
    %get3A_601 = arith.index_cast %get3A_600 : i32 to index
    %get3A_602 = arith.constant 0 : index
    %get3A_603 = tpu.vector_load %arg8[%get3A_601, %get3A_602] {strides = array<i32>} : memref<4x128xf32, #tpu.memory_space<vmem>>, vector<16xf32>,
    %mul3A_604 = arith.mulf %gather3A, %get3A_603 : vector<16xf32>
    %mul3A_605 = arith.mulf %mul3A_604, %add3A_599 : vector<16xf32>
    %add3A_606 = arith.addf %broadcast_in_dim3A_490, %mul3A_605 : vector<16xf32>
    %broadcast_in_dim3A_607 = arith.constant 0.000000e+00 : f32
    %broadcast_in_dim3A_608 = vector.broadcast %broadcast_in_dim3A_607 : f32 to vector<16xf32>
    %get3A_609 = arith.constant 9 : i32
    %get3A_610 = arith.index_cast %get3A_609 : i32 to index
    %get3A_611 = arith.constant 0 : index
    %get3A_612 = tpu.vector_load %arg7[%get3A_610, %get3A_611] {strides = array<i32>} : memref<15x128xf32, #tpu.memory_space<vmem>>, vector<16xf32>,
    %sub3A_613 = arith.subf %get3A_612, %select_n3A : vector<16xf32>
    %mul3A_614 = arith.mulf %sub3A_613, %sub3A_613 : vector<16xf32>
    %add3A_615 = arith.addf %broadcast_in_dim3A_608, %mul3A_614 : vector<16xf32>
    %get3A_616 = arith.constant 10 : i32
    %get3A_617 = arith.index_cast %get3A_616 : i32 to index
    %get3A_618 = arith.constant 0 : index
    %get3A_619 = tpu.vector_load %arg7[%get3A_617, %get3A_618] {strides = array<i32>} : memref<15x128xf32, #tpu.memory_space<vmem>>, vector<16xf32>,
    %sub3A_620 = arith.subf %get3A_619, %select_n3A_509 : vector<16xf32>
    %mul3A_621 = arith.mulf %sub3A_620, %sub3A_620 : vector<16xf32>
    %add3A_622 = arith.addf %add3A_615, %mul3A_621 : vector<16xf32>
    %get3A_623 = arith.constant 11 : i32
    %get3A_624 = arith.index_cast %get3A_623 : i32 to index
    %get3A_625 = arith.constant 0 : index
    %get3A_626 = tpu.vector_load %arg7[%get3A_624, %get3A_625] {strides = array<i32>} : memref<15x128xf32, #tpu.memory_space<vmem>>, vector<16xf32>,
    %sub3A_627 = arith.subf %get3A_626, %select_n3A_517 : vector<16xf32>
    %mul3A_628 = arith.mulf %sub3A_627, %sub3A_627 : vector<16xf32>
    %add3A_629 = arith.addf %add3A_622, %mul3A_628 : vector<16xf32>
    %get3A_630 = arith.constant 3 : i32
    %get3A_631 = arith.index_cast %get3A_630 : i32 to index
    %get3A_632 = arith.constant 0 : index
    %get3A_633 = tpu.vector_load %arg8[%get3A_631, %get3A_632] {strides = array<i32>} : memref<4x128xf32, #tpu.memory_space<vmem>>, vector<16xf32>,
    %mul3A_634 = arith.mulf %gather3A, %get3A_633 : vector<16xf32>
    %mul3A_635 = arith.mulf %mul3A_634, %add3A_629 : vector<16xf32>
    %add3A_636 = arith.addf %broadcast_in_dim3A_492, %mul3A_635 : vector<16xf32>
    %get3A_637 = arith.constant 0 : i32
    %get3A_638 = arith.index_cast %get3A_637 : i32 to index
    %get3A_639 = arith.constant 0 : index
    %get3A_640 = tpu.vector_load %arg8[%get3A_638, %get3A_639] {strides = array<i32>} : memref<4x128xf32, #tpu.memory_space<vmem>>, vector<16xf32>,
    %add3A_641 = arith.addf %broadcast_in_dim3A_494, %get3A_640 : vector<16xf32>
    %get3A_642 = arith.constant 16 : index
    %get3A_643 = tpu.vector_load %arg9[%get3A_642] {strides = array<i32>} : memref<128xi32, #tpu.memory_space<vmem>>, vector<16xi32>,
    %gather3A_644 = tpu.vector_load_idx %arg11[%get3A_643] : memref<256xf32, #tpu.memory_space<vmem>>[vector<16xi32>], vector<16xf32>,
    %get3A_645 = arith.constant 12 : i32
    %get3A_646 = arith.index_cast %get3A_645 : i32 to index
    %get3A_647 = arith.constant 16 : index
    %get3A_648 = tpu.vector_load %arg7[%get3A_646, %get3A_647] {strides = array<i32>} : memref<15x128xf32, #tpu.memory_space<vmem>>, vector<16xf32>,
    %ne3A_649 = arith.cmpf one, %get3A_648, %get3A_648 : vector<16xf32>
    %jit3A_650 = arith.constant 0.000000e+00 : f32
    %broadcast_in_dim3A_651 = vector.broadcast %jit3A_650 : f32 to vector<16xf32>
    %select_n3A_652 = arith.select %ne3A_649, %broadcast_in_dim3A_651, %get3A_648 : vector<16xi1>, vector<16xf32>
    %get3A_653 = arith.constant 13 : i32
    %get3A_654 = arith.index_cast %get3A_653 : i32 to index
    %get3A_655 = arith.constant 16 : index
    %get3A_656 = tpu.vector_load %arg7[%get3A_654, %get3A_655] {strides = array<i32>} : memref<15x128xf32, #tpu.memory_space<vmem>>, vector<16xf32>,
    %ne3A_657 = arith.cmpf one, %get3A_656, %get3A_656 : vector<16xf32>
    %jit3A_658 = arith.constant 0.000000e+00 : f32
    %broadcast_in_dim3A_659 = vector.broadcast %jit3A_658 : f32 to vector<16xf32>
    %select_n3A_660 = arith.select %ne3A_657, %broadcast_in_dim3A_659, %get3A_656 : vector<16xi1>, vector<16xf32>
    %get3A_661 = arith.constant 14 : i32
    %get3A_662 = arith.index_cast %get3A_661 : i32 to index
    %get3A_663 = arith.constant 16 : index
    %get3A_664 = tpu.vector_load %arg7[%get3A_662, %get3A_663] {strides = array<i32>} : memref<15x128xf32, #tpu.memory_space<vmem>>, vector<16xf32>,
    %ne3A_665 = arith.cmpf one, %get3A_664, %get3A_664 : vector<16xf32>
    %jit3A_666 = arith.constant 0.000000e+00 : f32
    %broadcast_in_dim3A_667 = vector.broadcast %jit3A_666 : f32 to vector<16xf32>
    %select_n3A_668 = arith.select %ne3A_665, %broadcast_in_dim3A_667, %get3A_664 : vector<16xi1>, vector<16xf32>
    %broadcast_in_dim3A_669 = arith.constant 0.000000e+00 : f32
    %broadcast_in_dim3A_670 = vector.broadcast %broadcast_in_dim3A_669 : f32 to vector<16xf32>
    %get3A_671 = arith.constant 0 : i32
    %get3A_672 = arith.index_cast %get3A_671 : i32 to index
    %get3A_673 = arith.constant 16 : index
    %get3A_674 = tpu.vector_load %arg7[%get3A_672, %get3A_673] {strides = array<i32>} : memref<15x128xf32, #tpu.memory_space<vmem>>, vector<16xf32>,
    %sub3A_675 = arith.subf %get3A_674, %select_n3A_652 : vector<16xf32>
    %mul3A_676 = arith.mulf %sub3A_675, %sub3A_675 : vector<16xf32>
    %add3A_677 = arith.addf %broadcast_in_dim3A_670, %mul3A_676 : vector<16xf32>
    %get3A_678 = arith.constant 1 : i32
    %get3A_679 = arith.index_cast %get3A_678 : i32 to index
    %get3A_680 = arith.constant 16 : index
    %get3A_681 = tpu.vector_load %arg7[%get3A_679, %get3A_680] {strides = array<i32>} : memref<15x128xf32, #tpu.memory_space<vmem>>, vector<16xf32>,
    %sub3A_682 = arith.subf %get3A_681, %select_n3A_660 : vector<16xf32>
    %mul3A_683 = arith.mulf %sub3A_682, %sub3A_682 : vector<16xf32>
    %add3A_684 = arith.addf %add3A_677, %mul3A_683 : vector<16xf32>
    %get3A_685 = arith.constant 2 : i32
    %get3A_686 = arith.index_cast %get3A_685 : i32 to index
    %get3A_687 = arith.constant 16 : index
    %get3A_688 = tpu.vector_load %arg7[%get3A_686, %get3A_687] {strides = array<i32>} : memref<15x128xf32, #tpu.memory_space<vmem>>, vector<16xf32>,
    %sub3A_689 = arith.subf %get3A_688, %select_n3A_668 : vector<16xf32>
    %mul3A_690 = arith.mulf %sub3A_689, %sub3A_689 : vector<16xf32>
    %add3A_691 = arith.addf %add3A_684, %mul3A_690 : vector<16xf32>
    %get3A_692 = arith.constant 0 : i32
    %get3A_693 = arith.index_cast %get3A_692 : i32 to index
    %get3A_694 = arith.constant 16 : index
    %get3A_695 = tpu.vector_load %arg8[%get3A_693, %get3A_694] {strides = array<i32>} : memref<4x128xf32, #tpu.memory_space<vmem>>, vector<16xf32>,
    %mul3A_696 = arith.mulf %gather3A_644, %get3A_695 : vector<16xf32>
    %mul3A_697 = arith.mulf %mul3A_696, %add3A_691 : vector<16xf32>
    %add3A_698 = arith.addf %add3A_546, %mul3A_697 : vector<16xf32>
    %broadcast_in_dim3A_699 = arith.constant 0.000000e+00 : f32
    %broadcast_in_dim3A_700 = vector.broadcast %broadcast_in_dim3A_699 : f32 to vector<16xf32>
    %get3A_701 = arith.constant 3 : i32
    %get3A_702 = arith.index_cast %get3A_701 : i32 to index
    %get3A_703 = arith.constant 16 : index
    %get3A_704 = tpu.vector_load %arg7[%get3A_702, %get3A_703] {strides = array<i32>} : memref<15x128xf32, #tpu.memory_space<vmem>>, vector<16xf32>,
    %sub3A_705 = arith.subf %get3A_704, %select_n3A_652 : vector<16xf32>
    %mul3A_706 = arith.mulf %sub3A_705, %sub3A_705 : vector<16xf32>
    %add3A_707 = arith.addf %broadcast_in_dim3A_700, %mul3A_706 : vector<16xf32>
    %get3A_708 = arith.constant 4 : i32
    %get3A_709 = arith.index_cast %get3A_708 : i32 to index
    %get3A_710 = arith.constant 16 : index
    %get3A_711 = tpu.vector_load %arg7[%get3A_709, %get3A_710] {strides = array<i32>} : memref<15x128xf32, #tpu.memory_space<vmem>>, vector<16xf32>,
    %sub3A_712 = arith.subf %get3A_711, %select_n3A_660 : vector<16xf32>
    %mul3A_713 = arith.mulf %sub3A_712, %sub3A_712 : vector<16xf32>
    %add3A_714 = arith.addf %add3A_707, %mul3A_713 : vector<16xf32>
    %get3A_715 = arith.constant 5 : i32
    %get3A_716 = arith.index_cast %get3A_715 : i32 to index
    %get3A_717 = arith.constant 16 : index
    %get3A_718 = tpu.vector_load %arg7[%get3A_716, %get3A_717] {strides = array<i32>} : memref<15x128xf32, #tpu.memory_space<vmem>>, vector<16xf32>,
    %sub3A_719 = arith.subf %get3A_718, %select_n3A_668 : vector<16xf32>
    %mul3A_720 = arith.mulf %sub3A_719, %sub3A_719 : vector<16xf32>
    %add3A_721 = arith.addf %add3A_714, %mul3A_720 : vector<16xf32>
    %get3A_722 = arith.constant 1 : i32
    %get3A_723 = arith.index_cast %get3A_722 : i32 to index
    %get3A_724 = arith.constant 16 : index
    %get3A_725 = tpu.vector_load %arg8[%get3A_723, %get3A_724] {strides = array<i32>} : memref<4x128xf32, #tpu.memory_space<vmem>>, vector<16xf32>,
    %mul3A_726 = arith.mulf %gather3A_644, %get3A_725 : vector<16xf32>
    %mul3A_727 = arith.mulf %mul3A_726, %add3A_721 : vector<16xf32>
    %add3A_728 = arith.addf %add3A_576, %mul3A_727 : vector<16xf32>
    %broadcast_in_dim3A_729 = arith.constant 0.000000e+00 : f32
    %broadcast_in_dim3A_730 = vector.broadcast %broadcast_in_dim3A_729 : f32 to vector<16xf32>
    %get3A_731 = arith.constant 6 : i32
    %get3A_732 = arith.index_cast %get3A_731 : i32 to index
    %get3A_733 = arith.constant 16 : index
    %get3A_734 = tpu.vector_load %arg7[%get3A_732, %get3A_733] {strides = array<i32>} : memref<15x128xf32, #tpu.memory_space<vmem>>, vector<16xf32>,
    %sub3A_735 = arith.subf %get3A_734, %select_n3A_652 : vector<16xf32>
    %mul3A_736 = arith.mulf %sub3A_735, %sub3A_735 : vector<16xf32>
    %add3A_737 = arith.addf %broadcast_in_dim3A_730, %mul3A_736 : vector<16xf32>
    %get3A_738 = arith.constant 7 : i32
    %get3A_739 = arith.index_cast %get3A_738 : i32 to index
    %get3A_740 = arith.constant 16 : index
    %get3A_741 = tpu.vector_load %arg7[%get3A_739, %get3A_740] {strides = array<i32>} : memref<15x128xf32, #tpu.memory_space<vmem>>, vector<16xf32>,
    %sub3A_742 = arith.subf %get3A_741, %select_n3A_660 : vector<16xf32>
    %mul3A_743 = arith.mulf %sub3A_742, %sub3A_742 : vector<16xf32>
    %add3A_744 = arith.addf %add3A_737, %mul3A_743 : vector<16xf32>
    %get3A_745 = arith.constant 8 : i32
    %get3A_746 = arith.index_cast %get3A_745 : i32 to index
    %get3A_747 = arith.constant 16 : index
    %get3A_748 = tpu.vector_load %arg7[%get3A_746, %get3A_747] {strides = array<i32>} : memref<15x128xf32, #tpu.memory_space<vmem>>, vector<16xf32>,
    %sub3A_749 = arith.subf %get3A_748, %select_n3A_668 : vector<16xf32>
    %mul3A_750 = arith.mulf %sub3A_749, %sub3A_749 : vector<16xf32>
    %add3A_751 = arith.addf %add3A_744, %mul3A_750 : vector<16xf32>
    %get3A_752 = arith.constant 2 : i32
    %get3A_753 = arith.index_cast %get3A_752 : i32 to index
    %get3A_754 = arith.constant 16 : index
    %get3A_755 = tpu.vector_load %arg8[%get3A_753, %get3A_754] {strides = array<i32>} : memref<4x128xf32, #tpu.memory_space<vmem>>, vector<16xf32>,
    %mul3A_756 = arith.mulf %gather3A_644, %get3A_755 : vector<16xf32>
    %mul3A_757 = arith.mulf %mul3A_756, %add3A_751 : vector<16xf32>
    %add3A_758 = arith.addf %add3A_606, %mul3A_757 : vector<16xf32>
    %broadcast_in_dim3A_759 = arith.constant 0.000000e+00 : f32
    %broadcast_in_dim3A_760 = vector.broadcast %broadcast_in_dim3A_759 : f32 to vector<16xf32>
    %get3A_761 = arith.constant 9 : i32
    %get3A_762 = arith.index_cast %get3A_761 : i32 to index
    %get3A_763 = arith.constant 16 : index
    %get3A_764 = tpu.vector_load %arg7[%get3A_762, %get3A_763] {strides = array<i32>} : memref<15x128xf32, #tpu.memory_space<vmem>>, vector<16xf32>,
    %sub3A_765 = arith.subf %get3A_764, %select_n3A_652 : vector<16xf32>
    %mul3A_766 = arith.mulf %sub3A_765, %sub3A_765 : vector<16xf32>
    %add3A_767 = arith.addf %broadcast_in_dim3A_760, %mul3A_766 : vector<16xf32>
    %get3A_768 = arith.constant 10 : i32
    %get3A_769 = arith.index_cast %get3A_768 : i32 to index
    %get3A_770 = arith.constant 16 : index
    %get3A_771 = tpu.vector_load %arg7[%get3A_769, %get3A_770] {strides = array<i32>} : memref<15x128xf32, #tpu.memory_space<vmem>>, vector<16xf32>,
    %sub3A_772 = arith.subf %get3A_771, %select_n3A_660 : vector<16xf32>
    %mul3A_773 = arith.mulf %sub3A_772, %sub3A_772 : vector<16xf32>
    %add3A_774 = arith.addf %add3A_767, %mul3A_773 : vector<16xf32>
    %get3A_775 = arith.constant 11 : i32
    %get3A_776 = arith.index_cast %get3A_775 : i32 to index
    %get3A_777 = arith.constant 16 : index
    %get3A_778 = tpu.vector_load %arg7[%get3A_776, %get3A_777] {strides = array<i32>} : memref<15x128xf32, #tpu.memory_space<vmem>>, vector<16xf32>,
    %sub3A_779 = arith.subf %get3A_778, %select_n3A_668 : vector<16xf32>
    %mul3A_780 = arith.mulf %sub3A_779, %sub3A_779 : vector<16xf32>
    %add3A_781 = arith.addf %add3A_774, %mul3A_780 : vector<16xf32>
    %get3A_782 = arith.constant 3 : i32
    %get3A_783 = arith.index_cast %get3A_782 : i32 to index
    %get3A_784 = arith.constant 16 : index
    %get3A_785 = tpu.vector_load %arg8[%get3A_783, %get3A_784] {strides = array<i32>} : memref<4x128xf32, #tpu.memory_space<vmem>>, vector<16xf32>,
    %mul3A_786 = arith.mulf %gather3A_644, %get3A_785 : vector<16xf32>
    %mul3A_787 = arith.mulf %mul3A_786, %add3A_781 : vector<16xf32>
    %add3A_788 = arith.addf %add3A_636, %mul3A_787 : vector<16xf32>
    %get3A_789 = arith.constant 0 : i32
    %get3A_790 = arith.index_cast %get3A_789 : i32 to index
    %get3A_791 = arith.constant 16 : index
    %get3A_792 = tpu.vector_load %arg8[%get3A_790, %get3A_791] {strides = array<i32>} : memref<4x128xf32, #tpu.memory_space<vmem>>, vector<16xf32>,
    %add3A_793 = arith.addf %add3A_641, %get3A_792 : vector<16xf32>
    %get3A_794 = arith.constant 32 : index
    %get3A_795 = tpu.vector_load %arg9[%get3A_794] {strides = array<i32>} : memref<128xi32, #tpu.memory_space<vmem>>, vector<16xi32>,
    %gather3A_796 = tpu.vector_load_idx %arg11[%get3A_795] : memref<256xf32, #tpu.memory_space<vmem>>[vector<16xi32>], vector<16xf32>,
    %get3A_797 = arith.constant 12 : i32
    %get3A_798 = arith.index_cast %get3A_797 : i32 to index
    %get3A_799 = arith.constant 32 : index
    %get3A_800 = tpu.vector_load %arg7[%get3A_798, %get3A_799] {strides = array<i32>} : memref<15x128xf32, #tpu.memory_space<vmem>>, vector<16xf32>,
    %ne3A_801 = arith.cmpf one, %get3A_800, %get3A_800 : vector<16xf32>
    %jit3A_802 = arith.constant 0.000000e+00 : f32
    %broadcast_in_dim3A_803 = vector.broadcast %jit3A_802 : f32 to vector<16xf32>
    %select_n3A_804 = arith.select %ne3A_801, %broadcast_in_dim3A_803, %get3A_800 : vector<16xi1>, vector<16xf32>
    %get3A_805 = arith.constant 13 : i32
    %get3A_806 = arith.index_cast %get3A_805 : i32 to index
    %get3A_807 = arith.constant 32 : index
    %get3A_808 = tpu.vector_load %arg7[%get3A_806, %get3A_807] {strides = array<i32>} : memref<15x128xf32, #tpu.memory_space<vmem>>, vector<16xf32>,
    %ne3A_809 = arith.cmpf one, %get3A_808, %get3A_808 : vector<16xf32>
    %jit3A_810 = arith.constant 0.000000e+00 : f32
    %broadcast_in_dim3A_811 = vector.broadcast %jit3A_810 : f32 to vector<16xf32>
    %select_n3A_812 = arith.select %ne3A_809, %broadcast_in_dim3A_811, %get3A_808 : vector<16xi1>, vector<16xf32>
    %get3A_813 = arith.constant 14 : i32
    %get3A_814 = arith.index_cast %get3A_813 : i32 to index
    %get3A_815 = arith.constant 32 : index
    %get3A_816 = tpu.vector_load %arg7[%get3A_814, %get3A_815] {strides = array<i32>} : memref<15x128xf32, #tpu.memory_space<vmem>>, vector<16xf32>,
    %ne3A_817 = arith.cmpf one, %get3A_816, %get3A_816 : vector<16xf32>
    %jit3A_818 = arith.constant 0.000000e+00 : f32
    %broadcast_in_dim3A_819 = vector.broadcast %jit3A_818 : f32 to vector<16xf32>
    %select_n3A_820 = arith.select %ne3A_817, %broadcast_in_dim3A_819, %get3A_816 : vector<16xi1>, vector<16xf32>
    %broadcast_in_dim3A_821 = arith.constant 0.000000e+00 : f32
    %broadcast_in_dim3A_822 = vector.broadcast %broadcast_in_dim3A_821 : f32 to vector<16xf32>
    %get3A_823 = arith.constant 0 : i32
    %get3A_824 = arith.index_cast %get3A_823 : i32 to index
    %get3A_825 = arith.constant 32 : index
    %get3A_826 = tpu.vector_load %arg7[%get3A_824, %get3A_825] {strides = array<i32>} : memref<15x128xf32, #tpu.memory_space<vmem>>, vector<16xf32>,
    %sub3A_827 = arith.subf %get3A_826, %select_n3A_804 : vector<16xf32>
    %mul3A_828 = arith.mulf %sub3A_827, %sub3A_827 : vector<16xf32>
    %add3A_829 = arith.addf %broadcast_in_dim3A_822, %mul3A_828 : vector<16xf32>
    %get3A_830 = arith.constant 1 : i32
    %get3A_831 = arith.index_cast %get3A_830 : i32 to index
    %get3A_832 = arith.constant 32 : index
    %get3A_833 = tpu.vector_load %arg7[%get3A_831, %get3A_832] {strides = array<i32>} : memref<15x128xf32, #tpu.memory_space<vmem>>, vector<16xf32>,
    %sub3A_834 = arith.subf %get3A_833, %select_n3A_812 : vector<16xf32>
    %mul3A_835 = arith.mulf %sub3A_834, %sub3A_834 : vector<16xf32>
    %add3A_836 = arith.addf %add3A_829, %mul3A_835 : vector<16xf32>
    %get3A_837 = arith.constant 2 : i32
    %get3A_838 = arith.index_cast %get3A_837 : i32 to index
    %get3A_839 = arith.constant 32 : index
    %get3A_840 = tpu.vector_load %arg7[%get3A_838, %get3A_839] {strides = array<i32>} : memref<15x128xf32, #tpu.memory_space<vmem>>, vector<16xf32>,
    %sub3A_841 = arith.subf %get3A_840, %select_n3A_820 : vector<16xf32>
    %mul3A_842 = arith.mulf %sub3A_841, %sub3A_841 : vector<16xf32>
    %add3A_843 = arith.addf %add3A_836, %mul3A_842 : vector<16xf32>
    %get3A_844 = arith.constant 0 : i32
    %get3A_845 = arith.index_cast %get3A_844 : i32 to index
    %get3A_846 = arith.constant 32 : index
    %get3A_847 = tpu.vector_load %arg8[%get3A_845, %get3A_846] {strides = array<i32>} : memref<4x128xf32, #tpu.memory_space<vmem>>, vector<16xf32>,
    %mul3A_848 = arith.mulf %gather3A_796, %get3A_847 : vector<16xf32>
    %mul3A_849 = arith.mulf %mul3A_848, %add3A_843 : vector<16xf32>
    %add3A_850 = arith.addf %add3A_698, %mul3A_849 : vector<16xf32>
    %broadcast_in_dim3A_851 = arith.constant 0.000000e+00 : f32
    %broadcast_in_dim3A_852 = vector.broadcast %broadcast_in_dim3A_851 : f32 to vector<16xf32>
    %get3A_853 = arith.constant 3 : i32
    %get3A_854 = arith.index_cast %get3A_853 : i32 to index
    %get3A_855 = arith.constant 32 : index
    %get3A_856 = tpu.vector_load %arg7[%get3A_854, %get3A_855] {strides = array<i32>} : memref<15x128xf32, #tpu.memory_space<vmem>>, vector<16xf32>,
    %sub3A_857 = arith.subf %get3A_856, %select_n3A_804 : vector<16xf32>
    %mul3A_858 = arith.mulf %sub3A_857, %sub3A_857 : vector<16xf32>
    %add3A_859 = arith.addf %broadcast_in_dim3A_852, %mul3A_858 : vector<16xf32>
    %get3A_860 = arith.constant 4 : i32
    %get3A_861 = arith.index_cast %get3A_860 : i32 to index
    %get3A_862 = arith.constant 32 : index
    %get3A_863 = tpu.vector_load %arg7[%get3A_861, %get3A_862] {strides = array<i32>} : memref<15x128xf32, #tpu.memory_space<vmem>>, vector<16xf32>,
    %sub3A_864 = arith.subf %get3A_863, %select_n3A_812 : vector<16xf32>
    %mul3A_865 = arith.mulf %sub3A_864, %sub3A_864 : vector<16xf32>
    %add3A_866 = arith.addf %add3A_859, %mul3A_865 : vector<16xf32>
    %get3A_867 = arith.constant 5 : i32
    %get3A_868 = arith.index_cast %get3A_867 : i32 to index
    %get3A_869 = arith.constant 32 : index
    %get3A_870 = tpu.vector_load %arg7[%get3A_868, %get3A_869] {strides = array<i32>} : memref<15x128xf32, #tpu.memory_space<vmem>>, vector<16xf32>,
    %sub3A_871 = arith.subf %get3A_870, %select_n3A_820 : vector<16xf32>
    %mul3A_872 = arith.mulf %sub3A_871, %sub3A_871 : vector<16xf32>
    %add3A_873 = arith.addf %add3A_866, %mul3A_872 : vector<16xf32>
    %get3A_874 = arith.constant 1 : i32
    %get3A_875 = arith.index_cast %get3A_874 : i32 to index
    %get3A_876 = arith.constant 32 : index
    %get3A_877 = tpu.vector_load %arg8[%get3A_875, %get3A_876] {strides = array<i32>} : memref<4x128xf32, #tpu.memory_space<vmem>>, vector<16xf32>,
    %mul3A_878 = arith.mulf %gather3A_796, %get3A_877 : vector<16xf32>
    %mul3A_879 = arith.mulf %mul3A_878, %add3A_873 : vector<16xf32>
    %add3A_880 = arith.addf %add3A_728, %mul3A_879 : vector<16xf32>
    %broadcast_in_dim3A_881 = arith.constant 0.000000e+00 : f32
    %broadcast_in_dim3A_882 = vector.broadcast %broadcast_in_dim3A_881 : f32 to vector<16xf32>
    %get3A_883 = arith.constant 6 : i32
    %get3A_884 = arith.index_cast %get3A_883 : i32 to index
    %get3A_885 = arith.constant 32 : index
    %get3A_886 = tpu.vector_load %arg7[%get3A_884, %get3A_885] {strides = array<i32>} : memref<15x128xf32, #tpu.memory_space<vmem>>, vector<16xf32>,
    %sub3A_887 = arith.subf %get3A_886, %select_n3A_804 : vector<16xf32>
    %mul3A_888 = arith.mulf %sub3A_887, %sub3A_887 : vector<16xf32>
    %add3A_889 = arith.addf %broadcast_in_dim3A_882, %mul3A_888 : vector<16xf32>
    %get3A_890 = arith.constant 7 : i32
    %get3A_891 = arith.index_cast %get3A_890 : i32 to index
    %get3A_892 = arith.constant 32 : index
    %get3A_893 = tpu.vector_load %arg7[%get3A_891, %get3A_892] {strides = array<i32>} : memref<15x128xf32, #tpu.memory_space<vmem>>, vector<16xf32>,
    %sub3A_894 = arith.subf %get3A_893, %select_n3A_812 : vector<16xf32>
    %mul3A_895 = arith.mulf %sub3A_894, %sub3A_894 : vector<16xf32>
    %add3A_896 = arith.addf %add3A_889, %mul3A_895 : vector<16xf32>
    %get3A_897 = arith.constant 8 : i32
    %get3A_898 = arith.index_cast %get3A_897 : i32 to index
    %get3A_899 = arith.constant 32 : index
    %get3A_900 = tpu.vector_load %arg7[%get3A_898, %get3A_899] {strides = array<i32>} : memref<15x128xf32, #tpu.memory_space<vmem>>, vector<16xf32>,
    %sub3A_901 = arith.subf %get3A_900, %select_n3A_820 : vector<16xf32>
    %mul3A_902 = arith.mulf %sub3A_901, %sub3A_901 : vector<16xf32>
    %add3A_903 = arith.addf %add3A_896, %mul3A_902 : vector<16xf32>
    %get3A_904 = arith.constant 2 : i32
    %get3A_905 = arith.index_cast %get3A_904 : i32 to index
    %get3A_906 = arith.constant 32 : index
    %get3A_907 = tpu.vector_load %arg8[%get3A_905, %get3A_906] {strides = array<i32>} : memref<4x128xf32, #tpu.memory_space<vmem>>, vector<16xf32>,
    %mul3A_908 = arith.mulf %gather3A_796, %get3A_907 : vector<16xf32>
    %mul3A_909 = arith.mulf %mul3A_908, %add3A_903 : vector<16xf32>
    %add3A_910 = arith.addf %add3A_758, %mul3A_909 : vector<16xf32>
    %broadcast_in_dim3A_911 = arith.constant 0.000000e+00 : f32
    %broadcast_in_dim3A_912 = vector.broadcast %broadcast_in_dim3A_911 : f32 to vector<16xf32>
    %get3A_913 = arith.constant 9 : i32
    %get3A_914 = arith.index_cast %get3A_913 : i32 to index
    %get3A_915 = arith.constant 32 : index
    %get3A_916 = tpu.vector_load %arg7[%get3A_914, %get3A_915] {strides = array<i32>} : memref<15x128xf32, #tpu.memory_space<vmem>>, vector<16xf32>,
    %sub3A_917 = arith.subf %get3A_916, %select_n3A_804 : vector<16xf32>
    %mul3A_918 = arith.mulf %sub3A_917, %sub3A_917 : vector<16xf32>
    %add3A_919 = arith.addf %broadcast_in_dim3A_912, %mul3A_918 : vector<16xf32>
    %get3A_920 = arith.constant 10 : i32
    %get3A_921 = arith.index_cast %get3A_920 : i32 to index
    %get3A_922 = arith.constant 32 : index
    %get3A_923 = tpu.vector_load %arg7[%get3A_921, %get3A_922] {strides = array<i32>} : memref<15x128xf32, #tpu.memory_space<vmem>>, vector<16xf32>,
    %sub3A_924 = arith.subf %get3A_923, %select_n3A_812 : vector<16xf32>
    %mul3A_925 = arith.mulf %sub3A_924, %sub3A_924 : vector<16xf32>
    %add3A_926 = arith.addf %add3A_919, %mul3A_925 : vector<16xf32>
    %get3A_927 = arith.constant 11 : i32
    %get3A_928 = arith.index_cast %get3A_927 : i32 to index
    %get3A_929 = arith.constant 32 : index
    %get3A_930 = tpu.vector_load %arg7[%get3A_928, %get3A_929] {strides = array<i32>} : memref<15x128xf32, #tpu.memory_space<vmem>>, vector<16xf32>,
    %sub3A_931 = arith.subf %get3A_930, %select_n3A_820 : vector<16xf32>
    %mul3A_932 = arith.mulf %sub3A_931, %sub3A_931 : vector<16xf32>
    %add3A_933 = arith.addf %add3A_926, %mul3A_932 : vector<16xf32>
    %get3A_934 = arith.constant 3 : i32
    %get3A_935 = arith.index_cast %get3A_934 : i32 to index
    %get3A_936 = arith.constant 32 : index
    %get3A_937 = tpu.vector_load %arg8[%get3A_935, %get3A_936] {strides = array<i32>} : memref<4x128xf32, #tpu.memory_space<vmem>>, vector<16xf32>,
    %mul3A_938 = arith.mulf %gather3A_796, %get3A_937 : vector<16xf32>
    %mul3A_939 = arith.mulf %mul3A_938, %add3A_933 : vector<16xf32>
    %add3A_940 = arith.addf %add3A_788, %mul3A_939 : vector<16xf32>
    %get3A_941 = arith.constant 0 : i32
    %get3A_942 = arith.index_cast %get3A_941 : i32 to index
    %get3A_943 = arith.constant 32 : index
    %get3A_944 = tpu.vector_load %arg8[%get3A_942, %get3A_943] {strides = array<i32>} : memref<4x128xf32, #tpu.memory_space<vmem>>, vector<16xf32>,
    %add3A_945 = arith.addf %add3A_793, %get3A_944 : vector<16xf32>
    %get3A_946 = arith.constant 48 : index
    %get3A_947 = tpu.vector_load %arg9[%get3A_946] {strides = array<i32>} : memref<128xi32, #tpu.memory_space<vmem>>, vector<16xi32>,
    %gather3A_948 = tpu.vector_load_idx %arg11[%get3A_947] : memref<256xf32, #tpu.memory_space<vmem>>[vector<16xi32>], vector<16xf32>,
    %get3A_949 = arith.constant 12 : i32
    %get3A_950 = arith.index_cast %get3A_949 : i32 to index
    %get3A_951 = arith.constant 48 : index
    %get3A_952 = tpu.vector_load %arg7[%get3A_950, %get3A_951] {strides = array<i32>} : memref<15x128xf32, #tpu.memory_space<vmem>>, vector<16xf32>,
    %ne3A_953 = arith.cmpf one, %get3A_952, %get3A_952 : vector<16xf32>
    %jit3A_954 = arith.constant 0.000000e+00 : f32
    %broadcast_in_dim3A_955 = vector.broadcast %jit3A_954 : f32 to vector<16xf32>
    %select_n3A_956 = arith.select %ne3A_953, %broadcast_in_dim3A_955, %get3A_952 : vector<16xi1>, vector<16xf32>
    %get3A_957 = arith.constant 13 : i32
    %get3A_958 = arith.index_cast %get3A_957 : i32 to index
    %get3A_959 = arith.constant 48 : index
    %get3A_960 = tpu.vector_load %arg7[%get3A_958, %get3A_959] {strides = array<i32>} : memref<15x128xf32, #tpu.memory_space<vmem>>, vector<16xf32>,
    %ne3A_961 = arith.cmpf one, %get3A_960, %get3A_960 : vector<16xf32>
    %jit3A_962 = arith.constant 0.000000e+00 : f32
    %broadcast_in_dim3A_963 = vector.broadcast %jit3A_962 : f32 to vector<16xf32>
    %select_n3A_964 = arith.select %ne3A_961, %broadcast_in_dim3A_963, %get3A_960 : vector<16xi1>, vector<16xf32>
    %get3A_965 = arith.constant 14 : i32
    %get3A_966 = arith.index_cast %get3A_965 : i32 to index
    %get3A_967 = arith.constant 48 : index
    %get3A_968 = tpu.vector_load %arg7[%get3A_966, %get3A_967] {strides = array<i32>} : memref<15x128xf32, #tpu.memory_space<vmem>>, vector<16xf32>,
    %ne3A_969 = arith.cmpf one, %get3A_968, %get3A_968 : vector<16xf32>
    %jit3A_970 = arith.constant 0.000000e+00 : f32
    %broadcast_in_dim3A_971 = vector.broadcast %jit3A_970 : f32 to vector<16xf32>
    %select_n3A_972 = arith.select %ne3A_969, %broadcast_in_dim3A_971, %get3A_968 : vector<16xi1>, vector<16xf32>
    %broadcast_in_dim3A_973 = arith.constant 0.000000e+00 : f32
    %broadcast_in_dim3A_974 = vector.broadcast %broadcast_in_dim3A_973 : f32 to vector<16xf32>
    %get3A_975 = arith.constant 0 : i32
    %get3A_976 = arith.index_cast %get3A_975 : i32 to index
    %get3A_977 = arith.constant 48 : index
    %get3A_978 = tpu.vector_load %arg7[%get3A_976, %get3A_977] {strides = array<i32>} : memref<15x128xf32, #tpu.memory_space<vmem>>, vector<16xf32>,
    %sub3A_979 = arith.subf %get3A_978, %select_n3A_956 : vector<16xf32>
    %mul3A_980 = arith.mulf %sub3A_979, %sub3A_979 : vector<16xf32>
    %add3A_981 = arith.addf %broadcast_in_dim3A_974, %mul3A_980 : vector<16xf32>
    %get3A_982 = arith.constant 1 : i32
    %get3A_983 = arith.index_cast %get3A_982 : i32 to index
    %get3A_984 = arith.constant 48 : index
    %get3A_985 = tpu.vector_load %arg7[%get3A_983, %get3A_984] {strides = array<i32>} : memref<15x128xf32, #tpu.memory_space<vmem>>, vector<16xf32>,
    %sub3A_986 = arith.subf %get3A_985, %select_n3A_964 : vector<16xf32>
    %mul3A_987 = arith.mulf %sub3A_986, %sub3A_986 : vector<16xf32>
    %add3A_988 = arith.addf %add3A_981, %mul3A_987 : vector<16xf32>
    %get3A_989 = arith.constant 2 : i32
    %get3A_990 = arith.index_cast %get3A_989 : i32 to index
    %get3A_991 = arith.constant 48 : index
    %get3A_992 = tpu.vector_load %arg7[%get3A_990, %get3A_991] {strides = array<i32>} : memref<15x128xf32, #tpu.memory_space<vmem>>, vector<16xf32>,
    %sub3A_993 = arith.subf %get3A_992, %select_n3A_972 : vector<16xf32>
    %mul3A_994 = arith.mulf %sub3A_993, %sub3A_993 : vector<16xf32>
    %add3A_995 = arith.addf %add3A_988, %mul3A_994 : vector<16xf32>
    %get3A_996 = arith.constant 0 : i32
    %get3A_997 = arith.index_cast %get3A_996 : i32 to index
    %get3A_998 = arith.constant 48 : index
    %get3A_999 = tpu.vector_load %arg8[%get3A_997, %get3A_998] {strides = array<i32>} : memref<4x128xf32, #tpu.memory_space<vmem>>, vector<16xf32>,
    %mul3A_1000 = arith.mulf %gather3A_948, %get3A_999 : vector<16xf32>
    %mul3A_1001 = arith.mulf %mul3A_1000, %add3A_995 : vector<16xf32>
    %add3A_1002 = arith.addf %add3A_850, %mul3A_1001 : vector<16xf32>
    %broadcast_in_dim3A_1003 = arith.constant 0.000000e+00 : f32
    %broadcast_in_dim3A_1004 = vector.broadcast %broadcast_in_dim3A_1003 : f32 to vector<16xf32>
    %get3A_1005 = arith.constant 3 : i32
    %get3A_1006 = arith.index_cast %get3A_1005 : i32 to index
    %get3A_1007 = arith.constant 48 : index
    %get3A_1008 = tpu.vector_load %arg7[%get3A_1006, %get3A_1007] {strides = array<i32>} : memref<15x128xf32, #tpu.memory_space<vmem>>, vector<16xf32>,
    %sub3A_1009 = arith.subf %get3A_1008, %select_n3A_956 : vector<16xf32>
    %mul3A_1010 = arith.mulf %sub3A_1009, %sub3A_1009 : vector<16xf32>
    %add3A_1011 = arith.addf %broadcast_in_dim3A_1004, %mul3A_1010 : vector<16xf32>
    %get3A_1012 = arith.constant 4 : i32
    %get3A_1013 = arith.index_cast %get3A_1012 : i32 to index
    %get3A_1014 = arith.constant 48 : index
    %get3A_1015 = tpu.vector_load %arg7[%get3A_1013, %get3A_1014] {strides = array<i32>} : memref<15x128xf32, #tpu.memory_space<vmem>>, vector<16xf32>,
    %sub3A_1016 = arith.subf %get3A_1015, %select_n3A_964 : vector<16xf32>
    %mul3A_1017 = arith.mulf %sub3A_1016, %sub3A_1016 : vector<16xf32>
    %add3A_1018 = arith.addf %add3A_1011, %mul3A_1017 : vector<16xf32>
    %get3A_1019 = arith.constant 5 : i32
    %get3A_1020 = arith.index_cast %get3A_1019 : i32 to index
    %get3A_1021 = arith.constant 48 : index
    %get3A_1022 = tpu.vector_load %arg7[%get3A_1020, %get3A_1021] {strides = array<i32>} : memref<15x128xf32, #tpu.memory_space<vmem>>, vector<16xf32>,
    %sub3A_1023 = arith.subf %get3A_1022, %select_n3A_972 : vector<16xf32>
    %mul3A_1024 = arith.mulf %sub3A_1023, %sub3A_1023 : vector<16xf32>
    %add3A_1025 = arith.addf %add3A_1018, %mul3A_1024 : vector<16xf32>
    %get3A_1026 = arith.constant 1 : i32
    %get3A_1027 = arith.index_cast %get3A_1026 : i32 to index
    %get3A_1028 = arith.constant 48 : index
    %get3A_1029 = tpu.vector_load %arg8[%get3A_1027, %get3A_1028] {strides = array<i32>} : memref<4x128xf32, #tpu.memory_space<vmem>>, vector<16xf32>,
    %mul3A_1030 = arith.mulf %gather3A_948, %get3A_1029 : vector<16xf32>
    %mul3A_1031 = arith.mulf %mul3A_1030, %add3A_1025 : vector<16xf32>
    %add3A_1032 = arith.addf %add3A_880, %mul3A_1031 : vector<16xf32>
    %broadcast_in_dim3A_1033 = arith.constant 0.000000e+00 : f32
    %broadcast_in_dim3A_1034 = vector.broadcast %broadcast_in_dim3A_1033 : f32 to vector<16xf32>
    %get3A_1035 = arith.constant 6 : i32
    %get3A_1036 = arith.index_cast %get3A_1035 : i32 to index
    %get3A_1037 = arith.constant 48 : index
    %get3A_1038 = tpu.vector_load %arg7[%get3A_1036, %get3A_1037] {strides = array<i32>} : memref<15x128xf32, #tpu.memory_space<vmem>>, vector<16xf32>,
    %sub3A_1039 = arith.subf %get3A_1038, %select_n3A_956 : vector<16xf32>
    %mul3A_1040 = arith.mulf %sub3A_1039, %sub3A_1039 : vector<16xf32>
    %add3A_1041 = arith.addf %broadcast_in_dim3A_1034, %mul3A_1040 : vector<16xf32>
    %get3A_1042 = arith.constant 7 : i32
    %get3A_1043 = arith.index_cast %get3A_1042 : i32 to index
    %get3A_1044 = arith.constant 48 : index
    %get3A_1045 = tpu.vector_load %arg7[%get3A_1043, %get3A_1044] {strides = array<i32>} : memref<15x128xf32, #tpu.memory_space<vmem>>, vector<16xf32>,
    %sub3A_1046 = arith.subf %get3A_1045, %select_n3A_964 : vector<16xf32>
    %mul3A_1047 = arith.mulf %sub3A_1046, %sub3A_1046 : vector<16xf32>
    %add3A_1048 = arith.addf %add3A_1041, %mul3A_1047 : vector<16xf32>
    %get3A_1049 = arith.constant 8 : i32
    %get3A_1050 = arith.index_cast %get3A_1049 : i32 to index
    %get3A_1051 = arith.constant 48 : index
    %get3A_1052 = tpu.vector_load %arg7[%get3A_1050, %get3A_1051] {strides = array<i32>} : memref<15x128xf32, #tpu.memory_space<vmem>>, vector<16xf32>,
    %sub3A_1053 = arith.subf %get3A_1052, %select_n3A_972 : vector<16xf32>
    %mul3A_1054 = arith.mulf %sub3A_1053, %sub3A_1053 : vector<16xf32>
    %add3A_1055 = arith.addf %add3A_1048, %mul3A_1054 : vector<16xf32>
    %get3A_1056 = arith.constant 2 : i32
    %get3A_1057 = arith.index_cast %get3A_1056 : i32 to index
    %get3A_1058 = arith.constant 48 : index
    %get3A_1059 = tpu.vector_load %arg8[%get3A_1057, %get3A_1058] {strides = array<i32>} : memref<4x128xf32, #tpu.memory_space<vmem>>, vector<16xf32>,
    %mul3A_1060 = arith.mulf %gather3A_948, %get3A_1059 : vector<16xf32>
    %mul3A_1061 = arith.mulf %mul3A_1060, %add3A_1055 : vector<16xf32>
    %add3A_1062 = arith.addf %add3A_910, %mul3A_1061 : vector<16xf32>
    %broadcast_in_dim3A_1063 = arith.constant 0.000000e+00 : f32
    %broadcast_in_dim3A_1064 = vector.broadcast %broadcast_in_dim3A_1063 : f32 to vector<16xf32>
    %get3A_1065 = arith.constant 9 : i32
    %get3A_1066 = arith.index_cast %get3A_1065 : i32 to index
    %get3A_1067 = arith.constant 48 : index
    %get3A_1068 = tpu.vector_load %arg7[%get3A_1066, %get3A_1067] {strides = array<i32>} : memref<15x128xf32, #tpu.memory_space<vmem>>, vector<16xf32>,
    %sub3A_1069 = arith.subf %get3A_1068, %select_n3A_956 : vector<16xf32>
    %mul3A_1070 = arith.mulf %sub3A_1069, %sub3A_1069 : vector<16xf32>
    %add3A_1071 = arith.addf %broadcast_in_dim3A_1064, %mul3A_1070 : vector<16xf32>
    %get3A_1072 = arith.constant 10 : i32
    %get3A_1073 = arith.index_cast %get3A_1072 : i32 to index
    %get3A_1074 = arith.constant 48 : index
    %get3A_1075 = tpu.vector_load %arg7[%get3A_1073, %get3A_1074] {strides = array<i32>} : memref<15x128xf32, #tpu.memory_space<vmem>>, vector<16xf32>,
    %sub3A_1076 = arith.subf %get3A_1075, %select_n3A_964 : vector<16xf32>
    %mul3A_1077 = arith.mulf %sub3A_1076, %sub3A_1076 : vector<16xf32>
    %add3A_1078 = arith.addf %add3A_1071, %mul3A_1077 : vector<16xf32>
    %get3A_1079 = arith.constant 11 : i32
    %get3A_1080 = arith.index_cast %get3A_1079 : i32 to index
    %get3A_1081 = arith.constant 48 : index
    %get3A_1082 = tpu.vector_load %arg7[%get3A_1080, %get3A_1081] {strides = array<i32>} : memref<15x128xf32, #tpu.memory_space<vmem>>, vector<16xf32>,
    %sub3A_1083 = arith.subf %get3A_1082, %select_n3A_972 : vector<16xf32>
    %mul3A_1084 = arith.mulf %sub3A_1083, %sub3A_1083 : vector<16xf32>
    %add3A_1085 = arith.addf %add3A_1078, %mul3A_1084 : vector<16xf32>
    %get3A_1086 = arith.constant 3 : i32
    %get3A_1087 = arith.index_cast %get3A_1086 : i32 to index
    %get3A_1088 = arith.constant 48 : index
    %get3A_1089 = tpu.vector_load %arg8[%get3A_1087, %get3A_1088] {strides = array<i32>} : memref<4x128xf32, #tpu.memory_space<vmem>>, vector<16xf32>,
    %mul3A_1090 = arith.mulf %gather3A_948, %get3A_1089 : vector<16xf32>
    %mul3A_1091 = arith.mulf %mul3A_1090, %add3A_1085 : vector<16xf32>
    %add3A_1092 = arith.addf %add3A_940, %mul3A_1091 : vector<16xf32>
    %get3A_1093 = arith.constant 0 : i32
    %get3A_1094 = arith.index_cast %get3A_1093 : i32 to index
    %get3A_1095 = arith.constant 48 : index
    %get3A_1096 = tpu.vector_load %arg8[%get3A_1094, %get3A_1095] {strides = array<i32>} : memref<4x128xf32, #tpu.memory_space<vmem>>, vector<16xf32>,
    %add3A_1097 = arith.addf %add3A_945, %get3A_1096 : vector<16xf32>
    %get3A_1098 = arith.constant 64 : index
    %get3A_1099 = tpu.vector_load %arg9[%get3A_1098] {strides = array<i32>} : memref<128xi32, #tpu.memory_space<vmem>>, vector<16xi32>,
    %gather3A_1100 = tpu.vector_load_idx %arg11[%get3A_1099] : memref<256xf32, #tpu.memory_space<vmem>>[vector<16xi32>], vector<16xf32>,
    %get3A_1101 = arith.constant 12 : i32
    %get3A_1102 = arith.index_cast %get3A_1101 : i32 to index
    %get3A_1103 = arith.constant 64 : index
    %get3A_1104 = tpu.vector_load %arg7[%get3A_1102, %get3A_1103] {strides = array<i32>} : memref<15x128xf32, #tpu.memory_space<vmem>>, vector<16xf32>,
    %ne3A_1105 = arith.cmpf one, %get3A_1104, %get3A_1104 : vector<16xf32>
    %jit3A_1106 = arith.constant 0.000000e+00 : f32
    %broadcast_in_dim3A_1107 = vector.broadcast %jit3A_1106 : f32 to vector<16xf32>
    %select_n3A_1108 = arith.select %ne3A_1105, %broadcast_in_dim3A_1107, %get3A_1104 : vector<16xi1>, vector<16xf32>
    %get3A_1109 = arith.constant 13 : i32
    %get3A_1110 = arith.index_cast %get3A_1109 : i32 to index
    %get3A_1111 = arith.constant 64 : index
    %get3A_1112 = tpu.vector_load %arg7[%get3A_1110, %get3A_1111] {strides = array<i32>} : memref<15x128xf32, #tpu.memory_space<vmem>>, vector<16xf32>,
    %ne3A_1113 = arith.cmpf one, %get3A_1112, %get3A_1112 : vector<16xf32>
    %jit3A_1114 = arith.constant 0.000000e+00 : f32
    %broadcast_in_dim3A_1115 = vector.broadcast %jit3A_1114 : f32 to vector<16xf32>
    %select_n3A_1116 = arith.select %ne3A_1113, %broadcast_in_dim3A_1115, %get3A_1112 : vector<16xi1>, vector<16xf32>
    %get3A_1117 = arith.constant 14 : i32
    %get3A_1118 = arith.index_cast %get3A_1117 : i32 to index
    %get3A_1119 = arith.constant 64 : index
    %get3A_1120 = tpu.vector_load %arg7[%get3A_1118, %get3A_1119] {strides = array<i32>} : memref<15x128xf32, #tpu.memory_space<vmem>>, vector<16xf32>,
    %ne3A_1121 = arith.cmpf one, %get3A_1120, %get3A_1120 : vector<16xf32>
    %jit3A_1122 = arith.constant 0.000000e+00 : f32
    %broadcast_in_dim3A_1123 = vector.broadcast %jit3A_1122 : f32 to vector<16xf32>
    %select_n3A_1124 = arith.select %ne3A_1121, %broadcast_in_dim3A_1123, %get3A_1120 : vector<16xi1>, vector<16xf32>
    %broadcast_in_dim3A_1125 = arith.constant 0.000000e+00 : f32
    %broadcast_in_dim3A_1126 = vector.broadcast %broadcast_in_dim3A_1125 : f32 to vector<16xf32>
    %get3A_1127 = arith.constant 0 : i32
    %get3A_1128 = arith.index_cast %get3A_1127 : i32 to index
    %get3A_1129 = arith.constant 64 : index
    %get3A_1130 = tpu.vector_load %arg7[%get3A_1128, %get3A_1129] {strides = array<i32>} : memref<15x128xf32, #tpu.memory_space<vmem>>, vector<16xf32>,
    %sub3A_1131 = arith.subf %get3A_1130, %select_n3A_1108 : vector<16xf32>
    %mul3A_1132 = arith.mulf %sub3A_1131, %sub3A_1131 : vector<16xf32>
    %add3A_1133 = arith.addf %broadcast_in_dim3A_1126, %mul3A_1132 : vector<16xf32>
    %get3A_1134 = arith.constant 1 : i32
    %get3A_1135 = arith.index_cast %get3A_1134 : i32 to index
    %get3A_1136 = arith.constant 64 : index
    %get3A_1137 = tpu.vector_load %arg7[%get3A_1135, %get3A_1136] {strides = array<i32>} : memref<15x128xf32, #tpu.memory_space<vmem>>, vector<16xf32>,
    %sub3A_1138 = arith.subf %get3A_1137, %select_n3A_1116 : vector<16xf32>
    %mul3A_1139 = arith.mulf %sub3A_1138, %sub3A_1138 : vector<16xf32>
    %add3A_1140 = arith.addf %add3A_1133, %mul3A_1139 : vector<16xf32>
    %get3A_1141 = arith.constant 2 : i32
    %get3A_1142 = arith.index_cast %get3A_1141 : i32 to index
    %get3A_1143 = arith.constant 64 : index
    %get3A_1144 = tpu.vector_load %arg7[%get3A_1142, %get3A_1143] {strides = array<i32>} : memref<15x128xf32, #tpu.memory_space<vmem>>, vector<16xf32>,
    %sub3A_1145 = arith.subf %get3A_1144, %select_n3A_1124 : vector<16xf32>
    %mul3A_1146 = arith.mulf %sub3A_1145, %sub3A_1145 : vector<16xf32>
    %add3A_1147 = arith.addf %add3A_1140, %mul3A_1146 : vector<16xf32>
    %get3A_1148 = arith.constant 0 : i32
    %get3A_1149 = arith.index_cast %get3A_1148 : i32 to index
    %get3A_1150 = arith.constant 64 : index
    %get3A_1151 = tpu.vector_load %arg8[%get3A_1149, %get3A_1150] {strides = array<i32>} : memref<4x128xf32, #tpu.memory_space<vmem>>, vector<16xf32>,
    %mul3A_1152 = arith.mulf %gather3A_1100, %get3A_1151 : vector<16xf32>
    %mul3A_1153 = arith.mulf %mul3A_1152, %add3A_1147 : vector<16xf32>
    %add3A_1154 = arith.addf %add3A_1002, %mul3A_1153 : vector<16xf32>
    %broadcast_in_dim3A_1155 = arith.constant 0.000000e+00 : f32
    %broadcast_in_dim3A_1156 = vector.broadcast %broadcast_in_dim3A_1155 : f32 to vector<16xf32>
    %get3A_1157 = arith.constant 3 : i32
    %get3A_1158 = arith.index_cast %get3A_1157 : i32 to index
    %get3A_1159 = arith.constant 64 : index
    %get3A_1160 = tpu.vector_load %arg7[%get3A_1158, %get3A_1159] {strides = array<i32>} : memref<15x128xf32, #tpu.memory_space<vmem>>, vector<16xf32>,
    %sub3A_1161 = arith.subf %get3A_1160, %select_n3A_1108 : vector<16xf32>
    %mul3A_1162 = arith.mulf %sub3A_1161, %sub3A_1161 : vector<16xf32>
    %add3A_1163 = arith.addf %broadcast_in_dim3A_1156, %mul3A_1162 : vector<16xf32>
    %get3A_1164 = arith.constant 4 : i32
    %get3A_1165 = arith.index_cast %get3A_1164 : i32 to index
    %get3A_1166 = arith.constant 64 : index
    %get3A_1167 = tpu.vector_load %arg7[%get3A_1165, %get3A_1166] {strides = array<i32>} : memref<15x128xf32, #tpu.memory_space<vmem>>, vector<16xf32>,
    %sub3A_1168 = arith.subf %get3A_1167, %select_n3A_1116 : vector<16xf32>
    %mul3A_1169 = arith.mulf %sub3A_1168, %sub3A_1168 : vector<16xf32>
    %add3A_1170 = arith.addf %add3A_1163, %mul3A_1169 : vector<16xf32>
    %get3A_1171 = arith.constant 5 : i32
    %get3A_1172 = arith.index_cast %get3A_1171 : i32 to index
    %get3A_1173 = arith.constant 64 : index
    %get3A_1174 = tpu.vector_load %arg7[%get3A_1172, %get3A_1173] {strides = array<i32>} : memref<15x128xf32, #tpu.memory_space<vmem>>, vector<16xf32>,
    %sub3A_1175 = arith.subf %get3A_1174, %select_n3A_1124 : vector<16xf32>
    %mul3A_1176 = arith.mulf %sub3A_1175, %sub3A_1175 : vector<16xf32>
    %add3A_1177 = arith.addf %add3A_1170, %mul3A_1176 : vector<16xf32>
    %get3A_1178 = arith.constant 1 : i32
    %get3A_1179 = arith.index_cast %get3A_1178 : i32 to index
    %get3A_1180 = arith.constant 64 : index
    %get3A_1181 = tpu.vector_load %arg8[%get3A_1179, %get3A_1180] {strides = array<i32>} : memref<4x128xf32, #tpu.memory_space<vmem>>, vector<16xf32>,
    %mul3A_1182 = arith.mulf %gather3A_1100, %get3A_1181 : vector<16xf32>
    %mul3A_1183 = arith.mulf %mul3A_1182, %add3A_1177 : vector<16xf32>
    %add3A_1184 = arith.addf %add3A_1032, %mul3A_1183 : vector<16xf32>
    %broadcast_in_dim3A_1185 = arith.constant 0.000000e+00 : f32
    %broadcast_in_dim3A_1186 = vector.broadcast %broadcast_in_dim3A_1185 : f32 to vector<16xf32>
    %get3A_1187 = arith.constant 6 : i32
    %get3A_1188 = arith.index_cast %get3A_1187 : i32 to index
    %get3A_1189 = arith.constant 64 : index
    %get3A_1190 = tpu.vector_load %arg7[%get3A_1188, %get3A_1189] {strides = array<i32>} : memref<15x128xf32, #tpu.memory_space<vmem>>, vector<16xf32>,
    %sub3A_1191 = arith.subf %get3A_1190, %select_n3A_1108 : vector<16xf32>
    %mul3A_1192 = arith.mulf %sub3A_1191, %sub3A_1191 : vector<16xf32>
    %add3A_1193 = arith.addf %broadcast_in_dim3A_1186, %mul3A_1192 : vector<16xf32>
    %get3A_1194 = arith.constant 7 : i32
    %get3A_1195 = arith.index_cast %get3A_1194 : i32 to index
    %get3A_1196 = arith.constant 64 : index
    %get3A_1197 = tpu.vector_load %arg7[%get3A_1195, %get3A_1196] {strides = array<i32>} : memref<15x128xf32, #tpu.memory_space<vmem>>, vector<16xf32>,
    %sub3A_1198 = arith.subf %get3A_1197, %select_n3A_1116 : vector<16xf32>
    %mul3A_1199 = arith.mulf %sub3A_1198, %sub3A_1198 : vector<16xf32>
    %add3A_1200 = arith.addf %add3A_1193, %mul3A_1199 : vector<16xf32>
    %get3A_1201 = arith.constant 8 : i32
    %get3A_1202 = arith.index_cast %get3A_1201 : i32 to index
    %get3A_1203 = arith.constant 64 : index
    %get3A_1204 = tpu.vector_load %arg7[%get3A_1202, %get3A_1203] {strides = array<i32>} : memref<15x128xf32, #tpu.memory_space<vmem>>, vector<16xf32>,
    %sub3A_1205 = arith.subf %get3A_1204, %select_n3A_1124 : vector<16xf32>
    %mul3A_1206 = arith.mulf %sub3A_1205, %sub3A_1205 : vector<16xf32>
    %add3A_1207 = arith.addf %add3A_1200, %mul3A_1206 : vector<16xf32>
    %get3A_1208 = arith.constant 2 : i32
    %get3A_1209 = arith.index_cast %get3A_1208 : i32 to index
    %get3A_1210 = arith.constant 64 : index
    %get3A_1211 = tpu.vector_load %arg8[%get3A_1209, %get3A_1210] {strides = array<i32>} : memref<4x128xf32, #tpu.memory_space<vmem>>, vector<16xf32>,
    %mul3A_1212 = arith.mulf %gather3A_1100, %get3A_1211 : vector<16xf32>
    %mul3A_1213 = arith.mulf %mul3A_1212, %add3A_1207 : vector<16xf32>
    %add3A_1214 = arith.addf %add3A_1062, %mul3A_1213 : vector<16xf32>
    %broadcast_in_dim3A_1215 = arith.constant 0.000000e+00 : f32
    %broadcast_in_dim3A_1216 = vector.broadcast %broadcast_in_dim3A_1215 : f32 to vector<16xf32>
    %get3A_1217 = arith.constant 9 : i32
    %get3A_1218 = arith.index_cast %get3A_1217 : i32 to index
    %get3A_1219 = arith.constant 64 : index
    %get3A_1220 = tpu.vector_load %arg7[%get3A_1218, %get3A_1219] {strides = array<i32>} : memref<15x128xf32, #tpu.memory_space<vmem>>, vector<16xf32>,
    %sub3A_1221 = arith.subf %get3A_1220, %select_n3A_1108 : vector<16xf32>
    %mul3A_1222 = arith.mulf %sub3A_1221, %sub3A_1221 : vector<16xf32>
    %add3A_1223 = arith.addf %broadcast_in_dim3A_1216, %mul3A_1222 : vector<16xf32>
    %get3A_1224 = arith.constant 10 : i32
    %get3A_1225 = arith.index_cast %get3A_1224 : i32 to index
    %get3A_1226 = arith.constant 64 : index
    %get3A_1227 = tpu.vector_load %arg7[%get3A_1225, %get3A_1226] {strides = array<i32>} : memref<15x128xf32, #tpu.memory_space<vmem>>, vector<16xf32>,
    %sub3A_1228 = arith.subf %get3A_1227, %select_n3A_1116 : vector<16xf32>
    %mul3A_1229 = arith.mulf %sub3A_1228, %sub3A_1228 : vector<16xf32>
    %add3A_1230 = arith.addf %add3A_1223, %mul3A_1229 : vector<16xf32>
    %get3A_1231 = arith.constant 11 : i32
    %get3A_1232 = arith.index_cast %get3A_1231 : i32 to index
    %get3A_1233 = arith.constant 64 : index
    %get3A_1234 = tpu.vector_load %arg7[%get3A_1232, %get3A_1233] {strides = array<i32>} : memref<15x128xf32, #tpu.memory_space<vmem>>, vector<16xf32>,
    %sub3A_1235 = arith.subf %get3A_1234, %select_n3A_1124 : vector<16xf32>
    %mul3A_1236 = arith.mulf %sub3A_1235, %sub3A_1235 : vector<16xf32>
    %add3A_1237 = arith.addf %add3A_1230, %mul3A_1236 : vector<16xf32>
    %get3A_1238 = arith.constant 3 : i32
    %get3A_1239 = arith.index_cast %get3A_1238 : i32 to index
    %get3A_1240 = arith.constant 64 : index
    %get3A_1241 = tpu.vector_load %arg8[%get3A_1239, %get3A_1240] {strides = array<i32>} : memref<4x128xf32, #tpu.memory_space<vmem>>, vector<16xf32>,
    %mul3A_1242 = arith.mulf %gather3A_1100, %get3A_1241 : vector<16xf32>
    %mul3A_1243 = arith.mulf %mul3A_1242, %add3A_1237 : vector<16xf32>
    %add3A_1244 = arith.addf %add3A_1092, %mul3A_1243 : vector<16xf32>
    %get3A_1245 = arith.constant 0 : i32
    %get3A_1246 = arith.index_cast %get3A_1245 : i32 to index
    %get3A_1247 = arith.constant 64 : index
    %get3A_1248 = tpu.vector_load %arg8[%get3A_1246, %get3A_1247] {strides = array<i32>} : memref<4x128xf32, #tpu.memory_space<vmem>>, vector<16xf32>,
    %add3A_1249 = arith.addf %add3A_1097, %get3A_1248 : vector<16xf32>
    %get3A_1250 = arith.constant 80 : index
    %get3A_1251 = tpu.vector_load %arg9[%get3A_1250] {strides = array<i32>} : memref<128xi32, #tpu.memory_space<vmem>>, vector<16xi32>,
    %gather3A_1252 = tpu.vector_load_idx %arg11[%get3A_1251] : memref<256xf32, #tpu.memory_space<vmem>>[vector<16xi32>], vector<16xf32>,
    %get3A_1253 = arith.constant 12 : i32
    %get3A_1254 = arith.index_cast %get3A_1253 : i32 to index
    %get3A_1255 = arith.constant 80 : index
    %get3A_1256 = tpu.vector_load %arg7[%get3A_1254, %get3A_1255] {strides = array<i32>} : memref<15x128xf32, #tpu.memory_space<vmem>>, vector<16xf32>,
    %ne3A_1257 = arith.cmpf one, %get3A_1256, %get3A_1256 : vector<16xf32>
    %jit3A_1258 = arith.constant 0.000000e+00 : f32
    %broadcast_in_dim3A_1259 = vector.broadcast %jit3A_1258 : f32 to vector<16xf32>
    %select_n3A_1260 = arith.select %ne3A_1257, %broadcast_in_dim3A_1259, %get3A_1256 : vector<16xi1>, vector<16xf32>
    %get3A_1261 = arith.constant 13 : i32
    %get3A_1262 = arith.index_cast %get3A_1261 : i32 to index
    %get3A_1263 = arith.constant 80 : index
    %get3A_1264 = tpu.vector_load %arg7[%get3A_1262, %get3A_1263] {strides = array<i32>} : memref<15x128xf32, #tpu.memory_space<vmem>>, vector<16xf32>,
    %ne3A_1265 = arith.cmpf one, %get3A_1264, %get3A_1264 : vector<16xf32>
    %jit3A_1266 = arith.constant 0.000000e+00 : f32
    %broadcast_in_dim3A_1267 = vector.broadcast %jit3A_1266 : f32 to vector<16xf32>
    %select_n3A_1268 = arith.select %ne3A_1265, %broadcast_in_dim3A_1267, %get3A_1264 : vector<16xi1>, vector<16xf32>
    %get3A_1269 = arith.constant 14 : i32
    %get3A_1270 = arith.index_cast %get3A_1269 : i32 to index
    %get3A_1271 = arith.constant 80 : index
    %get3A_1272 = tpu.vector_load %arg7[%get3A_1270, %get3A_1271] {strides = array<i32>} : memref<15x128xf32, #tpu.memory_space<vmem>>, vector<16xf32>,
    %ne3A_1273 = arith.cmpf one, %get3A_1272, %get3A_1272 : vector<16xf32>
    %jit3A_1274 = arith.constant 0.000000e+00 : f32
    %broadcast_in_dim3A_1275 = vector.broadcast %jit3A_1274 : f32 to vector<16xf32>
    %select_n3A_1276 = arith.select %ne3A_1273, %broadcast_in_dim3A_1275, %get3A_1272 : vector<16xi1>, vector<16xf32>
    %broadcast_in_dim3A_1277 = arith.constant 0.000000e+00 : f32
    %broadcast_in_dim3A_1278 = vector.broadcast %broadcast_in_dim3A_1277 : f32 to vector<16xf32>
    %get3A_1279 = arith.constant 0 : i32
    %get3A_1280 = arith.index_cast %get3A_1279 : i32 to index
    %get3A_1281 = arith.constant 80 : index
    %get3A_1282 = tpu.vector_load %arg7[%get3A_1280, %get3A_1281] {strides = array<i32>} : memref<15x128xf32, #tpu.memory_space<vmem>>, vector<16xf32>,
    %sub3A_1283 = arith.subf %get3A_1282, %select_n3A_1260 : vector<16xf32>
    %mul3A_1284 = arith.mulf %sub3A_1283, %sub3A_1283 : vector<16xf32>
    %add3A_1285 = arith.addf %broadcast_in_dim3A_1278, %mul3A_1284 : vector<16xf32>
    %get3A_1286 = arith.constant 1 : i32
    %get3A_1287 = arith.index_cast %get3A_1286 : i32 to index
    %get3A_1288 = arith.constant 80 : index
    %get3A_1289 = tpu.vector_load %arg7[%get3A_1287, %get3A_1288] {strides = array<i32>} : memref<15x128xf32, #tpu.memory_space<vmem>>, vector<16xf32>,
    %sub3A_1290 = arith.subf %get3A_1289, %select_n3A_1268 : vector<16xf32>
    %mul3A_1291 = arith.mulf %sub3A_1290, %sub3A_1290 : vector<16xf32>
    %add3A_1292 = arith.addf %add3A_1285, %mul3A_1291 : vector<16xf32>
    %get3A_1293 = arith.constant 2 : i32
    %get3A_1294 = arith.index_cast %get3A_1293 : i32 to index
    %get3A_1295 = arith.constant 80 : index
    %get3A_1296 = tpu.vector_load %arg7[%get3A_1294, %get3A_1295] {strides = array<i32>} : memref<15x128xf32, #tpu.memory_space<vmem>>, vector<16xf32>,
    %sub3A_1297 = arith.subf %get3A_1296, %select_n3A_1276 : vector<16xf32>
    %mul3A_1298 = arith.mulf %sub3A_1297, %sub3A_1297 : vector<16xf32>
    %add3A_1299 = arith.addf %add3A_1292, %mul3A_1298 : vector<16xf32>
    %get3A_1300 = arith.constant 0 : i32
    %get3A_1301 = arith.index_cast %get3A_1300 : i32 to index
    %get3A_1302 = arith.constant 80 : index
    %get3A_1303 = tpu.vector_load %arg8[%get3A_1301, %get3A_1302] {strides = array<i32>} : memref<4x128xf32, #tpu.memory_space<vmem>>, vector<16xf32>,
    %mul3A_1304 = arith.mulf %gather3A_1252, %get3A_1303 : vector<16xf32>
    %mul3A_1305 = arith.mulf %mul3A_1304, %add3A_1299 : vector<16xf32>
    %add3A_1306 = arith.addf %add3A_1154, %mul3A_1305 : vector<16xf32>
    %broadcast_in_dim3A_1307 = arith.constant 0.000000e+00 : f32
    %broadcast_in_dim3A_1308 = vector.broadcast %broadcast_in_dim3A_1307 : f32 to vector<16xf32>
    %get3A_1309 = arith.constant 3 : i32
    %get3A_1310 = arith.index_cast %get3A_1309 : i32 to index
    %get3A_1311 = arith.constant 80 : index
    %get3A_1312 = tpu.vector_load %arg7[%get3A_1310, %get3A_1311] {strides = array<i32>} : memref<15x128xf32, #tpu.memory_space<vmem>>, vector<16xf32>,
    %sub3A_1313 = arith.subf %get3A_1312, %select_n3A_1260 : vector<16xf32>
    %mul3A_1314 = arith.mulf %sub3A_1313, %sub3A_1313 : vector<16xf32>
    %add3A_1315 = arith.addf %broadcast_in_dim3A_1308, %mul3A_1314 : vector<16xf32>
    %get3A_1316 = arith.constant 4 : i32
    %get3A_1317 = arith.index_cast %get3A_1316 : i32 to index
    %get3A_1318 = arith.constant 80 : index
    %get3A_1319 = tpu.vector_load %arg7[%get3A_1317, %get3A_1318] {strides = array<i32>} : memref<15x128xf32, #tpu.memory_space<vmem>>, vector<16xf32>,
    %sub3A_1320 = arith.subf %get3A_1319, %select_n3A_1268 : vector<16xf32>
    %mul3A_1321 = arith.mulf %sub3A_1320, %sub3A_1320 : vector<16xf32>
    %add3A_1322 = arith.addf %add3A_1315, %mul3A_1321 : vector<16xf32>
    %get3A_1323 = arith.constant 5 : i32
    %get3A_1324 = arith.index_cast %get3A_1323 : i32 to index
    %get3A_1325 = arith.constant 80 : index
    %get3A_1326 = tpu.vector_load %arg7[%get3A_1324, %get3A_1325] {strides = array<i32>} : memref<15x128xf32, #tpu.memory_space<vmem>>, vector<16xf32>,
    %sub3A_1327 = arith.subf %get3A_1326, %select_n3A_1276 : vector<16xf32>
    %mul3A_1328 = arith.mulf %sub3A_1327, %sub3A_1327 : vector<16xf32>
    %add3A_1329 = arith.addf %add3A_1322, %mul3A_1328 : vector<16xf32>
    %get3A_1330 = arith.constant 1 : i32
    %get3A_1331 = arith.index_cast %get3A_1330 : i32 to index
    %get3A_1332 = arith.constant 80 : index
    %get3A_1333 = tpu.vector_load %arg8[%get3A_1331, %get3A_1332] {strides = array<i32>} : memref<4x128xf32, #tpu.memory_space<vmem>>, vector<16xf32>,
    %mul3A_1334 = arith.mulf %gather3A_1252, %get3A_1333 : vector<16xf32>
    %mul3A_1335 = arith.mulf %mul3A_1334, %add3A_1329 : vector<16xf32>
    %add3A_1336 = arith.addf %add3A_1184, %mul3A_1335 : vector<16xf32>
    %broadcast_in_dim3A_1337 = arith.constant 0.000000e+00 : f32
    %broadcast_in_dim3A_1338 = vector.broadcast %broadcast_in_dim3A_1337 : f32 to vector<16xf32>
    %get3A_1339 = arith.constant 6 : i32
    %get3A_1340 = arith.index_cast %get3A_1339 : i32 to index
    %get3A_1341 = arith.constant 80 : index
    %get3A_1342 = tpu.vector_load %arg7[%get3A_1340, %get3A_1341] {strides = array<i32>} : memref<15x128xf32, #tpu.memory_space<vmem>>, vector<16xf32>,
    %sub3A_1343 = arith.subf %get3A_1342, %select_n3A_1260 : vector<16xf32>
    %mul3A_1344 = arith.mulf %sub3A_1343, %sub3A_1343 : vector<16xf32>
    %add3A_1345 = arith.addf %broadcast_in_dim3A_1338, %mul3A_1344 : vector<16xf32>
    %get3A_1346 = arith.constant 7 : i32
    %get3A_1347 = arith.index_cast %get3A_1346 : i32 to index
    %get3A_1348 = arith.constant 80 : index
    %get3A_1349 = tpu.vector_load %arg7[%get3A_1347, %get3A_1348] {strides = array<i32>} : memref<15x128xf32, #tpu.memory_space<vmem>>, vector<16xf32>,
    %sub3A_1350 = arith.subf %get3A_1349, %select_n3A_1268 : vector<16xf32>
    %mul3A_1351 = arith.mulf %sub3A_1350, %sub3A_1350 : vector<16xf32>
    %add3A_1352 = arith.addf %add3A_1345, %mul3A_1351 : vector<16xf32>
    %get3A_1353 = arith.constant 8 : i32
    %get3A_1354 = arith.index_cast %get3A_1353 : i32 to index
    %get3A_1355 = arith.constant 80 : index
    %get3A_1356 = tpu.vector_load %arg7[%get3A_1354, %get3A_1355] {strides = array<i32>} : memref<15x128xf32, #tpu.memory_space<vmem>>, vector<16xf32>,
    %sub3A_1357 = arith.subf %get3A_1356, %select_n3A_1276 : vector<16xf32>
    %mul3A_1358 = arith.mulf %sub3A_1357, %sub3A_1357 : vector<16xf32>
    %add3A_1359 = arith.addf %add3A_1352, %mul3A_1358 : vector<16xf32>
    %get3A_1360 = arith.constant 2 : i32
    %get3A_1361 = arith.index_cast %get3A_1360 : i32 to index
    %get3A_1362 = arith.constant 80 : index
    %get3A_1363 = tpu.vector_load %arg8[%get3A_1361, %get3A_1362] {strides = array<i32>} : memref<4x128xf32, #tpu.memory_space<vmem>>, vector<16xf32>,
    %mul3A_1364 = arith.mulf %gather3A_1252, %get3A_1363 : vector<16xf32>
    %mul3A_1365 = arith.mulf %mul3A_1364, %add3A_1359 : vector<16xf32>
    %add3A_1366 = arith.addf %add3A_1214, %mul3A_1365 : vector<16xf32>
    %broadcast_in_dim3A_1367 = arith.constant 0.000000e+00 : f32
    %broadcast_in_dim3A_1368 = vector.broadcast %broadcast_in_dim3A_1367 : f32 to vector<16xf32>
    %get3A_1369 = arith.constant 9 : i32
    %get3A_1370 = arith.index_cast %get3A_1369 : i32 to index
    %get3A_1371 = arith.constant 80 : index
    %get3A_1372 = tpu.vector_load %arg7[%get3A_1370, %get3A_1371] {strides = array<i32>} : memref<15x128xf32, #tpu.memory_space<vmem>>, vector<16xf32>,
    %sub3A_1373 = arith.subf %get3A_1372, %select_n3A_1260 : vector<16xf32>
    %mul3A_1374 = arith.mulf %sub3A_1373, %sub3A_1373 : vector<16xf32>
    %add3A_1375 = arith.addf %broadcast_in_dim3A_1368, %mul3A_1374 : vector<16xf32>
    %get3A_1376 = arith.constant 10 : i32
    %get3A_1377 = arith.index_cast %get3A_1376 : i32 to index
    %get3A_1378 = arith.constant 80 : index
    %get3A_1379 = tpu.vector_load %arg7[%get3A_1377, %get3A_1378] {strides = array<i32>} : memref<15x128xf32, #tpu.memory_space<vmem>>, vector<16xf32>,
    %sub3A_1380 = arith.subf %get3A_1379, %select_n3A_1268 : vector<16xf32>
    %mul3A_1381 = arith.mulf %sub3A_1380, %sub3A_1380 : vector<16xf32>
    %add3A_1382 = arith.addf %add3A_1375, %mul3A_1381 : vector<16xf32>
    %get3A_1383 = arith.constant 11 : i32
    %get3A_1384 = arith.index_cast %get3A_1383 : i32 to index
    %get3A_1385 = arith.constant 80 : index
    %get3A_1386 = tpu.vector_load %arg7[%get3A_1384, %get3A_1385] {strides = array<i32>} : memref<15x128xf32, #tpu.memory_space<vmem>>, vector<16xf32>,
    %sub3A_1387 = arith.subf %get3A_1386, %select_n3A_1276 : vector<16xf32>
    %mul3A_1388 = arith.mulf %sub3A_1387, %sub3A_1387 : vector<16xf32>
    %add3A_1389 = arith.addf %add3A_1382, %mul3A_1388 : vector<16xf32>
    %get3A_1390 = arith.constant 3 : i32
    %get3A_1391 = arith.index_cast %get3A_1390 : i32 to index
    %get3A_1392 = arith.constant 80 : index
    %get3A_1393 = tpu.vector_load %arg8[%get3A_1391, %get3A_1392] {strides = array<i32>} : memref<4x128xf32, #tpu.memory_space<vmem>>, vector<16xf32>,
    %mul3A_1394 = arith.mulf %gather3A_1252, %get3A_1393 : vector<16xf32>
    %mul3A_1395 = arith.mulf %mul3A_1394, %add3A_1389 : vector<16xf32>
    %add3A_1396 = arith.addf %add3A_1244, %mul3A_1395 : vector<16xf32>
    %get3A_1397 = arith.constant 0 : i32
    %get3A_1398 = arith.index_cast %get3A_1397 : i32 to index
    %get3A_1399 = arith.constant 80 : index
    %get3A_1400 = tpu.vector_load %arg8[%get3A_1398, %get3A_1399] {strides = array<i32>} : memref<4x128xf32, #tpu.memory_space<vmem>>, vector<16xf32>,
    %add3A_1401 = arith.addf %add3A_1249, %get3A_1400 : vector<16xf32>
    %get3A_1402 = arith.constant 96 : index
    %get3A_1403 = tpu.vector_load %arg9[%get3A_1402] {strides = array<i32>} : memref<128xi32, #tpu.memory_space<vmem>>, vector<16xi32>,
    %gather3A_1404 = tpu.vector_load_idx %arg11[%get3A_1403] : memref<256xf32, #tpu.memory_space<vmem>>[vector<16xi32>], vector<16xf32>,
    %get3A_1405 = arith.constant 12 : i32
    %get3A_1406 = arith.index_cast %get3A_1405 : i32 to index
    %get3A_1407 = arith.constant 96 : index
    %get3A_1408 = tpu.vector_load %arg7[%get3A_1406, %get3A_1407] {strides = array<i32>} : memref<15x128xf32, #tpu.memory_space<vmem>>, vector<16xf32>,
    %ne3A_1409 = arith.cmpf one, %get3A_1408, %get3A_1408 : vector<16xf32>
    %jit3A_1410 = arith.constant 0.000000e+00 : f32
    %broadcast_in_dim3A_1411 = vector.broadcast %jit3A_1410 : f32 to vector<16xf32>
    %select_n3A_1412 = arith.select %ne3A_1409, %broadcast_in_dim3A_1411, %get3A_1408 : vector<16xi1>, vector<16xf32>
    %get3A_1413 = arith.constant 13 : i32
    %get3A_1414 = arith.index_cast %get3A_1413 : i32 to index
    %get3A_1415 = arith.constant 96 : index
    %get3A_1416 = tpu.vector_load %arg7[%get3A_1414, %get3A_1415] {strides = array<i32>} : memref<15x128xf32, #tpu.memory_space<vmem>>, vector<16xf32>,
    %ne3A_1417 = arith.cmpf one, %get3A_1416, %get3A_1416 : vector<16xf32>
    %jit3A_1418 = arith.constant 0.000000e+00 : f32
    %broadcast_in_dim3A_1419 = vector.broadcast %jit3A_1418 : f32 to vector<16xf32>
    %select_n3A_1420 = arith.select %ne3A_1417, %broadcast_in_dim3A_1419, %get3A_1416 : vector<16xi1>, vector<16xf32>
    %get3A_1421 = arith.constant 14 : i32
    %get3A_1422 = arith.index_cast %get3A_1421 : i32 to index
    %get3A_1423 = arith.constant 96 : index
    %get3A_1424 = tpu.vector_load %arg7[%get3A_1422, %get3A_1423] {strides = array<i32>} : memref<15x128xf32, #tpu.memory_space<vmem>>, vector<16xf32>,
    %ne3A_1425 = arith.cmpf one, %get3A_1424, %get3A_1424 : vector<16xf32>
    %jit3A_1426 = arith.constant 0.000000e+00 : f32
    %broadcast_in_dim3A_1427 = vector.broadcast %jit3A_1426 : f32 to vector<16xf32>
    %select_n3A_1428 = arith.select %ne3A_1425, %broadcast_in_dim3A_1427, %get3A_1424 : vector<16xi1>, vector<16xf32>
    %broadcast_in_dim3A_1429 = arith.constant 0.000000e+00 : f32
    %broadcast_in_dim3A_1430 = vector.broadcast %broadcast_in_dim3A_1429 : f32 to vector<16xf32>
    %get3A_1431 = arith.constant 0 : i32
    %get3A_1432 = arith.index_cast %get3A_1431 : i32 to index
    %get3A_1433 = arith.constant 96 : index
    %get3A_1434 = tpu.vector_load %arg7[%get3A_1432, %get3A_1433] {strides = array<i32>} : memref<15x128xf32, #tpu.memory_space<vmem>>, vector<16xf32>,
    %sub3A_1435 = arith.subf %get3A_1434, %select_n3A_1412 : vector<16xf32>
    %mul3A_1436 = arith.mulf %sub3A_1435, %sub3A_1435 : vector<16xf32>
    %add3A_1437 = arith.addf %broadcast_in_dim3A_1430, %mul3A_1436 : vector<16xf32>
    %get3A_1438 = arith.constant 1 : i32
    %get3A_1439 = arith.index_cast %get3A_1438 : i32 to index
    %get3A_1440 = arith.constant 96 : index
    %get3A_1441 = tpu.vector_load %arg7[%get3A_1439, %get3A_1440] {strides = array<i32>} : memref<15x128xf32, #tpu.memory_space<vmem>>, vector<16xf32>,
    %sub3A_1442 = arith.subf %get3A_1441, %select_n3A_1420 : vector<16xf32>
    %mul3A_1443 = arith.mulf %sub3A_1442, %sub3A_1442 : vector<16xf32>
    %add3A_1444 = arith.addf %add3A_1437, %mul3A_1443 : vector<16xf32>
    %get3A_1445 = arith.constant 2 : i32
    %get3A_1446 = arith.index_cast %get3A_1445 : i32 to index
    %get3A_1447 = arith.constant 96 : index
    %get3A_1448 = tpu.vector_load %arg7[%get3A_1446, %get3A_1447] {strides = array<i32>} : memref<15x128xf32, #tpu.memory_space<vmem>>, vector<16xf32>,
    %sub3A_1449 = arith.subf %get3A_1448, %select_n3A_1428 : vector<16xf32>
    %mul3A_1450 = arith.mulf %sub3A_1449, %sub3A_1449 : vector<16xf32>
    %add3A_1451 = arith.addf %add3A_1444, %mul3A_1450 : vector<16xf32>
    %get3A_1452 = arith.constant 0 : i32
    %get3A_1453 = arith.index_cast %get3A_1452 : i32 to index
    %get3A_1454 = arith.constant 96 : index
    %get3A_1455 = tpu.vector_load %arg8[%get3A_1453, %get3A_1454] {strides = array<i32>} : memref<4x128xf32, #tpu.memory_space<vmem>>, vector<16xf32>,
    %mul3A_1456 = arith.mulf %gather3A_1404, %get3A_1455 : vector<16xf32>
    %mul3A_1457 = arith.mulf %mul3A_1456, %add3A_1451 : vector<16xf32>
    %add3A_1458 = arith.addf %add3A_1306, %mul3A_1457 : vector<16xf32>
    %broadcast_in_dim3A_1459 = arith.constant 0.000000e+00 : f32
    %broadcast_in_dim3A_1460 = vector.broadcast %broadcast_in_dim3A_1459 : f32 to vector<16xf32>
    %get3A_1461 = arith.constant 3 : i32
    %get3A_1462 = arith.index_cast %get3A_1461 : i32 to index
    %get3A_1463 = arith.constant 96 : index
    %get3A_1464 = tpu.vector_load %arg7[%get3A_1462, %get3A_1463] {strides = array<i32>} : memref<15x128xf32, #tpu.memory_space<vmem>>, vector<16xf32>,
    %sub3A_1465 = arith.subf %get3A_1464, %select_n3A_1412 : vector<16xf32>
    %mul3A_1466 = arith.mulf %sub3A_1465, %sub3A_1465 : vector<16xf32>
    %add3A_1467 = arith.addf %broadcast_in_dim3A_1460, %mul3A_1466 : vector<16xf32>
    %get3A_1468 = arith.constant 4 : i32
    %get3A_1469 = arith.index_cast %get3A_1468 : i32 to index
    %get3A_1470 = arith.constant 96 : index
    %get3A_1471 = tpu.vector_load %arg7[%get3A_1469, %get3A_1470] {strides = array<i32>} : memref<15x128xf32, #tpu.memory_space<vmem>>, vector<16xf32>,
    %sub3A_1472 = arith.subf %get3A_1471, %select_n3A_1420 : vector<16xf32>
    %mul3A_1473 = arith.mulf %sub3A_1472, %sub3A_1472 : vector<16xf32>
    %add3A_1474 = arith.addf %add3A_1467, %mul3A_1473 : vector<16xf32>
    %get3A_1475 = arith.constant 5 : i32
    %get3A_1476 = arith.index_cast %get3A_1475 : i32 to index
    %get3A_1477 = arith.constant 96 : index
    %get3A_1478 = tpu.vector_load %arg7[%get3A_1476, %get3A_1477] {strides = array<i32>} : memref<15x128xf32, #tpu.memory_space<vmem>>, vector<16xf32>,
    %sub3A_1479 = arith.subf %get3A_1478, %select_n3A_1428 : vector<16xf32>
    %mul3A_1480 = arith.mulf %sub3A_1479, %sub3A_1479 : vector<16xf32>
    %add3A_1481 = arith.addf %add3A_1474, %mul3A_1480 : vector<16xf32>
    %get3A_1482 = arith.constant 1 : i32
    %get3A_1483 = arith.index_cast %get3A_1482 : i32 to index
    %get3A_1484 = arith.constant 96 : index
    %get3A_1485 = tpu.vector_load %arg8[%get3A_1483, %get3A_1484] {strides = array<i32>} : memref<4x128xf32, #tpu.memory_space<vmem>>, vector<16xf32>,
    %mul3A_1486 = arith.mulf %gather3A_1404, %get3A_1485 : vector<16xf32>
    %mul3A_1487 = arith.mulf %mul3A_1486, %add3A_1481 : vector<16xf32>
    %add3A_1488 = arith.addf %add3A_1336, %mul3A_1487 : vector<16xf32>
    %broadcast_in_dim3A_1489 = arith.constant 0.000000e+00 : f32
    %broadcast_in_dim3A_1490 = vector.broadcast %broadcast_in_dim3A_1489 : f32 to vector<16xf32>
    %get3A_1491 = arith.constant 6 : i32
    %get3A_1492 = arith.index_cast %get3A_1491 : i32 to index
    %get3A_1493 = arith.constant 96 : index
    %get3A_1494 = tpu.vector_load %arg7[%get3A_1492, %get3A_1493] {strides = array<i32>} : memref<15x128xf32, #tpu.memory_space<vmem>>, vector<16xf32>,
    %sub3A_1495 = arith.subf %get3A_1494, %select_n3A_1412 : vector<16xf32>
    %mul3A_1496 = arith.mulf %sub3A_1495, %sub3A_1495 : vector<16xf32>
    %add3A_1497 = arith.addf %broadcast_in_dim3A_1490, %mul3A_1496 : vector<16xf32>
    %get3A_1498 = arith.constant 7 : i32
    %get3A_1499 = arith.index_cast %get3A_1498 : i32 to index
    %get3A_1500 = arith.constant 96 : index
    %get3A_1501 = tpu.vector_load %arg7[%get3A_1499, %get3A_1500] {strides = array<i32>} : memref<15x128xf32, #tpu.memory_space<vmem>>, vector<16xf32>,
    %sub3A_1502 = arith.subf %get3A_1501, %select_n3A_1420 : vector<16xf32>
    %mul3A_1503 = arith.mulf %sub3A_1502, %sub3A_1502 : vector<16xf32>
    %add3A_1504 = arith.addf %add3A_1497, %mul3A_1503 : vector<16xf32>
    %get3A_1505 = arith.constant 8 : i32
    %get3A_1506 = arith.index_cast %get3A_1505 : i32 to index
    %get3A_1507 = arith.constant 96 : index
    %get3A_1508 = tpu.vector_load %arg7[%get3A_1506, %get3A_1507] {strides = array<i32>} : memref<15x128xf32, #tpu.memory_space<vmem>>, vector<16xf32>,
    %sub3A_1509 = arith.subf %get3A_1508, %select_n3A_1428 : vector<16xf32>
    %mul3A_1510 = arith.mulf %sub3A_1509, %sub3A_1509 : vector<16xf32>
    %add3A_1511 = arith.addf %add3A_1504, %mul3A_1510 : vector<16xf32>
    %get3A_1512 = arith.constant 2 : i32
    %get3A_1513 = arith.index_cast %get3A_1512 : i32 to index
    %get3A_1514 = arith.constant 96 : index
    %get3A_1515 = tpu.vector_load %arg8[%get3A_1513, %get3A_1514] {strides = array<i32>} : memref<4x128xf32, #tpu.memory_space<vmem>>, vector<16xf32>,
    %mul3A_1516 = arith.mulf %gather3A_1404, %get3A_1515 : vector<16xf32>
    %mul3A_1517 = arith.mulf %mul3A_1516, %add3A_1511 : vector<16xf32>
    %add3A_1518 = arith.addf %add3A_1366, %mul3A_1517 : vector<16xf32>
    %broadcast_in_dim3A_1519 = arith.constant 0.000000e+00 : f32
    %broadcast_in_dim3A_1520 = vector.broadcast %broadcast_in_dim3A_1519 : f32 to vector<16xf32>
    %get3A_1521 = arith.constant 9 : i32
    %get3A_1522 = arith.index_cast %get3A_1521 : i32 to index
    %get3A_1523 = arith.constant 96 : index
    %get3A_1524 = tpu.vector_load %arg7[%get3A_1522, %get3A_1523] {strides = array<i32>} : memref<15x128xf32, #tpu.memory_space<vmem>>, vector<16xf32>,
    %sub3A_1525 = arith.subf %get3A_1524, %select_n3A_1412 : vector<16xf32>
    %mul3A_1526 = arith.mulf %sub3A_1525, %sub3A_1525 : vector<16xf32>
    %add3A_1527 = arith.addf %broadcast_in_dim3A_1520, %mul3A_1526 : vector<16xf32>
    %get3A_1528 = arith.constant 10 : i32
    %get3A_1529 = arith.index_cast %get3A_1528 : i32 to index
    %get3A_1530 = arith.constant 96 : index
    %get3A_1531 = tpu.vector_load %arg7[%get3A_1529, %get3A_1530] {strides = array<i32>} : memref<15x128xf32, #tpu.memory_space<vmem>>, vector<16xf32>,
    %sub3A_1532 = arith.subf %get3A_1531, %select_n3A_1420 : vector<16xf32>
    %mul3A_1533 = arith.mulf %sub3A_1532, %sub3A_1532 : vector<16xf32>
    %add3A_1534 = arith.addf %add3A_1527, %mul3A_1533 : vector<16xf32>
    %get3A_1535 = arith.constant 11 : i32
    %get3A_1536 = arith.index_cast %get3A_1535 : i32 to index
    %get3A_1537 = arith.constant 96 : index
    %get3A_1538 = tpu.vector_load %arg7[%get3A_1536, %get3A_1537] {strides = array<i32>} : memref<15x128xf32, #tpu.memory_space<vmem>>, vector<16xf32>,
    %sub3A_1539 = arith.subf %get3A_1538, %select_n3A_1428 : vector<16xf32>
    %mul3A_1540 = arith.mulf %sub3A_1539, %sub3A_1539 : vector<16xf32>
    %add3A_1541 = arith.addf %add3A_1534, %mul3A_1540 : vector<16xf32>
    %get3A_1542 = arith.constant 3 : i32
    %get3A_1543 = arith.index_cast %get3A_1542 : i32 to index
    %get3A_1544 = arith.constant 96 : index
    %get3A_1545 = tpu.vector_load %arg8[%get3A_1543, %get3A_1544] {strides = array<i32>} : memref<4x128xf32, #tpu.memory_space<vmem>>, vector<16xf32>,
    %mul3A_1546 = arith.mulf %gather3A_1404, %get3A_1545 : vector<16xf32>
    %mul3A_1547 = arith.mulf %mul3A_1546, %add3A_1541 : vector<16xf32>
    %add3A_1548 = arith.addf %add3A_1396, %mul3A_1547 : vector<16xf32>
    %get3A_1549 = arith.constant 0 : i32
    %get3A_1550 = arith.index_cast %get3A_1549 : i32 to index
    %get3A_1551 = arith.constant 96 : index
    %get3A_1552 = tpu.vector_load %arg8[%get3A_1550, %get3A_1551] {strides = array<i32>} : memref<4x128xf32, #tpu.memory_space<vmem>>, vector<16xf32>,
    %add3A_1553 = arith.addf %add3A_1401, %get3A_1552 : vector<16xf32>
    %get3A_1554 = arith.constant 112 : index
    %get3A_1555 = tpu.vector_load %arg9[%get3A_1554] {strides = array<i32>} : memref<128xi32, #tpu.memory_space<vmem>>, vector<16xi32>,
    %gather3A_1556 = tpu.vector_load_idx %arg11[%get3A_1555] : memref<256xf32, #tpu.memory_space<vmem>>[vector<16xi32>], vector<16xf32>,
    %get3A_1557 = arith.constant 12 : i32
    %get3A_1558 = arith.index_cast %get3A_1557 : i32 to index
    %get3A_1559 = arith.constant 112 : index
    %get3A_1560 = tpu.vector_load %arg7[%get3A_1558, %get3A_1559] {strides = array<i32>} : memref<15x128xf32, #tpu.memory_space<vmem>>, vector<16xf32>,
    %ne3A_1561 = arith.cmpf one, %get3A_1560, %get3A_1560 : vector<16xf32>
    %jit3A_1562 = arith.constant 0.000000e+00 : f32
    %broadcast_in_dim3A_1563 = vector.broadcast %jit3A_1562 : f32 to vector<16xf32>
    %select_n3A_1564 = arith.select %ne3A_1561, %broadcast_in_dim3A_1563, %get3A_1560 : vector<16xi1>, vector<16xf32>
    %get3A_1565 = arith.constant 13 : i32
    %get3A_1566 = arith.index_cast %get3A_1565 : i32 to index
    %get3A_1567 = arith.constant 112 : index
    %get3A_1568 = tpu.vector_load %arg7[%get3A_1566, %get3A_1567] {strides = array<i32>} : memref<15x128xf32, #tpu.memory_space<vmem>>, vector<16xf32>,
    %ne3A_1569 = arith.cmpf one, %get3A_1568, %get3A_1568 : vector<16xf32>
    %jit3A_1570 = arith.constant 0.000000e+00 : f32
    %broadcast_in_dim3A_1571 = vector.broadcast %jit3A_1570 : f32 to vector<16xf32>
    %select_n3A_1572 = arith.select %ne3A_1569, %broadcast_in_dim3A_1571, %get3A_1568 : vector<16xi1>, vector<16xf32>
    %get3A_1573 = arith.constant 14 : i32
    %get3A_1574 = arith.index_cast %get3A_1573 : i32 to index
    %get3A_1575 = arith.constant 112 : index
    %get3A_1576 = tpu.vector_load %arg7[%get3A_1574, %get3A_1575] {strides = array<i32>} : memref<15x128xf32, #tpu.memory_space<vmem>>, vector<16xf32>,
    %ne3A_1577 = arith.cmpf one, %get3A_1576, %get3A_1576 : vector<16xf32>
    %jit3A_1578 = arith.constant 0.000000e+00 : f32
    %broadcast_in_dim3A_1579 = vector.broadcast %jit3A_1578 : f32 to vector<16xf32>
    %select_n3A_1580 = arith.select %ne3A_1577, %broadcast_in_dim3A_1579, %get3A_1576 : vector<16xi1>, vector<16xf32>
    %broadcast_in_dim3A_1581 = arith.constant 0.000000e+00 : f32
    %broadcast_in_dim3A_1582 = vector.broadcast %broadcast_in_dim3A_1581 : f32 to vector<16xf32>
    %get3A_1583 = arith.constant 0 : i32
    %get3A_1584 = arith.index_cast %get3A_1583 : i32 to index
    %get3A_1585 = arith.constant 112 : index
    %get3A_1586 = tpu.vector_load %arg7[%get3A_1584, %get3A_1585] {strides = array<i32>} : memref<15x128xf32, #tpu.memory_space<vmem>>, vector<16xf32>,
    %sub3A_1587 = arith.subf %get3A_1586, %select_n3A_1564 : vector<16xf32>
    %mul3A_1588 = arith.mulf %sub3A_1587, %sub3A_1587 : vector<16xf32>
    %add3A_1589 = arith.addf %broadcast_in_dim3A_1582, %mul3A_1588 : vector<16xf32>
    %get3A_1590 = arith.constant 1 : i32
    %get3A_1591 = arith.index_cast %get3A_1590 : i32 to index
    %get3A_1592 = arith.constant 112 : index
    %get3A_1593 = tpu.vector_load %arg7[%get3A_1591, %get3A_1592] {strides = array<i32>} : memref<15x128xf32, #tpu.memory_space<vmem>>, vector<16xf32>,
    %sub3A_1594 = arith.subf %get3A_1593, %select_n3A_1572 : vector<16xf32>
    %mul3A_1595 = arith.mulf %sub3A_1594, %sub3A_1594 : vector<16xf32>
    %add3A_1596 = arith.addf %add3A_1589, %mul3A_1595 : vector<16xf32>
    %get3A_1597 = arith.constant 2 : i32
    %get3A_1598 = arith.index_cast %get3A_1597 : i32 to index
    %get3A_1599 = arith.constant 112 : index
    %get3A_1600 = tpu.vector_load %arg7[%get3A_1598, %get3A_1599] {strides = array<i32>} : memref<15x128xf32, #tpu.memory_space<vmem>>, vector<16xf32>,
    %sub3A_1601 = arith.subf %get3A_1600, %select_n3A_1580 : vector<16xf32>
    %mul3A_1602 = arith.mulf %sub3A_1601, %sub3A_1601 : vector<16xf32>
    %add3A_1603 = arith.addf %add3A_1596, %mul3A_1602 : vector<16xf32>
    %get3A_1604 = arith.constant 0 : i32
    %get3A_1605 = arith.index_cast %get3A_1604 : i32 to index
    %get3A_1606 = arith.constant 112 : index
    %get3A_1607 = tpu.vector_load %arg8[%get3A_1605, %get3A_1606] {strides = array<i32>} : memref<4x128xf32, #tpu.memory_space<vmem>>, vector<16xf32>,
    %mul3A_1608 = arith.mulf %gather3A_1556, %get3A_1607 : vector<16xf32>
    %mul3A_1609 = arith.mulf %mul3A_1608, %add3A_1603 : vector<16xf32>
    %add3A_1610 = arith.addf %add3A_1458, %mul3A_1609 : vector<16xf32>
    %broadcast_in_dim3A_1611 = arith.constant 0.000000e+00 : f32
    %broadcast_in_dim3A_1612 = vector.broadcast %broadcast_in_dim3A_1611 : f32 to vector<16xf32>
    %get3A_1613 = arith.constant 3 : i32
    %get3A_1614 = arith.index_cast %get3A_1613 : i32 to index
    %get3A_1615 = arith.constant 112 : index
    %get3A_1616 = tpu.vector_load %arg7[%get3A_1614, %get3A_1615] {strides = array<i32>} : memref<15x128xf32, #tpu.memory_space<vmem>>, vector<16xf32>,
    %sub3A_1617 = arith.subf %get3A_1616, %select_n3A_1564 : vector<16xf32>
    %mul3A_1618 = arith.mulf %sub3A_1617, %sub3A_1617 : vector<16xf32>
    %add3A_1619 = arith.addf %broadcast_in_dim3A_1612, %mul3A_1618 : vector<16xf32>
    %get3A_1620 = arith.constant 4 : i32
    %get3A_1621 = arith.index_cast %get3A_1620 : i32 to index
    %get3A_1622 = arith.constant 112 : index
    %get3A_1623 = tpu.vector_load %arg7[%get3A_1621, %get3A_1622] {strides = array<i32>} : memref<15x128xf32, #tpu.memory_space<vmem>>, vector<16xf32>,
    %sub3A_1624 = arith.subf %get3A_1623, %select_n3A_1572 : vector<16xf32>
    %mul3A_1625 = arith.mulf %sub3A_1624, %sub3A_1624 : vector<16xf32>
    %add3A_1626 = arith.addf %add3A_1619, %mul3A_1625 : vector<16xf32>
    %get3A_1627 = arith.constant 5 : i32
    %get3A_1628 = arith.index_cast %get3A_1627 : i32 to index
    %get3A_1629 = arith.constant 112 : index
    %get3A_1630 = tpu.vector_load %arg7[%get3A_1628, %get3A_1629] {strides = array<i32>} : memref<15x128xf32, #tpu.memory_space<vmem>>, vector<16xf32>,
    %sub3A_1631 = arith.subf %get3A_1630, %select_n3A_1580 : vector<16xf32>
    %mul3A_1632 = arith.mulf %sub3A_1631, %sub3A_1631 : vector<16xf32>
    %add3A_1633 = arith.addf %add3A_1626, %mul3A_1632 : vector<16xf32>
    %get3A_1634 = arith.constant 1 : i32
    %get3A_1635 = arith.index_cast %get3A_1634 : i32 to index
    %get3A_1636 = arith.constant 112 : index
    %get3A_1637 = tpu.vector_load %arg8[%get3A_1635, %get3A_1636] {strides = array<i32>} : memref<4x128xf32, #tpu.memory_space<vmem>>, vector<16xf32>,
    %mul3A_1638 = arith.mulf %gather3A_1556, %get3A_1637 : vector<16xf32>
    %mul3A_1639 = arith.mulf %mul3A_1638, %add3A_1633 : vector<16xf32>
    %add3A_1640 = arith.addf %add3A_1488, %mul3A_1639 : vector<16xf32>
    %broadcast_in_dim3A_1641 = arith.constant 0.000000e+00 : f32
    %broadcast_in_dim3A_1642 = vector.broadcast %broadcast_in_dim3A_1641 : f32 to vector<16xf32>
    %get3A_1643 = arith.constant 6 : i32
    %get3A_1644 = arith.index_cast %get3A_1643 : i32 to index
    %get3A_1645 = arith.constant 112 : index
    %get3A_1646 = tpu.vector_load %arg7[%get3A_1644, %get3A_1645] {strides = array<i32>} : memref<15x128xf32, #tpu.memory_space<vmem>>, vector<16xf32>,
    %sub3A_1647 = arith.subf %get3A_1646, %select_n3A_1564 : vector<16xf32>
    %mul3A_1648 = arith.mulf %sub3A_1647, %sub3A_1647 : vector<16xf32>
    %add3A_1649 = arith.addf %broadcast_in_dim3A_1642, %mul3A_1648 : vector<16xf32>
    %get3A_1650 = arith.constant 7 : i32
    %get3A_1651 = arith.index_cast %get3A_1650 : i32 to index
    %get3A_1652 = arith.constant 112 : index
    %get3A_1653 = tpu.vector_load %arg7[%get3A_1651, %get3A_1652] {strides = array<i32>} : memref<15x128xf32, #tpu.memory_space<vmem>>, vector<16xf32>,
    %sub3A_1654 = arith.subf %get3A_1653, %select_n3A_1572 : vector<16xf32>
    %mul3A_1655 = arith.mulf %sub3A_1654, %sub3A_1654 : vector<16xf32>
    %add3A_1656 = arith.addf %add3A_1649, %mul3A_1655 : vector<16xf32>
    %get3A_1657 = arith.constant 8 : i32
    %get3A_1658 = arith.index_cast %get3A_1657 : i32 to index
    %get3A_1659 = arith.constant 112 : index
    %get3A_1660 = tpu.vector_load %arg7[%get3A_1658, %get3A_1659] {strides = array<i32>} : memref<15x128xf32, #tpu.memory_space<vmem>>, vector<16xf32>,
    %sub3A_1661 = arith.subf %get3A_1660, %select_n3A_1580 : vector<16xf32>
    %mul3A_1662 = arith.mulf %sub3A_1661, %sub3A_1661 : vector<16xf32>
    %add3A_1663 = arith.addf %add3A_1656, %mul3A_1662 : vector<16xf32>
    %get3A_1664 = arith.constant 2 : i32
    %get3A_1665 = arith.index_cast %get3A_1664 : i32 to index
    %get3A_1666 = arith.constant 112 : index
    %get3A_1667 = tpu.vector_load %arg8[%get3A_1665, %get3A_1666] {strides = array<i32>} : memref<4x128xf32, #tpu.memory_space<vmem>>, vector<16xf32>,
    %mul3A_1668 = arith.mulf %gather3A_1556, %get3A_1667 : vector<16xf32>
    %mul3A_1669 = arith.mulf %mul3A_1668, %add3A_1663 : vector<16xf32>
    %add3A_1670 = arith.addf %add3A_1518, %mul3A_1669 : vector<16xf32>
    %broadcast_in_dim3A_1671 = arith.constant 0.000000e+00 : f32
    %broadcast_in_dim3A_1672 = vector.broadcast %broadcast_in_dim3A_1671 : f32 to vector<16xf32>
    %get3A_1673 = arith.constant 9 : i32
    %get3A_1674 = arith.index_cast %get3A_1673 : i32 to index
    %get3A_1675 = arith.constant 112 : index
    %get3A_1676 = tpu.vector_load %arg7[%get3A_1674, %get3A_1675] {strides = array<i32>} : memref<15x128xf32, #tpu.memory_space<vmem>>, vector<16xf32>,
    %sub3A_1677 = arith.subf %get3A_1676, %select_n3A_1564 : vector<16xf32>
    %mul3A_1678 = arith.mulf %sub3A_1677, %sub3A_1677 : vector<16xf32>
    %add3A_1679 = arith.addf %broadcast_in_dim3A_1672, %mul3A_1678 : vector<16xf32>
    %get3A_1680 = arith.constant 10 : i32
    %get3A_1681 = arith.index_cast %get3A_1680 : i32 to index
    %get3A_1682 = arith.constant 112 : index
    %get3A_1683 = tpu.vector_load %arg7[%get3A_1681, %get3A_1682] {strides = array<i32>} : memref<15x128xf32, #tpu.memory_space<vmem>>, vector<16xf32>,
    %sub3A_1684 = arith.subf %get3A_1683, %select_n3A_1572 : vector<16xf32>
    %mul3A_1685 = arith.mulf %sub3A_1684, %sub3A_1684 : vector<16xf32>
    %add3A_1686 = arith.addf %add3A_1679, %mul3A_1685 : vector<16xf32>
    %get3A_1687 = arith.constant 11 : i32
    %get3A_1688 = arith.index_cast %get3A_1687 : i32 to index
    %get3A_1689 = arith.constant 112 : index
    %get3A_1690 = tpu.vector_load %arg7[%get3A_1688, %get3A_1689] {strides = array<i32>} : memref<15x128xf32, #tpu.memory_space<vmem>>, vector<16xf32>,
    %sub3A_1691 = arith.subf %get3A_1690, %select_n3A_1580 : vector<16xf32>
    %mul3A_1692 = arith.mulf %sub3A_1691, %sub3A_1691 : vector<16xf32>
    %add3A_1693 = arith.addf %add3A_1686, %mul3A_1692 : vector<16xf32>
    %get3A_1694 = arith.constant 3 : i32
    %get3A_1695 = arith.index_cast %get3A_1694 : i32 to index
    %get3A_1696 = arith.constant 112 : index
    %get3A_1697 = tpu.vector_load %arg8[%get3A_1695, %get3A_1696] {strides = array<i32>} : memref<4x128xf32, #tpu.memory_space<vmem>>, vector<16xf32>,
    %mul3A_1698 = arith.mulf %gather3A_1556, %get3A_1697 : vector<16xf32>
    %mul3A_1699 = arith.mulf %mul3A_1698, %add3A_1693 : vector<16xf32>
    %add3A_1700 = arith.addf %add3A_1548, %mul3A_1699 : vector<16xf32>
    %get3A_1701 = arith.constant 0 : i32
    %get3A_1702 = arith.index_cast %get3A_1701 : i32 to index
    %get3A_1703 = arith.constant 112 : index
    %get3A_1704 = tpu.vector_load %arg8[%get3A_1702, %get3A_1703] {strides = array<i32>} : memref<4x128xf32, #tpu.memory_space<vmem>>, vector<16xf32>,
    %add3A_1705 = arith.addf %add3A_1553, %get3A_1704 : vector<16xf32>
    %swap3A_1706 = arith.constant 0 : index
    %swap3A_1707 = tpu.vector_load %arg12[%swap3A_1706] {strides = array<i32>} : memref<80xf32, #tpu.memory_space<vmem>>, vector<16xf32>,
    tpu.vector_store %arg12[%swap3A_1706], %add3A_1610 {strides = array<i32>} : memref<80xf32, #tpu.memory_space<vmem>>, vector<16xf32>,
    %swap3A_1708 = arith.constant 16 : index
    %swap3A_1709 = tpu.vector_load %arg12[%swap3A_1708] {strides = array<i32>} : memref<80xf32, #tpu.memory_space<vmem>>, vector<16xf32>,
    tpu.vector_store %arg12[%swap3A_1708], %add3A_1640 {strides = array<i32>} : memref<80xf32, #tpu.memory_space<vmem>>, vector<16xf32>,
    %swap3A_1710 = arith.constant 32 : index
    %swap3A_1711 = tpu.vector_load %arg12[%swap3A_1710] {strides = array<i32>} : memref<80xf32, #tpu.memory_space<vmem>>, vector<16xf32>,
    tpu.vector_store %arg12[%swap3A_1710], %add3A_1670 {strides = array<i32>} : memref<80xf32, #tpu.memory_space<vmem>>, vector<16xf32>,
    %swap3A_1712 = arith.constant 48 : index
    %swap3A_1713 = tpu.vector_load %arg12[%swap3A_1712] {strides = array<i32>} : memref<80xf32, #tpu.memory_space<vmem>>, vector<16xf32>,
    tpu.vector_store %arg12[%swap3A_1712], %add3A_1700 {strides = array<i32>} : memref<80xf32, #tpu.memory_space<vmem>>, vector<16xf32>,
    %swap3A_1714 = arith.constant 64 : index
    %swap3A_1715 = tpu.vector_load %arg12[%swap3A_1714] {strides = array<i32>} : memref<80xf32, #tpu.memory_space<vmem>>, vector<16xf32>,
    tpu.vector_store %arg12[%swap3A_1714], %add3A_1705 {strides = array<i32>} : memref<80xf32, #tpu.memory_space<vmem>>, vector<16xf32>,
    "tpu.region"() ({
      %run_scoped3A = tpu.sem_alloc : memref<!tpu.dma_semaphore, #tpu.memory_space<semaphore_mem>>
      %dma_start3A_1716 = arith.constant 0 : i32
      %dma_start3A_1717 = tpu.memref_slice %arg6[%arg1, %dma_start3A_1716] : memref<16x80xf32, #tpu.memory_space<hbm>> -> memref<1x80xf32, #tpu.memory_space<hbm>>
      %dma_start3A_1718 = tpu.memref_squeeze %dma_start3A_1717 : memref<1x80xf32, #tpu.memory_space<hbm>> -> memref<80xf32, #tpu.memory_space<hbm>>
      %dma_start3A_1719 = arith.constant 0 : i32
      %dma_start3A_1720 = tpu.memref_slice %arg6[%arg1, %dma_start3A_1719] : memref<16x80xf32, #tpu.memory_space<hbm>> -> memref<1x80xf32, #tpu.memory_space<hbm>>
      %dma_start3A_1721 = tpu.memref_squeeze %dma_start3A_1720 : memref<1x80xf32, #tpu.memory_space<hbm>> -> memref<80xf32, #tpu.memory_space<hbm>>
      tpu.enqueue_dma source(%arg12 : memref<80xf32, #tpu.memory_space<vmem>>) target(%dma_start3A_1721 : memref<80xf32, #tpu.memory_space<hbm>>) target_semaphore(%run_scoped3A : memref<!tpu.dma_semaphore, #tpu.memory_space<semaphore_mem>>)
      %dma_wait3A_1722 = arith.constant 0 : i32
      %dma_wait3A_1723 = tpu.memref_slice %arg6[%arg1, %dma_wait3A_1722] : memref<16x80xf32, #tpu.memory_space<hbm>> -> memref<1x80xf32, #tpu.memory_space<hbm>>
      %dma_wait3A_1724 = tpu.memref_squeeze %dma_wait3A_1723 : memref<1x80xf32, #tpu.memory_space<hbm>> -> memref<80xf32, #tpu.memory_space<hbm>>
      %dma_wait3A_1725 = arith.constant 0 : i32
      %dma_wait3A_1726 = tpu.memref_slice %arg6[%arg1, %dma_wait3A_1725] : memref<16x80xf32, #tpu.memory_space<hbm>> -> memref<1x80xf32, #tpu.memory_space<hbm>>
      %dma_wait3A_1727 = tpu.memref_squeeze %dma_wait3A_1726 : memref<1x80xf32, #tpu.memory_space<hbm>> -> memref<80xf32, #tpu.memory_space<hbm>>
      tpu.wait_dma2 semaphore(%run_scoped3A : memref<!tpu.dma_semaphore, #tpu.memory_space<semaphore_mem>>) src(%arg12 : memref<80xf32, #tpu.memory_space<vmem>>) dst(%dma_wait3A_1727 : memref<80xf32, #tpu.memory_space<hbm>>)
      tpu.yield
    }) : () -> ()
    return
  }
}

module attributes {stable_mosaic.version = 14 : i64} {
  func.func @_loss_body(%arg0: i32, %arg1: i32, %arg2: memref<2048x12xf32, #tpu.memory_space<vmem>>, %arg3: memref<12x2048xf32, #tpu.memory_space<vmem>>, %arg4: memref<2048x3xf32, #tpu.memory_space<vmem>>, %arg5: memref<3x2048xf32, #tpu.memory_space<vmem>>, %arg6: memref<2048x4xf32, #tpu.memory_space<vmem>>, %arg7: memref<1x2048xf32, #tpu.memory_space<vmem>>, %arg8: memref<2048x1xi32, #tpu.memory_space<vmem>>, %arg9: memref<1x2048xi32, #tpu.memory_space<vmem>>, %arg10: memref<1x256xf32, #tpu.memory_space<vmem>>, %arg11: memref<1x256xf32, #tpu.memory_space<vmem>>, %arg12: memref<1x256xf32, #tpu.memory_space<vmem>>, %arg13: memref<16x80xf32, #tpu.memory_space<vmem>>, %arg14: memref<4xf32, #tpu.memory_space<smem>>, %arg15: memref<1x1xf32, #tpu.memory_space<vmem>>, %arg16: memref<16xf32, #tpu.memory_space<smem>>, %arg17: memref<2048x1xf32, #tpu.memory_space<vmem>>, %arg18: memref<2048x40xbf16, #tpu.memory_space<vmem>>, %arg19: memref<40x2048xbf16, #tpu.memory_space<vmem>>) attributes {dimension_semantics = [#tpu.dimension_semantics<arbitrary>, #tpu.dimension_semantics<arbitrary>], iteration_bounds = array<i64: 4, 4>, scalar_prefetch = 0 : i64, scratch_operands = 4 : i64, tpu.core_type = #tpu.core_type<tc>, window_params = [{pipeline_mode = #tpu.pipeline_mode<synchronous>, transform_indices = @transform_0, window_bounds = array<i64: 2048, 12>}, {pipeline_mode = #tpu.pipeline_mode<synchronous>, transform_indices = @transform_1, window_bounds = array<i64: 12, 2048>}, {pipeline_mode = #tpu.pipeline_mode<synchronous>, transform_indices = @transform_2, window_bounds = array<i64: 2048, 3>}, {pipeline_mode = #tpu.pipeline_mode<synchronous>, transform_indices = @transform_3, window_bounds = array<i64: 3, 2048>}, {pipeline_mode = #tpu.pipeline_mode<synchronous>, transform_indices = @transform_4, window_bounds = array<i64: 2048, 4>}, {pipeline_mode = #tpu.pipeline_mode<synchronous>, transform_indices = @transform_5, window_bounds = array<i64: 1, 2048>}, {pipeline_mode = #tpu.pipeline_mode<synchronous>, transform_indices = @transform_6, window_bounds = array<i64: 2048, 1>}, {pipeline_mode = #tpu.pipeline_mode<synchronous>, transform_indices = @transform_7, window_bounds = array<i64: 1, 2048>}, {pipeline_mode = #tpu.pipeline_mode<synchronous>, transform_indices = @transform_8, window_bounds = array<i64: 1, 256>}, {pipeline_mode = #tpu.pipeline_mode<synchronous>, transform_indices = @transform_9, window_bounds = array<i64: 1, 256>}, {pipeline_mode = #tpu.pipeline_mode<synchronous>, transform_indices = @transform_10, window_bounds = array<i64: 1, 256>}, {pipeline_mode = #tpu.pipeline_mode<synchronous>, transform_indices = @transform_11, window_bounds = array<i64: 16, 80>}, {transform_indices = @transform_12, window_bounds = array<i64: 4>}, {pipeline_mode = #tpu.pipeline_mode<synchronous>, transform_indices = @transform_13, window_bounds = array<i64: 1, 1>}]} {
    %mul3A = arith.constant 512 : i32
    %mul3A_0 = arith.muli %arg0, %mul3A : i32
    %mul3A_1 = arith.constant 512 : i32
    %mul3A_2 = arith.muli %arg1, %mul3A_1 : i32
    %eq3A = arith.constant 0 : i32
    %eq3A_3 = arith.cmpi eq, %arg0, %eq3A : i32
    %eq3A_4 = arith.constant 0 : i32
    %eq3A_5 = arith.cmpi eq, %arg1, %eq3A_4 : i32
    %and3A = arith.andi %eq3A_3, %eq3A_5 : i1
    %convert_element_type3A = arith.extui %and3A : i1 to i32
    %cond3A = arith.constant 0 : i32
    %cond3A_6 = arith.cmpi ne, %convert_element_type3A, %cond3A : i32
    scf.if %cond3A_6 {
      %swap3A = arith.constant 0.000000e+00 : f32
      %swap3A_18 = arith.constant 0 : index
      %swap3A_19 = memref.load %arg16[%swap3A_18] : memref<16xf32, #tpu.memory_space<smem>>
      memref.store %swap3A, %arg16[%swap3A_18] : memref<16xf32, #tpu.memory_space<smem>>
      %swap3A_20 = arith.constant 0.000000e+00 : f32
      %swap3A_21 = arith.constant 1 : index
      %swap3A_22 = memref.load %arg16[%swap3A_21] : memref<16xf32, #tpu.memory_space<smem>>
      memref.store %swap3A_20, %arg16[%swap3A_21] : memref<16xf32, #tpu.memory_space<smem>>
      %swap3A_23 = arith.constant 0.000000e+00 : f32
      %swap3A_24 = arith.constant 2 : index
      %swap3A_25 = memref.load %arg16[%swap3A_24] : memref<16xf32, #tpu.memory_space<smem>>
      memref.store %swap3A_23, %arg16[%swap3A_24] : memref<16xf32, #tpu.memory_space<smem>>
      %swap3A_26 = arith.constant 0.000000e+00 : f32
      %swap3A_27 = arith.constant 3 : index
      %swap3A_28 = memref.load %arg16[%swap3A_27] : memref<16xf32, #tpu.memory_space<smem>>
      memref.store %swap3A_26, %arg16[%swap3A_27] : memref<16xf32, #tpu.memory_space<smem>>
      %swap3A_29 = arith.constant 0.000000e+00 : f32
      %swap3A_30 = arith.constant 4 : index
      %swap3A_31 = memref.load %arg16[%swap3A_30] : memref<16xf32, #tpu.memory_space<smem>>
      memref.store %swap3A_29, %arg16[%swap3A_30] : memref<16xf32, #tpu.memory_space<smem>>
      %swap3A_32 = arith.constant 0.000000e+00 : f32
      %swap3A_33 = arith.constant 5 : index
      %swap3A_34 = memref.load %arg16[%swap3A_33] : memref<16xf32, #tpu.memory_space<smem>>
      memref.store %swap3A_32, %arg16[%swap3A_33] : memref<16xf32, #tpu.memory_space<smem>>
      %swap3A_35 = arith.constant 0.000000e+00 : f32
      %swap3A_36 = arith.constant 6 : index
      %swap3A_37 = memref.load %arg16[%swap3A_36] : memref<16xf32, #tpu.memory_space<smem>>
      memref.store %swap3A_35, %arg16[%swap3A_36] : memref<16xf32, #tpu.memory_space<smem>>
      %swap3A_38 = arith.constant 0.000000e+00 : f32
      %swap3A_39 = arith.constant 7 : index
      %swap3A_40 = memref.load %arg16[%swap3A_39] : memref<16xf32, #tpu.memory_space<smem>>
      memref.store %swap3A_38, %arg16[%swap3A_39] : memref<16xf32, #tpu.memory_space<smem>>
      %swap3A_41 = arith.constant 0.000000e+00 : f32
      %swap3A_42 = arith.constant 8 : index
      %swap3A_43 = memref.load %arg16[%swap3A_42] : memref<16xf32, #tpu.memory_space<smem>>
      memref.store %swap3A_41, %arg16[%swap3A_42] : memref<16xf32, #tpu.memory_space<smem>>
      %swap3A_44 = arith.constant 0.000000e+00 : f32
      %swap3A_45 = arith.constant 9 : index
      %swap3A_46 = memref.load %arg16[%swap3A_45] : memref<16xf32, #tpu.memory_space<smem>>
      memref.store %swap3A_44, %arg16[%swap3A_45] : memref<16xf32, #tpu.memory_space<smem>>
      %swap3A_47 = arith.constant 0.000000e+00 : f32
      %swap3A_48 = arith.constant 10 : index
      %swap3A_49 = memref.load %arg16[%swap3A_48] : memref<16xf32, #tpu.memory_space<smem>>
      memref.store %swap3A_47, %arg16[%swap3A_48] : memref<16xf32, #tpu.memory_space<smem>>
      %swap3A_50 = arith.constant 0.000000e+00 : f32
      %swap3A_51 = arith.constant 11 : index
      %swap3A_52 = memref.load %arg16[%swap3A_51] : memref<16xf32, #tpu.memory_space<smem>>
      memref.store %swap3A_50, %arg16[%swap3A_51] : memref<16xf32, #tpu.memory_space<smem>>
      %swap3A_53 = arith.constant 0.000000e+00 : f32
      %swap3A_54 = arith.constant 12 : index
      %swap3A_55 = memref.load %arg16[%swap3A_54] : memref<16xf32, #tpu.memory_space<smem>>
      memref.store %swap3A_53, %arg16[%swap3A_54] : memref<16xf32, #tpu.memory_space<smem>>
      %swap3A_56 = arith.constant 0.000000e+00 : f32
      %swap3A_57 = arith.constant 13 : index
      %swap3A_58 = memref.load %arg16[%swap3A_57] : memref<16xf32, #tpu.memory_space<smem>>
      memref.store %swap3A_56, %arg16[%swap3A_57] : memref<16xf32, #tpu.memory_space<smem>>
      %swap3A_59 = arith.constant 0.000000e+00 : f32
      %swap3A_60 = arith.constant 14 : index
      %swap3A_61 = memref.load %arg16[%swap3A_60] : memref<16xf32, #tpu.memory_space<smem>>
      memref.store %swap3A_59, %arg16[%swap3A_60] : memref<16xf32, #tpu.memory_space<smem>>
      %swap3A_62 = arith.constant 0.000000e+00 : f32
      %swap3A_63 = arith.constant 15 : index
      %swap3A_64 = memref.load %arg16[%swap3A_63] : memref<16xf32, #tpu.memory_space<smem>>
      memref.store %swap3A_62, %arg16[%swap3A_63] : memref<16xf32, #tpu.memory_space<smem>>
      %get3A = arith.constant 0 : index
      %get3A_65 = arith.constant 0 : index
      %get3A_66 = vector.load %arg8[%get3A, %get3A_65] : memref<2048x1xi32, #tpu.memory_space<vmem>>, vector<2048x1xi32>
      %iota3A = tpu.iota {dimensions = array<i32: 1>} : vector<1x256xi32>
      %eq3A_67 = vector.broadcast %get3A_66 : vector<2048x1xi32> to vector<2048x256xi32>
      %eq3A_68 = vector.broadcast %iota3A : vector<1x256xi32> to vector<2048x256xi32>
      %eq3A_69 = arith.cmpi eq, %eq3A_67, %eq3A_68 : vector<2048x256xi32>
      %convert_element_type3A_70 = arith.extui %eq3A_69 : vector<2048x256xi1> to vector<2048x256xi32>
      %convert_element_type3A_71 = arith.sitofp %convert_element_type3A_70 : vector<2048x256xi32> to vector<2048x256xf32>
      %get3A_72 = arith.constant 0 : index
      %get3A_73 = arith.constant 0 : index
      %get3A_74 = vector.load %arg10[%get3A_72, %get3A_73] : memref<1x256xf32, #tpu.memory_space<vmem>>, vector<1x256xf32>
      %get3A_75 = arith.constant 0 : index
      %get3A_76 = arith.constant 0 : index
      %get3A_77 = vector.load %arg11[%get3A_75, %get3A_76] : memref<1x256xf32, #tpu.memory_space<vmem>>, vector<1x256xf32>
      %add3A = arith.addf %get3A_74, %get3A_77 : vector<1x256xf32>
      %min3A = arith.constant 1.000000e+00 : f32
      %min3A_78 = vector.broadcast %min3A : f32 to vector<1x256xf32>
      %min3A_79 = arith.minimumf %add3A, %min3A_78 : vector<1x256xf32>
      %mul3A_80 = vector.broadcast %min3A_79 : vector<1x256xf32> to vector<2048x256xf32>
      %mul3A_81 = arith.mulf %convert_element_type3A_71, %mul3A_80 : vector<2048x256xf32>
      %reduce_sum3A = arith.constant dense<0.000000e+00> : vector<2048xf32>
      %reduce_sum3A_82 = vector.multi_reduction <add>, %mul3A_81, %reduce_sum3A [1] : vector<2048x256xf32> to vector<2048xf32>
      %broadcast_in_dim3A = vector.shape_cast %reduce_sum3A_82 : vector<2048xf32> to vector<2048x1xf32>
      %swap3A_83 = arith.constant 0 : index
      %swap3A_84 = arith.constant 0 : index
      %swap3A_85 = vector.load %arg17[%swap3A_83, %swap3A_84] : memref<2048x1xf32, #tpu.memory_space<vmem>>, vector<2048x1xf32>
      tpu.vector_store %arg17[%swap3A_83, %swap3A_84], %broadcast_in_dim3A {strides = array<i32>} : memref<2048x1xf32, #tpu.memory_space<vmem>>, vector<2048x1xf32>,
      %broadcast_in_dim3A_86 = arith.constant 1.000000e+00 : f32
      %broadcast_in_dim3A_87 = vector.broadcast %broadcast_in_dim3A_86 : f32 to vector<2048x1xf32>
      %broadcast_in_dim3A_88 = arith.constant 1.000000e+00 : f32
      %broadcast_in_dim3A_89 = vector.broadcast %broadcast_in_dim3A_88 : f32 to vector<1x2048xf32>
      %broadcast_in_dim3A_90 = arith.constant 0.000000e+00 : f32
      %broadcast_in_dim3A_91 = vector.broadcast %broadcast_in_dim3A_90 : f32 to vector<2048x3xf32>
      %broadcast_in_dim3A_92 = arith.constant 0.000000e+00 : f32
      %broadcast_in_dim3A_93 = vector.broadcast %broadcast_in_dim3A_92 : f32 to vector<3x2048xf32>
      %get3A_94 = arith.constant 0 : index
      %get3A_95 = arith.constant 0 : index
      %get3A_96 = vector.load %arg2[%get3A_94, %get3A_95] : memref<2048x12xf32, #tpu.memory_space<vmem>>, vector<2048x3xf32>
      %get3A_97 = arith.constant 0 : index
      %get3A_98 = arith.constant 0 : index
      %get3A_99 = vector.load %arg3[%get3A_97, %get3A_98] : memref<12x2048xf32, #tpu.memory_space<vmem>>, vector<3x2048xf32>
      %mul3A_100 = arith.mulf %get3A_96, %get3A_96 : vector<2048x3xf32>
      %reduce_sum3A_101 = arith.constant dense<0.000000e+00> : vector<2048xf32>
      %reduce_sum3A_102 = vector.multi_reduction <add>, %mul3A_100, %reduce_sum3A_101 [1] : vector<2048x3xf32> to vector<2048xf32>
      %broadcast_in_dim3A_103 = vector.shape_cast %reduce_sum3A_102 : vector<2048xf32> to vector<2048x1xf32>
      %mul3A_104 = arith.mulf %get3A_99, %get3A_99 : vector<3x2048xf32>
      %reduce_sum3A_105 = arith.constant dense<0.000000e+00> : vector<2048xf32>
      %reduce_sum3A_106 = vector.multi_reduction <add>, %mul3A_104, %reduce_sum3A_105 [0] : vector<3x2048xf32> to vector<2048xf32>
      %broadcast_in_dim3A_107 = vector.shape_cast %reduce_sum3A_106 : vector<2048xf32> to vector<1x2048xf32>
      %mul3A_108 = arith.constant -2.000000e+00 : f32
      %mul3A_109 = vector.broadcast %mul3A_108 : f32 to vector<2048x3xf32>
      %mul3A_110 = arith.mulf %mul3A_109, %get3A_96 : vector<2048x3xf32>
      %get3A_111 = arith.constant 0 : index
      %get3A_112 = arith.constant 3 : index
      %get3A_113 = vector.load %arg2[%get3A_111, %get3A_112] : memref<2048x12xf32, #tpu.memory_space<vmem>>, vector<2048x3xf32>
      %get3A_114 = arith.constant 3 : index
      %get3A_115 = arith.constant 0 : index
      %get3A_116 = vector.load %arg3[%get3A_114, %get3A_115] : memref<12x2048xf32, #tpu.memory_space<vmem>>, vector<3x2048xf32>
      %mul3A_117 = arith.mulf %get3A_113, %get3A_113 : vector<2048x3xf32>
      %reduce_sum3A_118 = arith.constant dense<0.000000e+00> : vector<2048xf32>
      %reduce_sum3A_119 = vector.multi_reduction <add>, %mul3A_117, %reduce_sum3A_118 [1] : vector<2048x3xf32> to vector<2048xf32>
      %broadcast_in_dim3A_120 = vector.shape_cast %reduce_sum3A_119 : vector<2048xf32> to vector<2048x1xf32>
      %mul3A_121 = arith.mulf %get3A_116, %get3A_116 : vector<3x2048xf32>
      %reduce_sum3A_122 = arith.constant dense<0.000000e+00> : vector<2048xf32>
      %reduce_sum3A_123 = vector.multi_reduction <add>, %mul3A_121, %reduce_sum3A_122 [0] : vector<3x2048xf32> to vector<2048xf32>
      %broadcast_in_dim3A_124 = vector.shape_cast %reduce_sum3A_123 : vector<2048xf32> to vector<1x2048xf32>
      %mul3A_125 = arith.constant -2.000000e+00 : f32
      %mul3A_126 = vector.broadcast %mul3A_125 : f32 to vector<2048x3xf32>
      %mul3A_127 = arith.mulf %mul3A_126, %get3A_113 : vector<2048x3xf32>
      %get3A_128 = arith.constant 0 : index
      %get3A_129 = arith.constant 6 : index
      %get3A_130 = vector.load %arg2[%get3A_128, %get3A_129] : memref<2048x12xf32, #tpu.memory_space<vmem>>, vector<2048x3xf32>
      %get3A_131 = arith.constant 6 : index
      %get3A_132 = arith.constant 0 : index
      %get3A_133 = vector.load %arg3[%get3A_131, %get3A_132] : memref<12x2048xf32, #tpu.memory_space<vmem>>, vector<3x2048xf32>
      %mul3A_134 = arith.mulf %get3A_130, %get3A_130 : vector<2048x3xf32>
      %reduce_sum3A_135 = arith.constant dense<0.000000e+00> : vector<2048xf32>
      %reduce_sum3A_136 = vector.multi_reduction <add>, %mul3A_134, %reduce_sum3A_135 [1] : vector<2048x3xf32> to vector<2048xf32>
      %broadcast_in_dim3A_137 = vector.shape_cast %reduce_sum3A_136 : vector<2048xf32> to vector<2048x1xf32>
      %mul3A_138 = arith.mulf %get3A_133, %get3A_133 : vector<3x2048xf32>
      %reduce_sum3A_139 = arith.constant dense<0.000000e+00> : vector<2048xf32>
      %reduce_sum3A_140 = vector.multi_reduction <add>, %mul3A_138, %reduce_sum3A_139 [0] : vector<3x2048xf32> to vector<2048xf32>
      %broadcast_in_dim3A_141 = vector.shape_cast %reduce_sum3A_140 : vector<2048xf32> to vector<1x2048xf32>
      %mul3A_142 = arith.constant -2.000000e+00 : f32
      %mul3A_143 = vector.broadcast %mul3A_142 : f32 to vector<2048x3xf32>
      %mul3A_144 = arith.mulf %mul3A_143, %get3A_130 : vector<2048x3xf32>
      %get3A_145 = arith.constant 0 : index
      %get3A_146 = arith.constant 9 : index
      %get3A_147 = vector.load %arg2[%get3A_145, %get3A_146] : memref<2048x12xf32, #tpu.memory_space<vmem>>, vector<2048x3xf32>
      %get3A_148 = arith.constant 9 : index
      %get3A_149 = arith.constant 0 : index
      %get3A_150 = vector.load %arg3[%get3A_148, %get3A_149] : memref<12x2048xf32, #tpu.memory_space<vmem>>, vector<3x2048xf32>
      %mul3A_151 = arith.mulf %get3A_147, %get3A_147 : vector<2048x3xf32>
      %reduce_sum3A_152 = arith.constant dense<0.000000e+00> : vector<2048xf32>
      %reduce_sum3A_153 = vector.multi_reduction <add>, %mul3A_151, %reduce_sum3A_152 [1] : vector<2048x3xf32> to vector<2048xf32>
      %broadcast_in_dim3A_154 = vector.shape_cast %reduce_sum3A_153 : vector<2048xf32> to vector<2048x1xf32>
      %mul3A_155 = arith.mulf %get3A_150, %get3A_150 : vector<3x2048xf32>
      %reduce_sum3A_156 = arith.constant dense<0.000000e+00> : vector<2048xf32>
      %reduce_sum3A_157 = vector.multi_reduction <add>, %mul3A_155, %reduce_sum3A_156 [0] : vector<3x2048xf32> to vector<2048xf32>
      %broadcast_in_dim3A_158 = vector.shape_cast %reduce_sum3A_157 : vector<2048xf32> to vector<1x2048xf32>
      %mul3A_159 = arith.constant -2.000000e+00 : f32
      %mul3A_160 = vector.broadcast %mul3A_159 : f32 to vector<2048x3xf32>
      %mul3A_161 = arith.mulf %mul3A_160, %get3A_147 : vector<2048x3xf32>
      %get3A_162 = arith.constant 0 : index
      %get3A_163 = arith.constant 0 : index
      %get3A_164 = vector.load %arg4[%get3A_162, %get3A_163] : memref<2048x3xf32, #tpu.memory_space<vmem>>, vector<2048x3xf32>
      %ne3A = arith.cmpf one, %get3A_164, %get3A_164 : vector<2048x3xf32>
      %get3A_165 = arith.constant 0 : index
      %get3A_166 = arith.constant 0 : index
      %get3A_167 = vector.load %arg4[%get3A_165, %get3A_166] : memref<2048x3xf32, #tpu.memory_space<vmem>>, vector<2048x3xf32>
      %jit3A = arith.constant 0.000000e+00 : f32
      %broadcast_in_dim3A_168 = vector.broadcast %jit3A : f32 to vector<2048x3xf32>
      %select_n3A = arith.select %ne3A, %broadcast_in_dim3A_168, %get3A_167 : vector<2048x3xi1>, vector<2048x3xf32>
      %get3A_169 = arith.constant 0 : index
      %get3A_170 = arith.constant 0 : index
      %get3A_171 = vector.load %arg5[%get3A_169, %get3A_170] : memref<3x2048xf32, #tpu.memory_space<vmem>>, vector<3x2048xf32>
      %ne3A_172 = arith.cmpf one, %get3A_171, %get3A_171 : vector<3x2048xf32>
      %get3A_173 = arith.constant 0 : index
      %get3A_174 = arith.constant 0 : index
      %get3A_175 = vector.load %arg5[%get3A_173, %get3A_174] : memref<3x2048xf32, #tpu.memory_space<vmem>>, vector<3x2048xf32>
      %jit3A_176 = arith.constant 0.000000e+00 : f32
      %broadcast_in_dim3A_177 = vector.broadcast %jit3A_176 : f32 to vector<3x2048xf32>
      %select_n3A_178 = arith.select %ne3A_172, %broadcast_in_dim3A_177, %get3A_175 : vector<3x2048xi1>, vector<3x2048xf32>
      %mul3A_179 = arith.mulf %select_n3A, %select_n3A : vector<2048x3xf32>
      %reduce_sum3A_180 = arith.constant dense<0.000000e+00> : vector<2048xf32>
      %reduce_sum3A_181 = vector.multi_reduction <add>, %mul3A_179, %reduce_sum3A_180 [1] : vector<2048x3xf32> to vector<2048xf32>
      %broadcast_in_dim3A_182 = vector.shape_cast %reduce_sum3A_181 : vector<2048xf32> to vector<2048x1xf32>
      %mul3A_183 = arith.mulf %select_n3A_178, %select_n3A_178 : vector<3x2048xf32>
      %reduce_sum3A_184 = arith.constant dense<0.000000e+00> : vector<2048xf32>
      %reduce_sum3A_185 = vector.multi_reduction <add>, %mul3A_183, %reduce_sum3A_184 [0] : vector<3x2048xf32> to vector<2048xf32>
      %broadcast_in_dim3A_186 = vector.shape_cast %reduce_sum3A_185 : vector<2048xf32> to vector<1x2048xf32>
      %mul3A_187 = arith.constant -2.000000e+00 : f32
      %mul3A_188 = vector.broadcast %mul3A_187 : f32 to vector<2048x3xf32>
      %mul3A_189 = arith.mulf %mul3A_188, %select_n3A : vector<2048x3xf32>
      %concatenate3A = tpu.concatenate %mul3A_110, %broadcast_in_dim3A_103, %broadcast_in_dim3A_87, %broadcast_in_dim3A_91, %mul3A_127, %broadcast_in_dim3A_120, %broadcast_in_dim3A_87, %broadcast_in_dim3A_91, %mul3A_144, %broadcast_in_dim3A_137, %broadcast_in_dim3A_87, %broadcast_in_dim3A_91, %mul3A_161, %broadcast_in_dim3A_154, %broadcast_in_dim3A_87, %broadcast_in_dim3A_91, %mul3A_189, %broadcast_in_dim3A_182, %broadcast_in_dim3A_87, %broadcast_in_dim3A_91 in 1 : vector<2048x3xf32>, vector<2048x1xf32>, vector<2048x1xf32>, vector<2048x3xf32>, vector<2048x3xf32>, vector<2048x1xf32>, vector<2048x1xf32>, vector<2048x3xf32>, vector<2048x3xf32>, vector<2048x1xf32>, vector<2048x1xf32>, vector<2048x3xf32>, vector<2048x3xf32>, vector<2048x1xf32>, vector<2048x1xf32>, vector<2048x3xf32>, vector<2048x3xf32>, vector<2048x1xf32>, vector<2048x1xf32>, vector<2048x3xf32> -> vector<2048x40xf32>
      %convert_element_type3A_190 = arith.truncf %concatenate3A : vector<2048x40xf32> to vector<2048x40xbf16>
      %swap3A_191 = arith.constant 0 : index
      %swap3A_192 = arith.constant 0 : index
      %swap3A_193 = vector.load %arg18[%swap3A_191, %swap3A_192] : memref<2048x40xbf16, #tpu.memory_space<vmem>>, vector<2048x40xbf16>
      tpu.vector_store %arg18[%swap3A_191, %swap3A_192], %convert_element_type3A_190 {strides = array<i32>} : memref<2048x40xbf16, #tpu.memory_space<vmem>>, vector<2048x40xbf16>,
      %concatenate3A_194 = tpu.concatenate %get3A_99, %broadcast_in_dim3A_89, %broadcast_in_dim3A_107, %broadcast_in_dim3A_93, %get3A_116, %broadcast_in_dim3A_89, %broadcast_in_dim3A_124, %broadcast_in_dim3A_93, %get3A_133, %broadcast_in_dim3A_89, %broadcast_in_dim3A_141, %broadcast_in_dim3A_93, %get3A_150, %broadcast_in_dim3A_89, %broadcast_in_dim3A_158, %broadcast_in_dim3A_93, %select_n3A_178, %broadcast_in_dim3A_89, %broadcast_in_dim3A_186, %broadcast_in_dim3A_93 in 0 : vector<3x2048xf32>, vector<1x2048xf32>, vector<1x2048xf32>, vector<3x2048xf32>, vector<3x2048xf32>, vector<1x2048xf32>, vector<1x2048xf32>, vector<3x2048xf32>, vector<3x2048xf32>, vector<1x2048xf32>, vector<1x2048xf32>, vector<3x2048xf32>, vector<3x2048xf32>, vector<1x2048xf32>, vector<1x2048xf32>, vector<3x2048xf32>, vector<3x2048xf32>, vector<1x2048xf32>, vector<1x2048xf32>, vector<3x2048xf32> -> vector<40x2048xf32>
      %convert_element_type3A_195 = arith.truncf %concatenate3A_194 : vector<40x2048xf32> to vector<40x2048xbf16>
      %swap3A_196 = arith.constant 0 : index
      %swap3A_197 = arith.constant 0 : index
      %swap3A_198 = vector.load %arg19[%swap3A_196, %swap3A_197] : memref<40x2048xbf16, #tpu.memory_space<vmem>>, vector<40x2048xbf16>
      tpu.vector_store %arg19[%swap3A_196, %swap3A_197], %convert_element_type3A_195 {strides = array<i32>} : memref<40x2048xbf16, #tpu.memory_space<vmem>>, vector<40x2048xbf16>,
    } else {
    }
    %ge3A = arith.cmpi sge, %arg1, %arg0 : i32
    %convert_element_type3A_7 = arith.extui %ge3A : i1 to i32
    %cond3A_8 = arith.constant 0 : i32
    %cond3A_9 = arith.cmpi ne, %convert_element_type3A_7, %cond3A_8 : i32
    scf.if %cond3A_9 {
      %get3A = arith.index_cast %mul3A_0 : i32 to index
      %get3A_18 = arith.constant 32 : index
      %get3A_19 = vector.load %arg18[%get3A, %get3A_18] : memref<2048x40xbf16, #tpu.memory_space<vmem>>, vector<512x8xbf16>
      %get3A_20 = arith.constant 32 : index
      %get3A_21 = arith.index_cast %mul3A_2 : i32 to index
      %get3A_22 = vector.load %arg19[%get3A_20, %get3A_21] : memref<40x2048xbf16, #tpu.memory_space<vmem>>, vector<8x512xbf16>
      %dot_general3A = arith.constant dense<0.000000e+00> : vector<512x512xf32>
      %dot_general3A_23 = tpu.matmul %get3A_19, %get3A_22, %dot_general3A {dimension_numbers = #tpu.dot_dimension_numbers<[1], [0], [0], [1], [0, 0, 1, 1], [], []>, transpose_lhs_hint = false} : vector<512x8xbf16>, vector<8x512xbf16>, vector<512x512xf32> -> vector<512x512xf32>
      %max3A = arith.constant 0.000000e+00 : f32
      %max3A_24 = vector.broadcast %max3A : f32 to vector<512x512xf32>
      %max3A_25 = arith.maximumf %dot_general3A_23, %max3A_24 : vector<512x512xf32>
      %sqrt3A = math.sqrt %max3A_25 : vector<512x512xf32>
      %get3A_26 = arith.index_cast %mul3A_0 : i32 to index
      %get3A_27 = arith.constant 0 : index
      %get3A_28 = vector.load %arg17[%get3A_26, %get3A_27] : memref<2048x1xf32, #tpu.memory_space<vmem>>, vector<512x1xf32>
      %gt3A = arith.constant 5.000000e-01 : f32
      %gt3A_29 = vector.broadcast %gt3A : f32 to vector<512x1xf32>
      %gt3A_30 = arith.cmpf ogt, %get3A_28, %gt3A_29 : vector<512x1xf32>
      %jit3A = arith.constant 3.000000e+01 : f32
      %jit3A_31 = arith.constant 1.500000e+01 : f32
      %broadcast_in_dim3A = vector.broadcast %jit3A : f32 to vector<512x1xf32>
      %broadcast_in_dim3A_32 = vector.broadcast %jit3A_31 : f32 to vector<512x1xf32>
      %select_n3A = arith.select %gt3A_30, %broadcast_in_dim3A, %broadcast_in_dim3A_32 : vector<512x1xi1>, vector<512x1xf32>
      %gt3A_33 = arith.constant 0.000000e+00 : f32
      %gt3A_34 = vector.broadcast %gt3A_33 : f32 to vector<512x512xf32>
      %gt3A_35 = arith.cmpf ogt, %sqrt3A, %gt3A_34 : vector<512x512xf32>
      %lt3A = vector.broadcast %select_n3A : vector<512x1xf32> to vector<512x512xf32>
      %lt3A_36 = arith.cmpf olt, %sqrt3A, %lt3A : vector<512x512xf32>
      %and3A_37 = arith.andi %gt3A_35, %lt3A_36 : vector<512x512xi1>
      %get3A_38 = arith.index_cast %mul3A_0 : i32 to index
      %get3A_39 = arith.constant 0 : index
      %get3A_40 = vector.load %arg8[%get3A_38, %get3A_39] : memref<2048x1xi32, #tpu.memory_space<vmem>>, vector<512x1xi32>
      %get3A_41 = arith.constant 0 : index
      %get3A_42 = arith.index_cast %mul3A_2 : i32 to index
      %get3A_43 = vector.load %arg9[%get3A_41, %get3A_42] : memref<1x2048xi32, #tpu.memory_space<vmem>>, vector<1x512xi32>
      %ne3A = vector.broadcast %get3A_40 : vector<512x1xi32> to vector<512x512xi32>
      %ne3A_44 = vector.broadcast %get3A_43 : vector<1x512xi32> to vector<512x512xi32>
      %ne3A_45 = arith.cmpi ne, %ne3A, %ne3A_44 : vector<512x512xi32>
      %and3A_46 = arith.andi %and3A_37, %ne3A_45 : vector<512x512xi1>
      %iota3A = tpu.iota {dimensions = array<i32: 0>} : vector<512x1xi32>
      %add3A = vector.broadcast %mul3A_0 : i32 to vector<512x1xi32>
      %add3A_47 = arith.addi %add3A, %iota3A : vector<512x1xi32>
      %iota3A_48 = tpu.iota {dimensions = array<i32: 1>} : vector<1x512xi32>
      %add3A_49 = vector.broadcast %mul3A_2 : i32 to vector<1x512xi32>
      %add3A_50 = arith.addi %add3A_49, %iota3A_48 : vector<1x512xi32>
      %gt3A_51 = vector.broadcast %add3A_50 : vector<1x512xi32> to vector<512x512xi32>
      %gt3A_52 = vector.broadcast %add3A_47 : vector<512x1xi32> to vector<512x512xi32>
      %gt3A_53 = arith.cmpi sgt, %gt3A_51, %gt3A_52 : vector<512x512xi32>
      %and3A_54 = arith.andi %and3A_46, %gt3A_53 : vector<512x512xi1>
      %get3A_55 = arith.index_cast %mul3A_0 : i32 to index
      %get3A_56 = arith.constant 0 : index
      %get3A_57 = vector.load %arg6[%get3A_55, %get3A_56] : memref<2048x4xf32, #tpu.memory_space<vmem>>, vector<512x1xf32>
      %get3A_58 = arith.constant 0 : index
      %get3A_59 = arith.index_cast %mul3A_2 : i32 to index
      %get3A_60 = vector.load %arg7[%get3A_58, %get3A_59] : memref<1x2048xf32, #tpu.memory_space<vmem>>, vector<1x512xf32>
      %mul3A_61 = vector.broadcast %get3A_57 : vector<512x1xf32> to vector<512x512xf32>
      %mul3A_62 = vector.broadcast %get3A_60 : vector<1x512xf32> to vector<512x512xf32>
      %mul3A_63 = arith.mulf %mul3A_61, %mul3A_62 : vector<512x512xf32>
      %jit3A_64 = arith.constant 0.000000e+00 : f32
      %broadcast_in_dim3A_65 = vector.broadcast %jit3A_64 : f32 to vector<512x512xf32>
      %select_n3A_66 = arith.select %and3A_54, %mul3A_63, %broadcast_in_dim3A_65 : vector<512x512xi1>, vector<512x512xf32>
      %get3A_67 = arith.constant 4 : index
      %get3A_68 = memref.load %arg16[%get3A_67] : memref<16xf32, #tpu.memory_space<smem>>
      %reduce_sum3A = vector.shape_cast %select_n3A_66 : vector<512x512xf32> to vector<1x512x512xf32>
      %reduce_sum3A_69 = arith.constant dense<0.000000e+00> : vector<1xf32>
      %reduce_sum3A_70 = vector.multi_reduction <add>, %reduce_sum3A, %reduce_sum3A_69 [1, 2] : vector<1x512x512xf32> to vector<1xf32>
      %reduce_sum3A_71 = vector.shape_cast %reduce_sum3A_70 : vector<1xf32> to vector<1x1x1xf32>
      %reduce_sum3A_72 = vector.extract %reduce_sum3A_71[0, 0, 0] : f32 from vector<1x1x1xf32>
      %add3A_73 = arith.addf %get3A_68, %reduce_sum3A_72 : f32
      %swap3A = arith.constant 4 : index
      %swap3A_74 = memref.load %arg16[%swap3A] : memref<16xf32, #tpu.memory_space<smem>>
      memref.store %add3A_73, %arg16[%swap3A] : memref<16xf32, #tpu.memory_space<smem>>
      %broadcast_in_dim3A_75 = arith.constant 0.000000e+00 : f32
      %broadcast_in_dim3A_76 = vector.broadcast %broadcast_in_dim3A_75 : f32 to vector<512x512xf32>
      %get3A_77 = arith.index_cast %mul3A_0 : i32 to index
      %get3A_78 = arith.constant 0 : index
      %get3A_79 = vector.load %arg18[%get3A_77, %get3A_78] : memref<2048x40xbf16, #tpu.memory_space<vmem>>, vector<512x8xbf16>
      %get3A_80 = arith.constant 0 : index
      %get3A_81 = arith.index_cast %mul3A_2 : i32 to index
      %get3A_82 = vector.load %arg19[%get3A_80, %get3A_81] : memref<40x2048xbf16, #tpu.memory_space<vmem>>, vector<8x512xbf16>
      %dot_general3A_83 = arith.constant dense<0.000000e+00> : vector<512x512xf32>
      %dot_general3A_84 = tpu.matmul %get3A_79, %get3A_82, %dot_general3A_83 {dimension_numbers = #tpu.dot_dimension_numbers<[1], [0], [0], [1], [0, 0, 1, 1], [], []>, transpose_lhs_hint = false} : vector<512x8xbf16>, vector<8x512xbf16>, vector<512x512xf32> -> vector<512x512xf32>
      %max3A_85 = arith.constant 0.000000e+00 : f32
      %max3A_86 = vector.broadcast %max3A_85 : f32 to vector<512x512xf32>
      %max3A_87 = arith.maximumf %dot_general3A_84, %max3A_86 : vector<512x512xf32>
      %sqrt3A_88 = math.sqrt %max3A_87 : vector<512x512xf32>
      %sub3A = arith.subf %sqrt3A_88, %sqrt3A : vector<512x512xf32>
      %add3A_89 = arith.constant 9.99999997E-7 : f32
      %add3A_90 = vector.broadcast %add3A_89 : f32 to vector<512x512xf32>
      %add3A_91 = arith.addf %sub3A, %add3A_90 : vector<512x512xf32>
      %abs3A = math.absf %add3A_91 : vector<512x512xf32>
      %min3A = arith.constant 2.200000e+01 : f32
      %min3A_92 = vector.broadcast %min3A : f32 to vector<512x512xf32>
      %min3A_93 = arith.minimumf %abs3A, %min3A_92 : vector<512x512xf32>
      %exp3A = math.exp %min3A_93 : vector<512x512xf32>
      %mul3A_94 = arith.constant 0.606530666 : f32
      %mul3A_95 = vector.broadcast %mul3A_94 : f32 to vector<512x512xf32>
      %mul3A_96 = arith.mulf %mul3A_95, %exp3A : vector<512x512xf32>
      %add3A_97 = arith.constant 1.000000e+00 : f32
      %add3A_98 = vector.broadcast %add3A_97 : f32 to vector<512x512xf32>
      %add3A_99 = arith.addf %add3A_98, %mul3A_96 : vector<512x512xf32>
      %mul3A_100 = arith.constant 0.36787945 : f32
      %mul3A_101 = vector.broadcast %mul3A_100 : f32 to vector<512x512xf32>
      %mul3A_102 = arith.mulf %mul3A_101, %exp3A : vector<512x512xf32>
      %add3A_103 = arith.constant 1.000000e+00 : f32
      %add3A_104 = vector.broadcast %add3A_103 : f32 to vector<512x512xf32>
      %add3A_105 = arith.addf %add3A_104, %mul3A_102 : vector<512x512xf32>
      %mul3A_106 = arith.constant 0.135335281 : f32
      %mul3A_107 = vector.broadcast %mul3A_106 : f32 to vector<512x512xf32>
      %mul3A_108 = arith.mulf %mul3A_107, %exp3A : vector<512x512xf32>
      %add3A_109 = arith.constant 1.000000e+00 : f32
      %add3A_110 = vector.broadcast %add3A_109 : f32 to vector<512x512xf32>
      %add3A_111 = arith.addf %add3A_110, %mul3A_108 : vector<512x512xf32>
      %mul3A_112 = arith.constant 0.0183156393 : f32
      %mul3A_113 = vector.broadcast %mul3A_112 : f32 to vector<512x512xf32>
      %mul3A_114 = arith.mulf %mul3A_113, %exp3A : vector<512x512xf32>
      %add3A_115 = arith.constant 1.000000e+00 : f32
      %add3A_116 = vector.broadcast %add3A_115 : f32 to vector<512x512xf32>
      %add3A_117 = arith.addf %add3A_116, %mul3A_114 : vector<512x512xf32>
      %mul3A_118 = arith.mulf %add3A_99, %add3A_105 : vector<512x512xf32>
      %mul3A_119 = arith.mulf %add3A_111, %add3A_117 : vector<512x512xf32>
      %add3A_120 = arith.addf %add3A_99, %add3A_105 : vector<512x512xf32>
      %mul3A_121 = arith.mulf %add3A_120, %mul3A_119 : vector<512x512xf32>
      %add3A_122 = arith.addf %add3A_111, %add3A_117 : vector<512x512xf32>
      %mul3A_123 = arith.mulf %add3A_122, %mul3A_118 : vector<512x512xf32>
      %add3A_124 = arith.addf %mul3A_121, %mul3A_123 : vector<512x512xf32>
      %mul3A_125 = arith.mulf %mul3A_118, %mul3A_119 : vector<512x512xf32>
      %div3A = arith.divf %add3A_124, %mul3A_125 : vector<512x512xf32>
      %add3A_126 = arith.addf %broadcast_in_dim3A_76, %div3A : vector<512x512xf32>
      %get3A_127 = arith.index_cast %mul3A_0 : i32 to index
      %get3A_128 = arith.constant 8 : index
      %get3A_129 = vector.load %arg18[%get3A_127, %get3A_128] : memref<2048x40xbf16, #tpu.memory_space<vmem>>, vector<512x8xbf16>
      %get3A_130 = arith.constant 8 : index
      %get3A_131 = arith.index_cast %mul3A_2 : i32 to index
      %get3A_132 = vector.load %arg19[%get3A_130, %get3A_131] : memref<40x2048xbf16, #tpu.memory_space<vmem>>, vector<8x512xbf16>
      %dot_general3A_133 = arith.constant dense<0.000000e+00> : vector<512x512xf32>
      %dot_general3A_134 = tpu.matmul %get3A_129, %get3A_132, %dot_general3A_133 {dimension_numbers = #tpu.dot_dimension_numbers<[1], [0], [0], [1], [0, 0, 1, 1], [], []>, transpose_lhs_hint = false} : vector<512x8xbf16>, vector<8x512xbf16>, vector<512x512xf32> -> vector<512x512xf32>
      %max3A_135 = arith.constant 0.000000e+00 : f32
      %max3A_136 = vector.broadcast %max3A_135 : f32 to vector<512x512xf32>
      %max3A_137 = arith.maximumf %dot_general3A_134, %max3A_136 : vector<512x512xf32>
      %sqrt3A_138 = math.sqrt %max3A_137 : vector<512x512xf32>
      %sub3A_139 = arith.subf %sqrt3A_138, %sqrt3A : vector<512x512xf32>
      %add3A_140 = arith.constant 9.99999997E-7 : f32
      %add3A_141 = vector.broadcast %add3A_140 : f32 to vector<512x512xf32>
      %add3A_142 = arith.addf %sub3A_139, %add3A_141 : vector<512x512xf32>
      %abs3A_143 = math.absf %add3A_142 : vector<512x512xf32>
      %min3A_144 = arith.constant 2.200000e+01 : f32
      %min3A_145 = vector.broadcast %min3A_144 : f32 to vector<512x512xf32>
      %min3A_146 = arith.minimumf %abs3A_143, %min3A_145 : vector<512x512xf32>
      %exp3A_147 = math.exp %min3A_146 : vector<512x512xf32>
      %mul3A_148 = arith.constant 0.606530666 : f32
      %mul3A_149 = vector.broadcast %mul3A_148 : f32 to vector<512x512xf32>
      %mul3A_150 = arith.mulf %mul3A_149, %exp3A_147 : vector<512x512xf32>
      %add3A_151 = arith.constant 1.000000e+00 : f32
      %add3A_152 = vector.broadcast %add3A_151 : f32 to vector<512x512xf32>
      %add3A_153 = arith.addf %add3A_152, %mul3A_150 : vector<512x512xf32>
      %mul3A_154 = arith.constant 0.36787945 : f32
      %mul3A_155 = vector.broadcast %mul3A_154 : f32 to vector<512x512xf32>
      %mul3A_156 = arith.mulf %mul3A_155, %exp3A_147 : vector<512x512xf32>
      %add3A_157 = arith.constant 1.000000e+00 : f32
      %add3A_158 = vector.broadcast %add3A_157 : f32 to vector<512x512xf32>
      %add3A_159 = arith.addf %add3A_158, %mul3A_156 : vector<512x512xf32>
      %mul3A_160 = arith.constant 0.135335281 : f32
      %mul3A_161 = vector.broadcast %mul3A_160 : f32 to vector<512x512xf32>
      %mul3A_162 = arith.mulf %mul3A_161, %exp3A_147 : vector<512x512xf32>
      %add3A_163 = arith.constant 1.000000e+00 : f32
      %add3A_164 = vector.broadcast %add3A_163 : f32 to vector<512x512xf32>
      %add3A_165 = arith.addf %add3A_164, %mul3A_162 : vector<512x512xf32>
      %mul3A_166 = arith.constant 0.0183156393 : f32
      %mul3A_167 = vector.broadcast %mul3A_166 : f32 to vector<512x512xf32>
      %mul3A_168 = arith.mulf %mul3A_167, %exp3A_147 : vector<512x512xf32>
      %add3A_169 = arith.constant 1.000000e+00 : f32
      %add3A_170 = vector.broadcast %add3A_169 : f32 to vector<512x512xf32>
      %add3A_171 = arith.addf %add3A_170, %mul3A_168 : vector<512x512xf32>
      %mul3A_172 = arith.mulf %add3A_153, %add3A_159 : vector<512x512xf32>
      %mul3A_173 = arith.mulf %add3A_165, %add3A_171 : vector<512x512xf32>
      %add3A_174 = arith.addf %add3A_153, %add3A_159 : vector<512x512xf32>
      %mul3A_175 = arith.mulf %add3A_174, %mul3A_173 : vector<512x512xf32>
      %add3A_176 = arith.addf %add3A_165, %add3A_171 : vector<512x512xf32>
      %mul3A_177 = arith.mulf %add3A_176, %mul3A_172 : vector<512x512xf32>
      %add3A_178 = arith.addf %mul3A_175, %mul3A_177 : vector<512x512xf32>
      %mul3A_179 = arith.mulf %mul3A_172, %mul3A_173 : vector<512x512xf32>
      %div3A_180 = arith.divf %add3A_178, %mul3A_179 : vector<512x512xf32>
      %add3A_181 = arith.addf %add3A_126, %div3A_180 : vector<512x512xf32>
      %get3A_182 = arith.index_cast %mul3A_0 : i32 to index
      %get3A_183 = arith.constant 16 : index
      %get3A_184 = vector.load %arg18[%get3A_182, %get3A_183] : memref<2048x40xbf16, #tpu.memory_space<vmem>>, vector<512x8xbf16>
      %get3A_185 = arith.constant 16 : index
      %get3A_186 = arith.index_cast %mul3A_2 : i32 to index
      %get3A_187 = vector.load %arg19[%get3A_185, %get3A_186] : memref<40x2048xbf16, #tpu.memory_space<vmem>>, vector<8x512xbf16>
      %dot_general3A_188 = arith.constant dense<0.000000e+00> : vector<512x512xf32>
      %dot_general3A_189 = tpu.matmul %get3A_184, %get3A_187, %dot_general3A_188 {dimension_numbers = #tpu.dot_dimension_numbers<[1], [0], [0], [1], [0, 0, 1, 1], [], []>, transpose_lhs_hint = false} : vector<512x8xbf16>, vector<8x512xbf16>, vector<512x512xf32> -> vector<512x512xf32>
      %max3A_190 = arith.constant 0.000000e+00 : f32
      %max3A_191 = vector.broadcast %max3A_190 : f32 to vector<512x512xf32>
      %max3A_192 = arith.maximumf %dot_general3A_189, %max3A_191 : vector<512x512xf32>
      %sqrt3A_193 = math.sqrt %max3A_192 : vector<512x512xf32>
      %sub3A_194 = arith.subf %sqrt3A_193, %sqrt3A : vector<512x512xf32>
      %add3A_195 = arith.constant 9.99999997E-7 : f32
      %add3A_196 = vector.broadcast %add3A_195 : f32 to vector<512x512xf32>
      %add3A_197 = arith.addf %sub3A_194, %add3A_196 : vector<512x512xf32>
      %abs3A_198 = math.absf %add3A_197 : vector<512x512xf32>
      %min3A_199 = arith.constant 2.200000e+01 : f32
      %min3A_200 = vector.broadcast %min3A_199 : f32 to vector<512x512xf32>
      %min3A_201 = arith.minimumf %abs3A_198, %min3A_200 : vector<512x512xf32>
      %exp3A_202 = math.exp %min3A_201 : vector<512x512xf32>
      %mul3A_203 = arith.constant 0.606530666 : f32
      %mul3A_204 = vector.broadcast %mul3A_203 : f32 to vector<512x512xf32>
      %mul3A_205 = arith.mulf %mul3A_204, %exp3A_202 : vector<512x512xf32>
      %add3A_206 = arith.constant 1.000000e+00 : f32
      %add3A_207 = vector.broadcast %add3A_206 : f32 to vector<512x512xf32>
      %add3A_208 = arith.addf %add3A_207, %mul3A_205 : vector<512x512xf32>
      %mul3A_209 = arith.constant 0.36787945 : f32
      %mul3A_210 = vector.broadcast %mul3A_209 : f32 to vector<512x512xf32>
      %mul3A_211 = arith.mulf %mul3A_210, %exp3A_202 : vector<512x512xf32>
      %add3A_212 = arith.constant 1.000000e+00 : f32
      %add3A_213 = vector.broadcast %add3A_212 : f32 to vector<512x512xf32>
      %add3A_214 = arith.addf %add3A_213, %mul3A_211 : vector<512x512xf32>
      %mul3A_215 = arith.constant 0.135335281 : f32
      %mul3A_216 = vector.broadcast %mul3A_215 : f32 to vector<512x512xf32>
      %mul3A_217 = arith.mulf %mul3A_216, %exp3A_202 : vector<512x512xf32>
      %add3A_218 = arith.constant 1.000000e+00 : f32
      %add3A_219 = vector.broadcast %add3A_218 : f32 to vector<512x512xf32>
      %add3A_220 = arith.addf %add3A_219, %mul3A_217 : vector<512x512xf32>
      %mul3A_221 = arith.constant 0.0183156393 : f32
      %mul3A_222 = vector.broadcast %mul3A_221 : f32 to vector<512x512xf32>
      %mul3A_223 = arith.mulf %mul3A_222, %exp3A_202 : vector<512x512xf32>
      %add3A_224 = arith.constant 1.000000e+00 : f32
      %add3A_225 = vector.broadcast %add3A_224 : f32 to vector<512x512xf32>
      %add3A_226 = arith.addf %add3A_225, %mul3A_223 : vector<512x512xf32>
      %mul3A_227 = arith.mulf %add3A_208, %add3A_214 : vector<512x512xf32>
      %mul3A_228 = arith.mulf %add3A_220, %add3A_226 : vector<512x512xf32>
      %add3A_229 = arith.addf %add3A_208, %add3A_214 : vector<512x512xf32>
      %mul3A_230 = arith.mulf %add3A_229, %mul3A_228 : vector<512x512xf32>
      %add3A_231 = arith.addf %add3A_220, %add3A_226 : vector<512x512xf32>
      %mul3A_232 = arith.mulf %add3A_231, %mul3A_227 : vector<512x512xf32>
      %add3A_233 = arith.addf %mul3A_230, %mul3A_232 : vector<512x512xf32>
      %mul3A_234 = arith.mulf %mul3A_227, %mul3A_228 : vector<512x512xf32>
      %div3A_235 = arith.divf %add3A_233, %mul3A_234 : vector<512x512xf32>
      %add3A_236 = arith.addf %add3A_181, %div3A_235 : vector<512x512xf32>
      %get3A_237 = arith.index_cast %mul3A_0 : i32 to index
      %get3A_238 = arith.constant 24 : index
      %get3A_239 = vector.load %arg18[%get3A_237, %get3A_238] : memref<2048x40xbf16, #tpu.memory_space<vmem>>, vector<512x8xbf16>
      %get3A_240 = arith.constant 24 : index
      %get3A_241 = arith.index_cast %mul3A_2 : i32 to index
      %get3A_242 = vector.load %arg19[%get3A_240, %get3A_241] : memref<40x2048xbf16, #tpu.memory_space<vmem>>, vector<8x512xbf16>
      %dot_general3A_243 = arith.constant dense<0.000000e+00> : vector<512x512xf32>
      %dot_general3A_244 = tpu.matmul %get3A_239, %get3A_242, %dot_general3A_243 {dimension_numbers = #tpu.dot_dimension_numbers<[1], [0], [0], [1], [0, 0, 1, 1], [], []>, transpose_lhs_hint = false} : vector<512x8xbf16>, vector<8x512xbf16>, vector<512x512xf32> -> vector<512x512xf32>
      %max3A_245 = arith.constant 0.000000e+00 : f32
      %max3A_246 = vector.broadcast %max3A_245 : f32 to vector<512x512xf32>
      %max3A_247 = arith.maximumf %dot_general3A_244, %max3A_246 : vector<512x512xf32>
      %sqrt3A_248 = math.sqrt %max3A_247 : vector<512x512xf32>
      %sub3A_249 = arith.subf %sqrt3A_248, %sqrt3A : vector<512x512xf32>
      %add3A_250 = arith.constant 9.99999997E-7 : f32
      %add3A_251 = vector.broadcast %add3A_250 : f32 to vector<512x512xf32>
      %add3A_252 = arith.addf %sub3A_249, %add3A_251 : vector<512x512xf32>
      %abs3A_253 = math.absf %add3A_252 : vector<512x512xf32>
      %min3A_254 = arith.constant 2.200000e+01 : f32
      %min3A_255 = vector.broadcast %min3A_254 : f32 to vector<512x512xf32>
      %min3A_256 = arith.minimumf %abs3A_253, %min3A_255 : vector<512x512xf32>
      %exp3A_257 = math.exp %min3A_256 : vector<512x512xf32>
      %mul3A_258 = arith.constant 0.606530666 : f32
      %mul3A_259 = vector.broadcast %mul3A_258 : f32 to vector<512x512xf32>
      %mul3A_260 = arith.mulf %mul3A_259, %exp3A_257 : vector<512x512xf32>
      %add3A_261 = arith.constant 1.000000e+00 : f32
      %add3A_262 = vector.broadcast %add3A_261 : f32 to vector<512x512xf32>
      %add3A_263 = arith.addf %add3A_262, %mul3A_260 : vector<512x512xf32>
      %mul3A_264 = arith.constant 0.36787945 : f32
      %mul3A_265 = vector.broadcast %mul3A_264 : f32 to vector<512x512xf32>
      %mul3A_266 = arith.mulf %mul3A_265, %exp3A_257 : vector<512x512xf32>
      %add3A_267 = arith.constant 1.000000e+00 : f32
      %add3A_268 = vector.broadcast %add3A_267 : f32 to vector<512x512xf32>
      %add3A_269 = arith.addf %add3A_268, %mul3A_266 : vector<512x512xf32>
      %mul3A_270 = arith.constant 0.135335281 : f32
      %mul3A_271 = vector.broadcast %mul3A_270 : f32 to vector<512x512xf32>
      %mul3A_272 = arith.mulf %mul3A_271, %exp3A_257 : vector<512x512xf32>
      %add3A_273 = arith.constant 1.000000e+00 : f32
      %add3A_274 = vector.broadcast %add3A_273 : f32 to vector<512x512xf32>
      %add3A_275 = arith.addf %add3A_274, %mul3A_272 : vector<512x512xf32>
      %mul3A_276 = arith.constant 0.0183156393 : f32
      %mul3A_277 = vector.broadcast %mul3A_276 : f32 to vector<512x512xf32>
      %mul3A_278 = arith.mulf %mul3A_277, %exp3A_257 : vector<512x512xf32>
      %add3A_279 = arith.constant 1.000000e+00 : f32
      %add3A_280 = vector.broadcast %add3A_279 : f32 to vector<512x512xf32>
      %add3A_281 = arith.addf %add3A_280, %mul3A_278 : vector<512x512xf32>
      %mul3A_282 = arith.mulf %add3A_263, %add3A_269 : vector<512x512xf32>
      %mul3A_283 = arith.mulf %add3A_275, %add3A_281 : vector<512x512xf32>
      %add3A_284 = arith.addf %add3A_263, %add3A_269 : vector<512x512xf32>
      %mul3A_285 = arith.mulf %add3A_284, %mul3A_283 : vector<512x512xf32>
      %add3A_286 = arith.addf %add3A_275, %add3A_281 : vector<512x512xf32>
      %mul3A_287 = arith.mulf %add3A_286, %mul3A_282 : vector<512x512xf32>
      %add3A_288 = arith.addf %mul3A_285, %mul3A_287 : vector<512x512xf32>
      %mul3A_289 = arith.mulf %mul3A_282, %mul3A_283 : vector<512x512xf32>
      %div3A_290 = arith.divf %add3A_288, %mul3A_289 : vector<512x512xf32>
      %add3A_291 = arith.addf %add3A_236, %div3A_290 : vector<512x512xf32>
      %get3A_292 = arith.constant 0 : index
      %get3A_293 = memref.load %arg16[%get3A_292] : memref<16xf32, #tpu.memory_space<smem>>
      %mul3A_294 = arith.mulf %add3A_291, %select_n3A_66 : vector<512x512xf32>
      %reduce_sum3A_295 = vector.shape_cast %mul3A_294 : vector<512x512xf32> to vector<1x512x512xf32>
      %reduce_sum3A_296 = arith.constant dense<0.000000e+00> : vector<1xf32>
      %reduce_sum3A_297 = vector.multi_reduction <add>, %reduce_sum3A_295, %reduce_sum3A_296 [1, 2] : vector<1x512x512xf32> to vector<1xf32>
      %reduce_sum3A_298 = vector.shape_cast %reduce_sum3A_297 : vector<1xf32> to vector<1x1x1xf32>
      %reduce_sum3A_299 = vector.extract %reduce_sum3A_298[0, 0, 0] : f32 from vector<1x1x1xf32>
      %add3A_300 = arith.addf %get3A_293, %reduce_sum3A_299 : f32
      %swap3A_301 = arith.constant 0 : index
      %swap3A_302 = memref.load %arg16[%swap3A_301] : memref<16xf32, #tpu.memory_space<smem>>
      memref.store %add3A_300, %arg16[%swap3A_301] : memref<16xf32, #tpu.memory_space<smem>>
    } else {
    }
    %eq3A_10 = arith.constant 3 : i32
    %eq3A_11 = arith.cmpi eq, %arg0, %eq3A_10 : i32
    %eq3A_12 = arith.constant 3 : i32
    %eq3A_13 = arith.cmpi eq, %arg1, %eq3A_12 : i32
    %and3A_14 = arith.andi %eq3A_11, %eq3A_13 : i1
    %convert_element_type3A_15 = arith.extui %and3A_14 : i1 to i32
    %cond3A_16 = arith.constant 0 : i32
    %cond3A_17 = arith.cmpi ne, %convert_element_type3A_15, %cond3A_16 : i32
    scf.if %cond3A_17 {
      %get3A = arith.constant 4 : index
      %get3A_18 = memref.load %arg16[%get3A] : memref<16xf32, #tpu.memory_space<smem>>
      %get3A_19 = arith.constant 0 : index
      %get3A_20 = memref.load %arg16[%get3A_19] : memref<16xf32, #tpu.memory_space<smem>>
      %mul3A_21 = arith.constant 2.500000e-01 : f32
      %mul3A_22 = arith.mulf %mul3A_21, %get3A_20 : f32
      %add3A = arith.constant 9.99999997E-7 : f32
      %add3A_23 = arith.addf %get3A_18, %add3A : f32
      %div3A = arith.divf %mul3A_22, %add3A_23 : f32
      %sub3A = arith.constant 4.000000e+00 : f32
      %sub3A_24 = arith.subf %sub3A, %div3A : f32
      %get3A_25 = arith.constant 0 : index
      %get3A_26 = arith.constant 0 : index
      %get3A_27 = vector.load %arg13[%get3A_25, %get3A_26] : memref<16x80xf32, #tpu.memory_space<vmem>>, vector<16x80xf32>
      %slice3A = vector.extract_strided_slice %get3A_27 {offsets = [0, 64], sizes = [16, 16], strides = [1, 1]} : vector<16x80xf32> to vector<16x16xf32>
      %reduce_sum3A = vector.shape_cast %slice3A : vector<16x16xf32> to vector<1x16x16xf32>
      %reduce_sum3A_28 = arith.constant dense<0.000000e+00> : vector<1xf32>
      %reduce_sum3A_29 = vector.multi_reduction <add>, %reduce_sum3A, %reduce_sum3A_28 [1, 2] : vector<1x16x16xf32> to vector<1xf32>
      %reduce_sum3A_30 = vector.shape_cast %reduce_sum3A_29 : vector<1xf32> to vector<1x1x1xf32>
      %reduce_sum3A_31 = vector.extract %reduce_sum3A_30[0, 0, 0] : f32 from vector<1x1x1xf32>
      %slice3A_32 = vector.extract_strided_slice %get3A_27 {offsets = [0, 0], sizes = [16, 16], strides = [1, 1]} : vector<16x80xf32> to vector<16x16xf32>
      %reduce_sum3A_33 = vector.shape_cast %slice3A_32 : vector<16x16xf32> to vector<1x16x16xf32>
      %reduce_sum3A_34 = arith.constant dense<0.000000e+00> : vector<1xf32>
      %reduce_sum3A_35 = vector.multi_reduction <add>, %reduce_sum3A_33, %reduce_sum3A_34 [1, 2] : vector<1x16x16xf32> to vector<1xf32>
      %reduce_sum3A_36 = vector.shape_cast %reduce_sum3A_35 : vector<1xf32> to vector<1x1x1xf32>
      %reduce_sum3A_37 = vector.extract %reduce_sum3A_36[0, 0, 0] : f32 from vector<1x1x1xf32>
      %div3A_38 = arith.constant 3.000000e+00 : f32
      %div3A_39 = arith.divf %reduce_sum3A_37, %div3A_38 : f32
      %add3A_40 = arith.constant 9.99999974E-5 : f32
      %add3A_41 = arith.addf %reduce_sum3A_31, %add3A_40 : f32
      %div3A_42 = arith.divf %div3A_39, %add3A_41 : f32
      %get3A_43 = arith.constant 0 : index
      %get3A_44 = memref.load %arg14[%get3A_43] : memref<4xf32, #tpu.memory_space<smem>>
      %mul3A_45 = arith.mulf %get3A_44, %get3A_44 : f32
      %add3A_46 = arith.constant 2.560000e+02 : f32
      %add3A_47 = arith.addf %mul3A_45, %add3A_46 : f32
      %mul3A_48 = arith.mulf %get3A_44, %get3A_44 : f32
      %mul3A_49 = arith.constant 2.560000e+02 : f32
      %mul3A_50 = arith.mulf %mul3A_48, %mul3A_49 : f32
      %div3A_51 = arith.divf %add3A_47, %mul3A_50 : f32
      %mul3A_52 = arith.mulf %div3A_51, %div3A_42 : f32
      %min3A = arith.constant 2.000000e+00 : f32
      %min3A_53 = arith.minimumf %mul3A_52, %min3A : f32
      %add3A_54 = arith.addf %sub3A_24, %min3A_53 : f32
      %slice3A_55 = vector.extract_strided_slice %get3A_27 {offsets = [0, 16], sizes = [16, 16], strides = [1, 1]} : vector<16x80xf32> to vector<16x16xf32>
      %reduce_sum3A_56 = vector.shape_cast %slice3A_55 : vector<16x16xf32> to vector<1x16x16xf32>
      %reduce_sum3A_57 = arith.constant dense<0.000000e+00> : vector<1xf32>
      %reduce_sum3A_58 = vector.multi_reduction <add>, %reduce_sum3A_56, %reduce_sum3A_57 [1, 2] : vector<1x16x16xf32> to vector<1xf32>
      %reduce_sum3A_59 = vector.shape_cast %reduce_sum3A_58 : vector<1xf32> to vector<1x1x1xf32>
      %reduce_sum3A_60 = vector.extract %reduce_sum3A_59[0, 0, 0] : f32 from vector<1x1x1xf32>
      %div3A_61 = arith.constant 3.000000e+00 : f32
      %div3A_62 = arith.divf %reduce_sum3A_60, %div3A_61 : f32
      %add3A_63 = arith.constant 9.99999974E-5 : f32
      %add3A_64 = arith.addf %reduce_sum3A_31, %add3A_63 : f32
      %div3A_65 = arith.divf %div3A_62, %add3A_64 : f32
      %get3A_66 = arith.constant 1 : index
      %get3A_67 = memref.load %arg14[%get3A_66] : memref<4xf32, #tpu.memory_space<smem>>
      %mul3A_68 = arith.mulf %get3A_67, %get3A_67 : f32
      %add3A_69 = arith.constant 2.560000e+02 : f32
      %add3A_70 = arith.addf %mul3A_68, %add3A_69 : f32
      %mul3A_71 = arith.mulf %get3A_67, %get3A_67 : f32
      %mul3A_72 = arith.constant 2.560000e+02 : f32
      %mul3A_73 = arith.mulf %mul3A_71, %mul3A_72 : f32
      %div3A_74 = arith.divf %add3A_70, %mul3A_73 : f32
      %mul3A_75 = arith.mulf %div3A_74, %div3A_65 : f32
      %min3A_76 = arith.constant 2.000000e+00 : f32
      %min3A_77 = arith.minimumf %mul3A_75, %min3A_76 : f32
      %add3A_78 = arith.addf %add3A_54, %min3A_77 : f32
      %slice3A_79 = vector.extract_strided_slice %get3A_27 {offsets = [0, 32], sizes = [16, 16], strides = [1, 1]} : vector<16x80xf32> to vector<16x16xf32>
      %reduce_sum3A_80 = vector.shape_cast %slice3A_79 : vector<16x16xf32> to vector<1x16x16xf32>
      %reduce_sum3A_81 = arith.constant dense<0.000000e+00> : vector<1xf32>
      %reduce_sum3A_82 = vector.multi_reduction <add>, %reduce_sum3A_80, %reduce_sum3A_81 [1, 2] : vector<1x16x16xf32> to vector<1xf32>
      %reduce_sum3A_83 = vector.shape_cast %reduce_sum3A_82 : vector<1xf32> to vector<1x1x1xf32>
      %reduce_sum3A_84 = vector.extract %reduce_sum3A_83[0, 0, 0] : f32 from vector<1x1x1xf32>
      %div3A_85 = arith.constant 3.000000e+00 : f32
      %div3A_86 = arith.divf %reduce_sum3A_84, %div3A_85 : f32
      %add3A_87 = arith.constant 9.99999974E-5 : f32
      %add3A_88 = arith.addf %reduce_sum3A_31, %add3A_87 : f32
      %div3A_89 = arith.divf %div3A_86, %add3A_88 : f32
      %get3A_90 = arith.constant 2 : index
      %get3A_91 = memref.load %arg14[%get3A_90] : memref<4xf32, #tpu.memory_space<smem>>
      %mul3A_92 = arith.mulf %get3A_91, %get3A_91 : f32
      %add3A_93 = arith.constant 2.560000e+02 : f32
      %add3A_94 = arith.addf %mul3A_92, %add3A_93 : f32
      %mul3A_95 = arith.mulf %get3A_91, %get3A_91 : f32
      %mul3A_96 = arith.constant 2.560000e+02 : f32
      %mul3A_97 = arith.mulf %mul3A_95, %mul3A_96 : f32
      %div3A_98 = arith.divf %add3A_94, %mul3A_97 : f32
      %mul3A_99 = arith.mulf %div3A_98, %div3A_89 : f32
      %min3A_100 = arith.constant 2.000000e+00 : f32
      %min3A_101 = arith.minimumf %mul3A_99, %min3A_100 : f32
      %add3A_102 = arith.addf %add3A_78, %min3A_101 : f32
      %slice3A_103 = vector.extract_strided_slice %get3A_27 {offsets = [0, 48], sizes = [16, 16], strides = [1, 1]} : vector<16x80xf32> to vector<16x16xf32>
      %reduce_sum3A_104 = vector.shape_cast %slice3A_103 : vector<16x16xf32> to vector<1x16x16xf32>
      %reduce_sum3A_105 = arith.constant dense<0.000000e+00> : vector<1xf32>
      %reduce_sum3A_106 = vector.multi_reduction <add>, %reduce_sum3A_104, %reduce_sum3A_105 [1, 2] : vector<1x16x16xf32> to vector<1xf32>
      %reduce_sum3A_107 = vector.shape_cast %reduce_sum3A_106 : vector<1xf32> to vector<1x1x1xf32>
      %reduce_sum3A_108 = vector.extract %reduce_sum3A_107[0, 0, 0] : f32 from vector<1x1x1xf32>
      %div3A_109 = arith.constant 3.000000e+00 : f32
      %div3A_110 = arith.divf %reduce_sum3A_108, %div3A_109 : f32
      %add3A_111 = arith.constant 9.99999974E-5 : f32
      %add3A_112 = arith.addf %reduce_sum3A_31, %add3A_111 : f32
      %div3A_113 = arith.divf %div3A_110, %add3A_112 : f32
      %get3A_114 = arith.constant 3 : index
      %get3A_115 = memref.load %arg14[%get3A_114] : memref<4xf32, #tpu.memory_space<smem>>
      %mul3A_116 = arith.mulf %get3A_115, %get3A_115 : f32
      %add3A_117 = arith.constant 2.560000e+02 : f32
      %add3A_118 = arith.addf %mul3A_116, %add3A_117 : f32
      %mul3A_119 = arith.mulf %get3A_115, %get3A_115 : f32
      %mul3A_120 = arith.constant 2.560000e+02 : f32
      %mul3A_121 = arith.mulf %mul3A_119, %mul3A_120 : f32
      %div3A_122 = arith.divf %add3A_118, %mul3A_121 : f32
      %mul3A_123 = arith.mulf %div3A_122, %div3A_113 : f32
      %min3A_124 = arith.constant 2.000000e+00 : f32
      %min3A_125 = arith.minimumf %mul3A_123, %min3A_124 : f32
      %add3A_126 = arith.addf %add3A_102, %min3A_125 : f32
      %div3A_127 = arith.constant 4.000000e+00 : f32
      %div3A_128 = arith.divf %add3A_126, %div3A_127 : f32
      %mul3A_129 = arith.constant 4.000000e+00 : f32
      %mul3A_130 = arith.mulf %mul3A_129, %div3A_128 : f32
      %broadcast_in_dim3A = vector.broadcast %mul3A_130 : f32 to vector<1x1xf32>
      %swap3A = arith.constant 0 : index
      %swap3A_131 = arith.constant 0 : index
      %swap3A_132 = vector.load %arg15[%swap3A, %swap3A_131] : memref<1x1xf32, #tpu.memory_space<vmem>>, vector<1x1xf32>
      tpu.vector_store %arg15[%swap3A, %swap3A_131], %broadcast_in_dim3A {strides = array<i32>} : memref<1x1xf32, #tpu.memory_space<vmem>>, vector<1x1xf32>,
    } else {
    }
    return
  }
  func.func @transform_0(%arg0: i32, %arg1: i32) -> (i32, i32) {
    %c0_i32 = arith.constant 0 : i32
    %c0_i32_0 = arith.constant 0 : i32
    %c0_i32_1 = arith.constant 0 : i32
    return %c0_i32, %c0_i32_0 : i32, i32
  }
  func.func @transform_1(%arg0: i32, %arg1: i32) -> (i32, i32) {
    %c0_i32 = arith.constant 0 : i32
    %c0_i32_0 = arith.constant 0 : i32
    %c0_i32_1 = arith.constant 0 : i32
    return %c0_i32, %c0_i32_0 : i32, i32
  }
  func.func @transform_2(%arg0: i32, %arg1: i32) -> (i32, i32) {
    %c0_i32 = arith.constant 0 : i32
    %c0_i32_0 = arith.constant 0 : i32
    %c0_i32_1 = arith.constant 0 : i32
    return %c0_i32, %c0_i32_0 : i32, i32
  }
  func.func @transform_3(%arg0: i32, %arg1: i32) -> (i32, i32) {
    %c0_i32 = arith.constant 0 : i32
    %c0_i32_0 = arith.constant 0 : i32
    %c0_i32_1 = arith.constant 0 : i32
    return %c0_i32, %c0_i32_0 : i32, i32
  }
  func.func @transform_4(%arg0: i32, %arg1: i32) -> (i32, i32) {
    %c0_i32 = arith.constant 0 : i32
    %c0_i32_0 = arith.constant 0 : i32
    %c0_i32_1 = arith.constant 0 : i32
    return %c0_i32, %c0_i32_0 : i32, i32
  }
  func.func @transform_5(%arg0: i32, %arg1: i32) -> (i32, i32) {
    %c0_i32 = arith.constant 0 : i32
    %c0_i32_0 = arith.constant 0 : i32
    %c0_i32_1 = arith.constant 0 : i32
    return %c0_i32, %c0_i32_0 : i32, i32
  }
  func.func @transform_6(%arg0: i32, %arg1: i32) -> (i32, i32) {
    %c0_i32 = arith.constant 0 : i32
    %c0_i32_0 = arith.constant 0 : i32
    %c0_i32_1 = arith.constant 0 : i32
    return %c0_i32, %c0_i32_0 : i32, i32
  }
  func.func @transform_7(%arg0: i32, %arg1: i32) -> (i32, i32) {
    %c0_i32 = arith.constant 0 : i32
    %c0_i32_0 = arith.constant 0 : i32
    %c0_i32_1 = arith.constant 0 : i32
    return %c0_i32, %c0_i32_0 : i32, i32
  }
  func.func @transform_8(%arg0: i32, %arg1: i32) -> (i32, i32) {
    %c0_i32 = arith.constant 0 : i32
    %c0_i32_0 = arith.constant 0 : i32
    %c0_i32_1 = arith.constant 0 : i32
    return %c0_i32, %c0_i32_0 : i32, i32
  }
  func.func @transform_9(%arg0: i32, %arg1: i32) -> (i32, i32) {
    %c0_i32 = arith.constant 0 : i32
    %c0_i32_0 = arith.constant 0 : i32
    %c0_i32_1 = arith.constant 0 : i32
    return %c0_i32, %c0_i32_0 : i32, i32
  }
  func.func @transform_10(%arg0: i32, %arg1: i32) -> (i32, i32) {
    %c0_i32 = arith.constant 0 : i32
    %c0_i32_0 = arith.constant 0 : i32
    %c0_i32_1 = arith.constant 0 : i32
    return %c0_i32, %c0_i32_0 : i32, i32
  }
  func.func @transform_11(%arg0: i32, %arg1: i32) -> (i32, i32) {
    %c0_i32 = arith.constant 0 : i32
    %c0_i32_0 = arith.constant 0 : i32
    %c0_i32_1 = arith.constant 0 : i32
    return %c0_i32, %c0_i32_0 : i32, i32
  }
  func.func @transform_12(%arg0: i32, %arg1: i32) -> i32 {
    %c0_i32 = arith.constant 0 : i32
    %c0_i32_0 = arith.constant 0 : i32
    return %c0_i32 : i32
  }
  func.func @transform_13(%arg0: i32, %arg1: i32) -> (i32, i32) {
    %c0_i32 = arith.constant 0 : i32
    %c0_i32_0 = arith.constant 0 : i32
    %c0_i32_1 = arith.constant 0 : i32
    return %c0_i32, %c0_i32_0 : i32, i32
  }
}

</mosaic_0001>

<sc_bundles>
// kernel: kernel.4.cloned.1.call-start
scs
__scs_entry_jumppad:
0x0: {  	(pc) =	sbr.rel $0x88, $3  }
0x1: {  	(tag) =	ssettag $0x0;
	lr =	simm.s32 $0x1  }
0x2: {  	[smem:$0x3F99] =	sst lr;
	_ =	strace $0xD0000000  }
0x3: {  	_ = 	snop  }
0x4: {  	_ = 	snop  }
0x5: {  	_ = 	snop  }
0x6: {  	_ = 	snop  }
0x7: {  	_ = 	snop  }
__scs_overlays_trampoline_lowered:
0x8: {  	[smem:$0x3FA8] =	sst s0  }
0x9: {  	[smem:$0x3FA9] =	sst s1  }
0xa: {  	[smem:$0x3FAA] =	sst s2  }
0xb: {  	[smem:$0x3FAB] =	sst s3  }
0xc: {  	[smem:$0x3FAC] =	sst s4  }
0xd: {  	[smem:$0x3FAD] =	sst s5  }
0xe: {  	[smem:$0x3FAE] =	sst s6  }
0xf: {  	[smem:$0x3FAF] =	sst s7  }
0x10: {  	[smem:$0x3FB0] =	sst s8  }
0x11: {  	[smem:$0x3FB1] =	sst s9;
	s0 =	simm.s32 @!p0 $0x0  }
0x12: {  	s1 =	sld [smem:$0x3F97];
	s0 =	simm.s32 @p0 $0x1  }
0x13: {  	[smem:$0x3FB2] =	sst s0;
	s0 =	simm.s32 @!p1 $0x0  }
0x14: {  	s2 =	sld [smem:$0x3F96];
	s0 =	simm.s32 @p1 $0x1  }
0x15: {  	[smem:$0x3FB3] =	sst s0;
	s0 =	simm.s32 @!p2 $0x0  }
0x16: {  	s3 =	sld [smem:$0x3FDB];
	s0 =	simm.s32 @p2 $0x1  }
0x17: {  	s4 =	simm.s32 $0x1BF5;
	[smem:$0x3FB5] =	sst s0  }
0x18: {  	s0 =	sld [smem:$0x3F98];
	_ =	swait.ge [sflag:s4], $0x0  }
0x19: {  	s7 =	sld [smem:$0x3F99]  }
0x1a: {  	s8 =	sadd.s32 $0xFFFFE003, lr  }
0x1b: {  	s9 =	sadd.s32 $0xFFFFFEF7, lr;
	s5 =	simm.s32 $0xFFFFFFFF;
	p2 =	slt.u32 s8, $0xFFFFF086  }
0x1c: {  	p1 =	slt.u32 s9, $0xF7A;
	s5 =	simm.s32 @!p2 $0x0  }
0x1d: {  	s5 =	simm.s32 @p1 $0x1;
	p0 =	seq.s32 s7, s2  }
0x1e: {  	s7 =	smul.u32 @!p0 $0xF7A, s2;
	p2 =	seq.s32 @!p0 s5, $0x0  }
0x1f: {  	s9 =	smul.u32 $0xF7A, s1;
	s8 =	simm.s32 @!p0 $0x1BF5;
	p2 =	por !p2, p0  }
0x20: {  	[sflag:s8] =	ssyncset.s32 @!p0 $0xFFFFF086;
	s6 =	sadd.s32 @!p0 s3, s7;
	s7 =	simm.s32 @!p0 $0x108  }
0x21: {  	s3 =	sadd.s32 s3, s9;
	s6 =	sadd.s32 @!p0 $0x88, s6;
	s7 =	simm.s32 @p2 $0x1082  }
0x22: {  	[simem:s7], [sflag:s8] =	dma.local @!p0 [hbm:s6], $0xF7A  }
0x23: {  	s9 =	sor.u32 $0xD0000000, s2;
	s6 =	simm.s32 $0x108;
	_ =	swait.ge @!p0 [sflag:s8], $0x0  }
0x24: {  	s3 =	sadd.s32 $0x88, s3;
	s6 =	simm.s32 @!p1 $0x1082;
	[sflag:s4] =	ssyncset.s32 $0xFFFFF086  }
0x25: {  	[simem:s6], [sflag:s4] =	dma.local [hbm:s3], $0xF7A  }
0x26: {  	[smem:$0x3F99] =	sst s1;
	(tag) =	ssettag s2;
	_ =	strace s9  }
0x27: {  	s1 =	sld [smem:$0x3FA9]  }
0x28: {  	s2 =	sld [smem:$0x3FAA]  }
0x29: {  	s4 =	sld [smem:$0x3FAC]  }
0x2a: {  	p0 =	seq.s32 s5, $0x0;
	s5 =	sld [smem:$0x3FAD]  }
0x2b: {  	s6 =	sld [smem:$0x3FAE]  }
0x2c: {  	s7 =	sld [smem:$0x3FAF]  }
0x2d: {  	s3 =	simm.s32 $0x108;
	s8 =	sld [smem:$0x3FB0]  }
0x2e: {  	s3 =	simm.s32 @!p0 $0x1082;
	s9 =	sld [smem:$0x3FB1]  }
0x2f: {  	lr =	sadd.s32 s0, s3;
	s0 =	sld [smem:$0x3FA8]  }
0x30: {  	s3 =	sld [smem:$0x3FAB]  }
0x31: {  	[smem:$0x3FB4] =	sst s10  }
0x32: {  	s10 =	sld [smem:$0x3FB2];
	_ =	sdelay $0x3  }
0x33: {  	p0 =	seq.s32 s10, $0x1;
	s10 =	sld [smem:$0x3FB4];
	_ =	sdelay $0x3  }
0x34: {  	[smem:$0x3FB4] =	sst s10  }
0x35: {  	s10 =	sld [smem:$0x3FB3];
	_ =	sdelay $0x3  }
0x36: {  	p1 =	seq.s32 s10, $0x1;
	s10 =	sld [smem:$0x3FB4];
	_ =	sdelay $0x3  }
0x37: {  	[smem:$0x3FB4] =	sst s10  }
0x38: {  	s10 =	sld [smem:$0x3FB5]  }
0x39: {  	_ = 	snop;
	(pc) =	sbr.ind lr, $3  }
0x3a: {  	_ = 	snop  }
0x3b: {  	_ = 	snop  }
0x3c: {  	p2 =	seq.s32 s10, $0x1;
	s10 =	sld [smem:$0x3FB4]  }
0x3d: {  	_ =	shalt  }
0x3e: {  	_ =	shalt  }
0x3f: {  	_ =	shalt  }
0x40: {  	_ =	shalt  }
0x41: {  	_ =	shalt  }
0x42: {  	_ =	shalt  }
0x43: {  	_ =	shalt  }
0x44: {  	_ =	shalt  }
0x45: {  	_ =	shalt  }
0x46: {  	_ =	shalt  }
0x47: {  	_ =	shalt  }
0x48: {  	_ =	shalt  }
0x49: {  	_ =	shalt  }
0x4a: {  	_ =	shalt  }
0x4b: {  	_ =	shalt  }
0x4c: {  	_ =	shalt  }
0x4d: {  	_ =	shalt  }
0x4e: {  	_ =	shalt  }
0x4f: {  	_ =	shalt  }
0x50: {  	_ =	shalt  }
0x51: {  	_ =	shalt  }
0x52: {  	_ =	shalt  }
0x53: {  	_ =	shalt  }
0x54: {  	_ =	shalt  }
0x55: {  	_ =	shalt  }
0x56: {  	_ =	shalt  }
0x57: {  	_ =	shalt  }
0x58: {  	_ =	shalt  }
0x59: {  	_ =	shalt  }
0x5a: {  	_ =	shalt  }
0x5b: {  	_ =	shalt  }
0x5c: {  	_ =	shalt  }
0x5d: {  	_ =	shalt  }
0x5e: {  	_ =	shalt  }
0x5f: {  	_ =	shalt  }
0x60: {  	_ =	shalt  }
0x61: {  	_ =	shalt  }
0x62: {  	_ =	shalt  }
0x63: {  	_ =	shalt  }
0x64: {  	_ =	shalt  }
0x65: {  	_ =	shalt  }
0x66: {  	_ =	shalt  }
0x67: {  	_ =	shalt  }
0x68: {  	_ =	shalt  }
0x69: {  	_ =	shalt  }
0x6a: {  	_ =	shalt  }
0x6b: {  	_ =	shalt  }
0x6c: {  	_ =	shalt  }
0x6d: {  	_ =	shalt  }
0x6e: {  	_ =	shalt  }
0x6f: {  	_ =	shalt  }
0x70: {  	_ =	shalt  }
0x71: {  	_ =	shalt  }
0x72: {  	_ =	shalt  }
0x73: {  	_ =	shalt  }
0x74: {  	_ =	shalt  }
0x75: {  	_ =	shalt  }
0x76: {  	_ =	shalt  }
0x77: {  	_ =	shalt  }
0x78: {  	_ =	shalt  }
0x79: {  	_ =	shalt  }
0x7a: {  	_ =	shalt  }
0x7b: {  	_ =	shalt  }
0x7c: {  	_ =	shalt  }
0x7d: {  	_ =	shalt  }
0x7e: {  	_ =	shalt  }
0x7f: {  	_ =	shalt  }
0x80: {  	_ =	shalt  }
0x81: {  	_ =	shalt  }
0x82: {  	_ =	shalt  }
0x83: {  	_ =	shalt  }
0x84: {  	_ =	shalt  }
0x85: {  	_ =	shalt  }
0x86: {  	_ =	shalt  }
0x87: {  	_ =	shalt  }
.Lfunc_end0:
.L_simem_size_0:
called_computation_lowered:
.L_overlay_start_0:
0x88: {  	s0 =	sld [smem:$0x3FD9]  }
0x89: {  	s1 =	sld [smem:$0x3FFE];
	_ =	sdelay $0x3  }
0x8a: {  	s0 =	sadd.s32 s1, s0  }
0x8b: {  	[smem:$0x3FC0] =	sst s0  }
0x8c: {  	_ = 	snop  }
0x8d: {  	s0 =	sld [smem:$0x3FC7]  }
0x8e: {  	s16 =	sld [smem:$0x3FC3];
	(tm) =	ssettm $0x1  }
0x8f: {  	s2 =	sld [smem:$0x3FFB];
	_ =	sdelay $0x3  }
0x90: {  	_ =	strace s2  }
0x91: {  	s2 =	sld [smem:$0x3FFC];
	_ =	sdelay $0x3  }
0x92: {  	_ =	strace s2  }
0x93: {  	s2 =	sld [smem:$0x3FFD];
	_ =	sdelay $0x3  }
0x94: {  	_ =	strace s2  }
0x95: {  	_ =	strace $0x8FFFFFFF  }
0x96: {  	s17 =	sld [smem:$0x3FDB];
	_ =	sdelay $0x1  }
0x97: {  	s3 =	simm.s32 $_scs_section_size  }
0x98: {  	s4 =	simm.s32 $_size__tile_overlayer_lowered;
	s5 =	simm.s32 $_tile_overlayer_lowered  }
0x99: {  	s20 =	simm.s32 $0x1BFF;
	s19 =	sshll.u32 s5, $0x1;
	s2 =	sadd.s32 s3, s17  }
0x9a: {  	s6 =	simm.s32 $0x0;
	s18 =	sshll.u32 s4, $0x1;
	s4 =	sadd.s32 s19, s2  }
0x9b: {  	[timem:s6], [sflag:s20] =	dma.local [hbm:s4], s18  }
0x9c: {  	_ =	swait.ge [sflag:s20], s18  }
0x9d: {  	s3 =	ssub.s32 $0x0, s18;
	[sflag:s20] =	ssyncset.done $0x0  }
0x9e: {  	[sflag:s20] =	ssyncadd.s32 s3;
	_ =	sdelay $0x1  }
0x9f: {  	s21 =	simm.s32 $0x1B8B  }
0xa0: {  	_ =	swait.ge [sflag:s21], $0x1  }
0xa1: {  	[sflag:s21] =	ssyncset.done $0x0  }
0xa2: {  	s23 =	simm.s32 $0x1B8E;
	s22 =	sld [smem:$0x3FFE];
	[sflag:s21] =	ssyncadd.s32 $0xFFFFFFFF  }
0xa3: {  	s24 =	simm.s32 $execute0_lowered;
	[smem:$0x3FD2] =	sst s23  }
0xa4: {  	s4 =	sshll.u32 s24, $0x1;
	_ =	strace $0x80000046;
	[dreg:$0x1] =	wrdreg $0xFFFFFFFF  }
0xa5: {  	s25 =	simm.s32 $_size_execute0_lowered;
	s2 =	sadd.s32 s2, s4;
	[dreg:$0x0] =	wrdreg $0x0  }
0xa6: {  	s4 =	sshll.u32 s25, $0x1;
	[dreg:$0x2] =	wrdreg s2  }
0xa7: {  	[dreg:$0x3] =	wrdreg s4  }
0xa8: {  	[dreg:$0x4] =	wrdreg $0xC0  }
0xa9: {  	_ =	task [dreg:s6], $0x5FFFF  }
0xaa: {  	[dreg:$0x1] =	wrdreg $0xFFFFFFFF  }
0xab: {  	[dreg:$0x0] =	wrdreg $0x60  }
0xac: {  	[dreg:$0x2] =	wrdreg s22  }
0xad: {  	[dreg:$0x3] =	wrdreg s0  }
0xae: {  	[dreg:$0x4] =	wrdreg s16  }
0xaf: {  	[dreg:$0x5] =	wrdreg $0x9  }
0xb0: {  	_ =	task.clear_ibuf [dreg:s6], $0x6FFFF;
	_ =	strace $0x90000046  }
0xb1: {  	s26 =	simm.s32 $0x9;
	_ =	strace $0x80000048  }
0xb2: {  	_ =	swait.ge [sflag:s26], $0x1  }
0xb3: {  	[sflag:s26] =	ssyncadd.s32 $0xFFFFFFFF  }
0xb4: {  	_ =	strace $0x90000048  }
0xb5: {  	_ =	sfence  }
0xb6: {  	s28 =	sld [smem:$0x0];
	_ =	sdelay $0x1  }
0xb7: {  	s29 =	srdreg.scid  }
0xb8: {  	s30 =	sshll.u32 s29, $0xD;
	s31 =	sshrl.u32 s29, $0x2  }
0xb9: {  	s1 =	sand.u32 $0x1, s29;
	s2 =	sand.u32 $0x4000, s30;
	s0 =	sadd.s32 s31, s28  }
0xba: {  	s1 =	sor.u32 s2, s1;
	s0 =	sshll.u32 s0, $0x11  }
0xbb: {  	s0 =	sor.u32 s0, s1  }
0xbc: {  	s0 =	sadd.s32 $0x8F2B, s0  }
0xbd: {  	[sflag:s0] =	ssyncadd.remote.s32 $0x1  }
0xbe: {  	_ =	sfence.sel $0xFFFF  }
0xbf: {  	[dreg:$0x0] =	wrdreg $0xFFFFFFFF;
	(pc) =	sbr.abs _section_cstart, $3  }
0xc0: {  	[dreg:$0x1] =	wrdreg $0xFFFFFFFF  }
0xc1: {  	_ =	task.clear_ibuf [dreg:s6], $0x2FFFF;
	_ =	strace $0x9FFFFFFF  }
0xc2: {  	(tm) =	ssettm $0x7FFFFFFF  }
0xc3: {  	_ =	shalt  }
tec
execute0_lowered:
.L_overlay_start_1:
0x0: {  	(tag) =	ssettag $0x1  }
0x1: {  	s3 =	rddreg [dreg:$0x0]  }
0x2: {  	s5 =	rddreg [dreg:$0x1]  }
0x3: {  	s6 =	rddreg [dreg:$0x2]  }
0x4: {  	s0 =	rddreg [dreg:$0x3];
	s2 =	simm.s32 $0x0;
	s1 =	stileid.u32  }
0x5: {  	s8 =	simm.s32 $0xA80;
	[smem:$0x7FF] =	sst s2;
	s4 =	sshll.u32 s1, $0x8  }
0x6: {  	s7 =	sadd.s32 $0x2000, s3;
	_ =	strace $0x80000047;
	s4 =	sadd.s32 s4, s3  }
0x7: {  	[tilespmem:s8], [sflag:$0x1] =	stream.linear.gather [hbm4b:s7+s2], $0x400, $0x38;
	[tilespmem:$0x1000] =	vst v63  }
0x8: {  	s19 =	sshll.u32 s1, $0x6;
	s4 =	sadd.s32 $0x1000, s4  }
0x9: {  	[tilespmem:s2], [sflag:$0x2] =	stream.linear.gather [hbm4b:s4+s2], $0x780, $0x38;
	[tilespmem:$0x1000] =	vst v63  }
0xa: {  	s21 =	simm.s32 $0x800;
	s20 =	sshll.u32 s1, $0x4;
	s5 =	sadd.s32 s5, s19  }
0xb: {  	[tilespmem:s21], [sflag:$0x3] =	stream.linear.gather [hbm4b:s5+s2], $0x200, $0x38;
	[tilespmem:$0x1000] =	vst v63  }
0xc: {  	s23 =	simm.s32 $0xA00;
	s24 =	simm.s32 $0x1;
	s22 =	sadd.s32 s6, s20  }
0xd: {  	[tilespmem:s23], [sflag:$0x4] =	stream.linear.gather [hbm4b:s22+s2], $0x80, $0x38;
	[tilespmem:$0x1000] =	vst v63  }
0xe: {  	_ =	swait.ge [sflag:s24], $0x400  }
0xf: {  	[sflag:s24] =	ssyncset.done $0x0  }
0x10: {  	[sflag:s24] =	ssyncadd.s32 $0xFFFFFC00  }
0x11: {  	v0 =	vld [tilespmem:$0xA80]  }
0x12: {  	v1 =	vld [tilespmem:$0xB00]  }
0x13: {  	v2 =	vld [tilespmem:$0xB80]  }
0x14: {  	v3 =	vld [tilespmem:$0xA90]  }
0x15: {  	v4 =	vld [tilespmem:$0xB10]  }
0x16: {  	v5 =	vld [tilespmem:$0xB90]  }
0x17: {  	v6 =	vld [tilespmem:$0xAA0]  }
0x18: {  	v7 =	vld [tilespmem:$0xB20]  }
0x19: {  	v8 =	vld [tilespmem:$0xBA0]  }
0x1a: {  	v9 =	vld [tilespmem:$0xAB0]  }
0x1b: {  	v10 =	vld [tilespmem:$0xB30]  }
0x1c: {  	v11 =	vld [tilespmem:$0xBB0]  }
0x1d: {  	v12 =	vld [tilespmem:$0xAC0]  }
0x1e: {  	v13 =	vld [tilespmem:$0xB40]  }
0x1f: {  	v14 =	vld [tilespmem:$0xBC0]  }
0x20: {  	v15 =	vld [tilespmem:$0xAD0]  }
0x21: {  	v16 =	vld [tilespmem:$0xB50]  }
0x22: {  	v17 =	vld [tilespmem:$0xBD0];
	v0 =	vmul.f32 $5.000000000e+00, v0  }
0x23: {  	v18 =	vld [tilespmem:$0xAE0];
	v1 =	vmul.f32 $5.000000000e+00, v1;
	v3 =	vmul.f32 $5.000000000e+00, v3  }
0x24: {  	v19 =	vld [tilespmem:$0xB60];
	v59 =	vmul.f32 $1.000000000e+01, v2;
	v60 =	vmul.f32 $5.000000000e+00, v6  }
0x25: {  	v20 =	vld [tilespmem:$0xBE0];
	v4 =	vmul.f32 $5.000000000e+00, v4;
	v9 =	vmul.f32 $5.000000000e+00, v9  }
0x26: {  	v21 =	vld [tilespmem:$0xAF0];
	v63 =	vmul.f32 $5.000000000e+00, v7;
	v26 =	vmul.f32 $5.000000000e+00, v10  }
0x27: {  	v22 =	vld [tilespmem:$0xB70];
	v5 =	vmul.f32 $1.000000000e+01, v5;
	v28 =	vmul.f32 $5.000000000e+00, v12  }
0x28: {  	v23 =	vld [tilespmem:$0xC80];
	v8 =	vmul.f32 $1.000000000e+01, v8;
	v30 =	vmul.f32 $1.000000000e+01, v11  }
0x29: {  	v61 =	vld [tilespmem:$0xBF0];
	v32 =	vmul.f32 $5.000000000e+00, v13;
	v34 =	vmul.f32 $5.000000000e+00, v15  }
0x2a: {  	v24 =	vld [tilespmem:$0xD00];
	v36 =	vmul.f32 $1.000000000e+01, v14;
	v37 =	vmul.f32 $5.000000000e+00, v18  }
0x2b: {  	v29 =	vld [tilespmem:$0xC90];
	v16 =	vmul.f32 $5.000000000e+00, v16;
	v39 =	vmul.f32 $5.000000000e+00, v21  }
0x2c: {  	v27 =	vld [tilespmem:$0xD80];
	v42 =	vmul.f32 $5.000000000e+00, v19;
	v45 =	vmul.f32 $5.000000000e+00, v22  }
0x2d: {  	v31 =	vld [tilespmem:$0xD10];
	v17 =	vmul.f32 $1.000000000e+01, v17;
	v47 =	vmul.f32 $5.000000000e+00, v23  }
0x2e: {  	v43 =	vld [tilespmem:$0xCB0];
	v20 =	vmul.f32 $1.000000000e+01, v20;
	v6 =	vmul.f32 $1.000000000e+01, v61  }
0x2f: {  	v35 =	vld [tilespmem:$0xCA0];
	v7 =	vmul.f32 $5.000000000e+00, v24;
	v0 =	vadd.f32 $1.000000000e+00, v0;
	v3 =	vadd.f32 $1.000000000e+00, v3  }
0x30: {  	v38 =	vld [tilespmem:$0xD20];
	v12 =	vmul.f32 $5.000000000e+00, v29;
	v62 =	vadd.f32 $1.000000000e+00, v60;
	v25 =	vadd.f32 $1.000000000e+00, v9  }
0x31: {  	v48 =	vld [tilespmem:$0xDB0];
	v10 =	vmul.f32 $1.000000000e+01, v27;
	v2 =	vadd.f32 $1.000000000e+00, v28;
	v41 =	vadd.f32 $1.000000000e+00, v37  }
0x32: {  	v50 =	vld [tilespmem:$0xD40];
	v11 =	vmul.f32 $5.000000000e+00, v31;
	v44 =	vadd.f32 $1.000000000e+00, v39;
	v14 =	vadd.f32 $1.000000000e+00, v47  }
0x33: {  	v46 =	vld [tilespmem:$0xD30];
	v19 =	vmul.f32 $5.000000000e+00, v43;
	v12 =	vadd.f32 $1.000000000e+00, v12;
	v0 =	vadd.f32 v1, v0  }
0x34: {  	v52 =	vld [tilespmem:$0xCD0];
	v9 =	vmul.f32 $5.000000000e+00, v35;
	v3 =	vadd.f32 v4, v3;
	v1 =	vadd.f32 v63, v62  }
0x35: {  	v49 =	vld [tilespmem:$0xCC0];
	v56 =	vmul.f32 $5.000000000e+00, v38;
	v4 =	vadd.f32 v26, v25;
	v2 =	vadd.f32 v32, v2  }
0x36: {  	v21 =	vld [tilespmem:$0xCF0];
	v24 =	vmul.f32 $1.000000000e+01, v48;
	v7 =	vadd.f32 v7, v14;
	v55 =	vadd.f32 $1.000000000e+00, v9  }
0x37: {  	v51 =	vld [tilespmem:$0xDC0];
	v31 =	vmul.f32 $5.000000000e+00, v50;
	v58 =	vadd.f32 v11, v12;
	v0 =	vadd.f32 v59, v0  }
0x38: {  	v33 =	vld [tilespmem:$0xD90];
	v60 =	vmul.f32 $5.000000000e+00, v46;
	v3 =	vadd.f32 v5, v3;
	v1 =	vadd.f32 v8, v1  }
0x39: {  	v40 =	vld [tilespmem:$0xDA0];
	v28 =	vmul.f32 $5.000000000e+00, v52;
	v4 =	vadd.f32 v30, v4;
	v8 =	vadd.f32 $1.000000000e+00, v34  }
0x3a: {  	v53 =	vld [tilespmem:$0xD50];
	v25 =	vmul.f32 $5.000000000e+00, v49;
	v2 =	vadd.f32 v36, v2;
	v5 =	vadd.f32 v42, v41;
	[tilespmem:$0xE80] =	vst v0  }
0x3b: {  	v61 =	vld [tilespmem:$0xCE0];
	v38 =	vmul.f32 $5.000000000e+00, v21;
	v54 =	vadd.f32 v10, v7;
	v59 =	vadd.f32 $1.000000000e+00, v19;
	[tilespmem:$0xE90] =	vst v3  }
0x3c: {  	v57 =	vld [tilespmem:$0xDD0];
	v37 =	vmul.f32 $1.000000000e+01, v51;
	v7 =	vadd.f32 v56, v55;
	v30 =	vadd.f32 $1.000000000e+00, v25;
	[tilespmem:$0xEA0] =	vst v1  }
0x3d: {  	v29 =	vld [tilespmem:$0xD70];
	v62 =	vmul.f32 $1.000000000e+01, v33;
	v9 =	vadd.f32 $1.000000000e+00, v38;
	v8 =	vadd.f32 v16, v8;
	[tilespmem:$0xEB0] =	vst v4  }
0x3e: {  	v63 =	vmul.f32 $1.000000000e+01, v40;
	v26 =	vld [tilespmem:$0xD60];
	v16 =	vadd.f32 v45, v44;
	v5 =	vadd.f32 v20, v5;
	[tilespmem:$0xEC0] =	vst v2  }
0x3f: {  	v35 =	vld [tilespmem:$0xDF0];
	v33 =	vmul.f32 $5.000000000e+00, v53;
	v22 =	vadd.f32 v60, v59;
	v1 =	vadd.f32 v62, v58;
	[tilespmem:$0xF00] =	vst v54  }
0x40: {  	v32 =	vld [tilespmem:$0xDE0];
	v34 =	vmul.f32 $5.000000000e+00, v61;
	v27 =	vadd.f32 v63, v7;
	v3 =	vadd.f32 $1.000000000e+00, v28;
	[tilespmem:$0xEE0] =	vst v5  }
0x41: {  	v42 =	vmul.f32 $1.000000000e+01, v57;
	v36 =	vadd.f32 v31, v30;
	v8 =	vadd.f32 v17, v8;
	[tilespmem:$0xF10] =	vst v1  }
0x42: {  	v40 =	vadd.f32 $1.000000000e+00, v34;
	v7 =	vmul.f32 $5.000000000e+00, v29;
	v6 =	vadd.f32 v6, v16;
	[tilespmem:$0xF20] =	vst v27  }
0x43: {  	v41 =	vmul.f32 $5.000000000e+00, v26;
	v4 =	vadd.f32 v24, v22;
	v39 =	vadd.f32 v33, v3;
	[tilespmem:$0xED0] =	vst v8  }
0x44: {  	v46 =	vmul.f32 $1.000000000e+01, v35;
	v43 =	vadd.f32 v37, v36;
	v45 =	vadd.f32 v7, v9;
	[tilespmem:$0xEF0] =	vst v6  }
0x45: {  	v44 =	vmul.f32 $1.000000000e+01, v32;
	v3 =	vadd.f32 v41, v40;
	[tilespmem:$0xF30] =	vst v4;
	v0 =	vadd.f32 v42, v39  }
0x46: {  	[tilespmem:$0xF40] =	vst v43;
	v48 =	vadd.f32 v46, v45  }
0x47: {  	v47 =	vadd.f32 v44, v3;
	[tilespmem:$0xF50] =	vst v0  }
0x48: {  	[tilespmem:$0xF70] =	vst v48  }
0x49: {  	s25 =	simm.s32 $0x2;
	[tilespmem:$0xF60] =	vst v47  }
0x4a: {  	_ =	swait.ge [sflag:s25], $0x780  }
0x4b: {  	[sflag:s25] =	ssyncset.done $0x0  }
0x4c: {  	s26 =	simm.s32 $0x3;
	[sflag:s25] =	ssyncadd.s32 $0xFFFFF880  }
0x4d: {  	_ =	swait.ge [sflag:s26], $0x200  }
0x4e: {  	[sflag:s26] =	ssyncset.done $0x0  }
0x4f: {  	s28 =	simm.s32 $0x4;
	[sflag:s26] =	ssyncadd.s32 $0xFFFFFE00  }
0x50: {  	_ =	swait.ge [sflag:s28], $0x80  }
0x51: {  	[sflag:s28] =	ssyncset.done $0x0  }
0x52: {  	[sflag:s28] =	ssyncadd.s32 $0xFFFFFF80  }
0x53: {  	v49 =	vld [tilespmem:$0xA00]  }
0x54: {  	v3 =	vld [tilespmem:$0x600]  }
0x55: {  	v9 =	vld [tilespmem:$0x680]  }
0x56: {  	v11 =	vld [tilespmem:$0x700]  }
0x57: {  	v50 =	vld [tilespmem:$0x0]  }
0x58: {  	v52 =	vld [tilespmem:$0x80]  }
0x59: {  	v53 =	vld [tilespmem:$0x100]  }
0x5a: {  	v4 =	vld [tilespmem:$0x800]  }
0x5b: {  	v54 =	vld [tilespmem:$0x180]  }
0x5c: {  	v55 =	vld [tilespmem:$0x200]  }
0x5d: {  	v56 =	vld [tilespmem:$0x280]  }
0x5e: {  	v17 =	vld [tilespmem:$0x880]  }
0x5f: {  	v57 =	vld [tilespmem:$0x300]  }
0x60: {  	v58 =	vld [tilespmem:$0xA10]  }
0x61: {  	v59 =	vld [tilespmem:$0x380]  }
0x62: {  	v60 =	vld [tilespmem:$0x400]  }
0x63: {  	v61 =	vld [tilespmem:$0x900]  }
0x64: {  	v62 =	vld [tilespmem:$0x480]  }
0x65: {  	v63 =	vld [tilespmem:$0x500]  }
0x66: {  	v24 =	vld [tilespmem:$0x580]  }
0x67: {  	v25 =	vld [tilespmem:$0x980]  }
0x68: {  	v26 =	vld [tilespmem:$0x610]  }
0x69: {  	v27 =	vld [tilespmem:$0x690]  }
0x6a: {  	v28 =	vld [tilespmem:$0x710]  }
0x6b: {  	v29 =	vld [tilespmem:$0x10]  }
0x6c: {  	v30 =	vld [tilespmem:$0x90]  }
0x6d: {  	v31 =	vld [tilespmem:$0x110]  }
0x6e: {  	v6 =	vld [tilespmem:$0x810]  }
0x6f: {  	v32 =	vld [tilespmem:$0x190]  }
0x70: {  	v33 =	vld [tilespmem:$0x210]  }
0x71: {  	v34 =	vld [tilespmem:$0x290]  }
0x72: {  	v35 =	vld [tilespmem:$0x890]  }
0x73: {  	v36 =	vld [tilespmem:$0x310]  }
0x74: {  	v51 =	vld [tilespmem:$0xA20]  }
0x75: {  	v37 =	vld [tilespmem:$0x390]  }
0x76: {  	v38 =	vld [tilespmem:$0x410]  }
0x77: {  	v39 =	vld [tilespmem:$0x910]  }
0x78: {  	v40 =	vld [tilespmem:$0x490]  }
0x79: {  	v41 =	vld [tilespmem:$0x510]  }
0x7a: {  	v42 =	vld [tilespmem:$0x590]  }
0x7b: {  	v43 =	vld [tilespmem:$0x990]  }
0x7c: {  	v7 =	vld [tilespmem:$0x620]  }
0x7d: {  	v8 =	vld [tilespmem:$0x6A0]  }
0x7e: {  	v5 =	vld [tilespmem:$0x720]  }
0x7f: {  	v44 =	vld [tilespmem:$0x20]  }
0x80: {  	v45 =	vld [tilespmem:$0xA0]  }
0x81: {  	v46 =	vld [tilespmem:$0x120]  }
0x82: {  	v48 =	vld [tilespmem:$0x1A0]  }
0x83: {  	v23 =	vld [tilespmem:$0x3A0]  }
0x84: {  	v21 =	vld [tilespmem:$0x5A0]  }
0x85: {  	v0 =	vsub.f32 v50, v3;
	v16 =	vsub.f32 v56, v11;
	v56 =	vld [tilespmem:$0xA30]  }
0x86: {  	v15 =	vsub.f32 v55, v9;
	v50 =	vld [tilespmem:$0x420]  }
0x87: {  	v19 =	vsub.f32 v59, v9;
	v55 =	vsub.f32 v60, v11;
	v47 =	vmul.f32 v0, v0;
	v0 =	vld [tilespmem:$0x820]  }
0x88: {  	v12 =	vsub.f32 v52, v9;
	v14 =	vsub.f32 v54, v3;
	v52 =	vmul.f32 v16, v16;
	v16 =	vld [tilespmem:$0x2A0]  }
0x89: {  	s29 =	simm.s32 $0xE80;
	v54 =	vmul.f32 v19, v19;
	v19 =	vmul.f32 v55, v55;
	v55 =	vsub.f32 v34, v28;
	v34 =	vld [tilespmem:$0x30]  }
0x8a: {  	v2 =	vld.idx.msk [tilespmem:v49+s29+$0x0], $0xffff  }
0x8b: {  	v18 =	vsub.f32 v57, v3;
	v3 =	vsub.f32 v62, v3;
	v10 =	vld.idx.msk [tilespmem:v58+s29+$0x0], $0xffff  }
0x8c: {  	v9 =	vsub.f32 v63, v9;
	v12 =	vmul.f32 v12, v12;
	v14 =	vmul.f32 v14, v14;
	v1 =	vld.idx.msk [tilespmem:v51+s29+$0x0], $0xffff  }
0x8d: {  	v13 =	vsub.f32 v53, v11;
	v15 =	vmul.f32 v15, v15;
	v53 =	vmul.f32 v18, v18;
	v49 =	vld [tilespmem:$0x8A0]  }
0x8e: {  	v3 =	vmul.f32 v3, v3;
	v9 =	vmul.f32 v9, v9;
	v12 =	vadd.f32 v12, v47;
	v47 =	vld [tilespmem:$0x220]  }
0x8f: {  	v13 =	vmul.f32 v13, v13;
	v14 =	vadd.f32 v15, v14;
	v15 =	vld [tilespmem:$0x320]  }
0x90: {  	v18 =	vadd.f32 v54, v53;
	v3 =	vadd.f32 v9, v3;
	v9 =	vld [tilespmem:$0x630]  }
0x91: {  	v11 =	vsub.f32 v24, v11;
	v12 =	vadd.f32 v13, v12;
	v13 =	vld [tilespmem:$0x920]  }
0x92: {  	v53 =	vsub.f32 v31, v28;
	v58 =	vadd.f32 v19, v18;
	v19 =	vld [tilespmem:$0x4A0]  }
0x93: {  	v14 =	vadd.f32 v52, v14;
	v52 =	vsub.f32 v33, v27;
	v33 =	vld [tilespmem:$0x130]  }
0x94: {  	v60 =	vmul.f32 v11, v11;
	v20 =	vmul.f32 v53, v53;
	v53 =	vsub.f32 v44, v7;
	v44 =	vld [tilespmem:$0x530]  }
0x95: {  	v57 =	vmul.f32 v4, v2;
	v63 =	vmul.f32 v25, v2;
	v25 =	vld [tilespmem:$0x9A0]  }
0x96: {  	v17 =	vmul.f32 v17, v2;
	v59 =	vmul.f32 v61, v2;
	v2 =	vld.idx.msk [tilespmem:v56+s29+$0x0], $0xffff  }
0x97: {  	v62 =	vsub.f32 v30, v27;
	v56 =	vmul.f32 v52, v52;
	v52 =	vld [tilespmem:$0xA40]  }
0x98: {  	v32 =	vsub.f32 v32, v26;
	v3 =	vadd.f32 v60, v3;
	v14 =	vmul.f32 v14, v17;
	v17 =	vld [tilespmem:$0x520]  }
0x99: {  	v23 =	vsub.f32 v23, v8;
	v51 =	vmul.f32 v62, v62;
	v22 =	vmul.f32 v12, v57;
	v12 =	vld [tilespmem:$0x6B0]  }
0x9a: {  	v54 =	vmul.f32 v32, v32;
	v61 =	vsub.f32 v29, v26;
	v24 =	vmul.f32 v3, v63;
	v3 =	vld [tilespmem:$0x830]  }
0x9b: {  	v31 =	vmul.f32 v55, v55;
	v18 =	vmul.f32 v58, v59;
	v58 =	vsub.f32 v37, v27;
	v37 =	vld [tilespmem:$0x230]  }
0x9c: {  	v55 =	vsub.f32 v48, v7;
	v11 =	vmul.f32 v61, v61;
	v61 =	vsub.f32 v38, v28;
	v38 =	vld [tilespmem:$0x2B0]  }
0x9d: {  	v62 =	vmul.f32 v6, v10;
	v35 =	vmul.f32 v35, v10;
	v57 =	vsub.f32 v36, v26;
	v36 =	vld [tilespmem:$0x430]  }
0x9e: {  	v27 =	vsub.f32 v41, v27;
	v41 =	vmul.f32 v39, v10;
	v10 =	vmul.f32 v43, v10;
	v43 =	vld [tilespmem:$0x4B0]  }
0x9f: {  	v30 =	vadd.f32 v56, v54;
	v54 =	vsub.f32 v45, v8;
	v45 =	vmul.f32 v23, v23;
	v23 =	vld [tilespmem:$0x40]  }
0xa0: {  	v16 =	vsub.f32 v16, v5;
	v15 =	vsub.f32 v15, v7;
	v39 =	vmul.f32 v55, v55;
	v55 =	vld [tilespmem:$0xA50]  }
0xa1: {  	v26 =	vsub.f32 v40, v26;
	v7 =	vsub.f32 v19, v7;
	v19 =	vld [tilespmem:$0x140]  }
0xa2: {  	v28 =	vsub.f32 v42, v28;
	v29 =	vadd.f32 v51, v11;
	v11 =	vld [tilespmem:$0x730]  }
0xa3: {  	v56 =	vsub.f32 v47, v8;
	v30 =	vadd.f32 v31, v30;
	v31 =	vld [tilespmem:$0x1B0]  }
0xa4: {  	v59 =	vmul.f32 v57, v57;
	v51 =	vmul.f32 v28, v28;
	v28 =	vld [tilespmem:$0x330];
	v57 =	vsub.f32 v46, v5  }
0xa5: {  	v46 =	vsub.f32 v50, v5;
	v5 =	vsub.f32 v21, v5;
	v21 =	vld [tilespmem:$0xC0]  }
0xa6: {  	v26 =	vmul.f32 v26, v26;
	v27 =	vmul.f32 v27, v27;
	v20 =	vadd.f32 v20, v29;
	v29 =	vld [tilespmem:$0xB0]  }
0xa7: {  	v40 =	vmul.f32 v56, v56;
	v30 =	vmul.f32 v30, v35;
	v35 =	vld [tilespmem:$0x8B0]  }
0xa8: {  	v4 =	vadd.f32 $0.0e+00, v4;
	v60 =	vmul.f32 v58, v58;
	v26 =	vadd.f32 v27, v26;
	v27 =	vld [tilespmem:$0x3B0]  }
0xa9: {  	v39 =	vadd.f32 v40, v39;
	v40 =	vld [tilespmem:$0x9B0]  }
0xaa: {  	v32 =	vadd.f32 v60, v59;
	v60 =	vadd.f32 v6, v4;
	v6 =	vld [tilespmem:$0x740]  }
0xab: {  	v48 =	vmul.f32 v5, v5;
	v5 =	vld [tilespmem:$0x840]  }
0xac: {  	v16 =	vmul.f32 v16, v16;
	v15 =	vmul.f32 v15, v15;
	v8 =	vsub.f32 v17, v8;
	v17 =	vld [tilespmem:$0x1C0]  }
0xad: {  	v63 =	vmul.f32 v61, v61;
	v4 =	vld.idx.msk [tilespmem:v52+s29+$0x0], $0xffff  }
0xae: {  	v15 =	vadd.f32 v45, v15;
	v47 =	vmul.f32 v46, v46;
	v16 =	vadd.f32 v16, v39;
	v39 =	vld [tilespmem:$0x6C0]  }
0xaf: {  	v32 =	vadd.f32 v63, v32;
	v63 =	vmul.f32 v49, v1;
	v49 =	vsub.f32 v34, v9;
	v34 =	vld [tilespmem:$0x5C0]  }
0xb0: {  	v15 =	vadd.f32 v47, v15;
	v47 =	vld [tilespmem:$0x50]  }
0xb1: {  	v14 =	vadd.f32 $0.0e+00, v14;
	v52 =	vsub.f32 v37, v12;
	v37 =	vld [tilespmem:$0x450]  }
0xb2: {  	v7 =	vmul.f32 v7, v7;
	v26 =	vadd.f32 v51, v26;
	v51 =	vsub.f32 v31, v9;
	v31 =	vld [tilespmem:$0x8C0]  }
0xb3: {  	v14 =	vadd.f32 v30, v14;
	v30 =	vmul.f32 v53, v53;
	v53 =	vsub.f32 v33, v11;
	v33 =	vld [tilespmem:$0x340]  }
0xb4: {  	v8 =	vmul.f32 v8, v8;
	v32 =	vmul.f32 v32, v41;
	v41 =	vld [tilespmem:$0x930]  }
0xb5: {  	v13 =	vmul.f32 v13, v1;
	v10 =	vmul.f32 v26, v10;
	v26 =	vld [tilespmem:$0x640]  }
0xb6: {  	v22 =	vadd.f32 $0.0e+00, v22;
	v59 =	vmul.f32 v57, v57;
	v7 =	vadd.f32 v8, v7;
	v8 =	vld [tilespmem:$0x240]  }
0xb7: {  	v36 =	vsub.f32 v36, v11;
	v50 =	vsub.f32 v29, v12;
	v29 =	vmul.f32 v52, v52;
	v52 =	vld [tilespmem:$0x150]  }
0xb8: {  	v24 =	vadd.f32 $0.0e+00, v24;
	v20 =	vmul.f32 v20, v62;
	v57 =	vmul.f32 v53, v53;
	v53 =	vld [tilespmem:$0x1D0]  }
0xb9: {  	v27 =	vsub.f32 v27, v12;
	v12 =	vsub.f32 v44, v12;
	v44 =	vmul.f32 v36, v36;
	v36 =	vld [tilespmem:$0x3D0]  }
0xba: {  	v18 =	vadd.f32 $0.0e+00, v18;
	v16 =	vmul.f32 v16, v63;
	v63 =	vmul.f32 v35, v2;
	v35 =	vld [tilespmem:$0x3E0]  }
0xbb: {  	v62 =	vmul.f32 v0, v1;
	v0 =	vadd.f32 v0, v60;
	v10 =	vadd.f32 v10, v24;
	v24 =	vld [tilespmem:$0x940]  }
0xbc: {  	v18 =	vadd.f32 v32, v18;
	v32 =	vmul.f32 v54, v54;
	v54 =	vsub.f32 v38, v11;
	v38 =	vld [tilespmem:$0x9C0]  }
0xbd: {  	v13 =	vmul.f32 v15, v13;
	v14 =	vadd.f32 v16, v14;
	v16 =	vmul.f32 v50, v50;
	v50 =	vld [tilespmem:$0xD0]  }
0xbe: {  	v1 =	vmul.f32 v25, v1;
	v20 =	vadd.f32 v20, v22;
	v58 =	vadd.f32 v32, v30;
	v30 =	vld [tilespmem:$0x5B0]  }
0xbf: {  	v15 =	vmul.f32 v49, v49;
	v0 =	vadd.f32 v3, v0;
	v13 =	vadd.f32 v13, v18;
	v18 =	vld [tilespmem:$0x4C0]  }
0xc0: {  	v25 =	vmul.f32 v51, v51;
	v51 =	vmul.f32 v40, v2;
	v19 =	vsub.f32 v19, v6;
	v32 =	vld [tilespmem:$0x360]  }
0xc1: {  	v7 =	vadd.f32 v48, v7;
	v27 =	vmul.f32 v27, v27;
	v56 =	vadd.f32 v16, v15;
	v15 =	vld [tilespmem:$0x3C0]  }
0xc2: {  	v12 =	vmul.f32 v12, v12;
	v21 =	vsub.f32 v21, v39;
	v46 =	vmul.f32 v41, v2;
	v41 =	vld [tilespmem:$0x4D0]  }
0xc3: {  	v1 =	vmul.f32 v7, v1;
	v49 =	vsub.f32 v23, v26;
	v17 =	vsub.f32 v17, v26;
	v23 =	vld [tilespmem:$0x660]  }
0xc4: {  	v19 =	vmul.f32 v19, v19;
	v61 =	vadd.f32 v59, v58;
	v58 =	vadd.f32 v29, v25;
	v29 =	vld [tilespmem:$0x440]  }
0xc5: {  	v21 =	vmul.f32 v21, v21;
	v59 =	vmul.f32 v54, v54;
	v10 =	vadd.f32 v1, v10;
	v1 =	vld.idx.msk [tilespmem:v55+s29+$0x0], $0xffff  }
0xc6: {  	v8 =	vsub.f32 v8, v39;
	v7 =	vadd.f32 v57, v56;
	v17 =	vmul.f32 v17, v17;
	v55 =	vld [tilespmem:$0x250]  }
0xc7: {  	v57 =	vld [tilespmem:$0x2D0];
	v22 =	vmul.f32 v61, v62;
	v60 =	vadd.f32 v59, v58;
	v62 =	vsub.f32 v28, v9  }
0xc8: {  	v61 =	vmul.f32 v3, v2;
	v28 =	vld [tilespmem:$0x540];
	v9 =	vsub.f32 v43, v9;
	v8 =	vmul.f32 v8, v8  }
0xc9: {  	v2 =	vld [tilespmem:$0x850];
	v11 =	vsub.f32 v30, v11;
	v18 =	vsub.f32 v18, v26;
	v42 =	vmul.f32 v62, v62  }
0xca: {  	v59 =	vld [tilespmem:$0x350];
	v20 =	vadd.f32 v22, v20;
	v9 =	vmul.f32 v9, v9;
	v7 =	vmul.f32 v7, v61  }
0xcb: {  	v30 =	vld [tilespmem:$0x650];
	v16 =	vmul.f32 v60, v63;
	v8 =	vadd.f32 v8, v17;
	v60 =	vmul.f32 v5, v4  }
0xcc: {  	v22 =	vld [tilespmem:$0x2C0];
	v61 =	vsub.f32 v33, v26;
	v15 =	vsub.f32 v15, v39;
	v63 =	vmul.f32 v31, v4  }
0xcd: {  	v62 =	vld [tilespmem:$0xA60];
	v5 =	vadd.f32 v5, v0;
	v11 =	vmul.f32 v11, v11;
	v29 =	vsub.f32 v29, v6  }
0xce: {  	v0 =	vld [tilespmem:$0x860];
	v18 =	vmul.f32 v18, v18;
	v43 =	vadd.f32 v27, v42;
	v9 =	vadd.f32 v12, v9  }
0xcf: {  	v12 =	vld [tilespmem:$0x6D0];
	v7 =	vadd.f32 v7, v20;
	v14 =	vadd.f32 v16, v14;
	v20 =	vmul.f32 v49, v49  }
0xd0: {  	v27 =	vld [tilespmem:$0x750];
	v15 =	vmul.f32 v15, v15;
	v33 =	vsub.f32 v28, v39;
	v45 =	vadd.f32 v44, v43  }
0xd1: {  	v42 =	vld [tilespmem:$0x550];
	v40 =	vmul.f32 v29, v29;
	v9 =	vadd.f32 v11, v9;
	v54 =	vadd.f32 v21, v20  }
0xd2: {  	v39 =	vld [tilespmem:$0x950];
	v44 =	vmul.f32 v24, v4;
	v11 =	vsub.f32 v47, v30;
	v4 =	vmul.f32 v38, v4  }
0xd3: {  	v29 =	vld [tilespmem:$0x760];
	v16 =	vsub.f32 v59, v30;
	v22 =	vsub.f32 v22, v6;
	v26 =	vmul.f32 v33, v33  }
0xd4: {  	v38 =	vld [tilespmem:$0x460];
	v6 =	vsub.f32 v34, v6;
	v48 =	vmul.f32 v45, v46;
	v9 =	vmul.f32 v9, v51  }
0xd5: {  	v58 =	vadd.f32 v19, v54;
	v19 =	vmul.f32 v61, v61;
	v45 =	vld [tilespmem:$0x5D0];
	v18 =	vadd.f32 v26, v18  }
0xd6: {  	v46 =	vld [tilespmem:$0x9D0];
	v11 =	vmul.f32 v11, v11;
	v47 =	vsub.f32 v50, v12;
	v20 =	vsub.f32 v55, v12  }
0xd7: {  	v51 =	vld [tilespmem:$0x60];
	v16 =	vmul.f32 v16, v16;
	v49 =	vsub.f32 v52, v27;
	v21 =	vsub.f32 v57, v27  }
0xd8: {  	v61 =	vld [tilespmem:$0x260];
	v56 =	vmul.f32 v22, v22;
	v59 =	vsub.f32 v36, v12;
	v12 =	vsub.f32 v42, v12  }
0xd9: {  	v6 =	vmul.f32 v6, v6;
	v26 =	vld [tilespmem:$0x6E0];
	v13 =	vadd.f32 v48, v13;
	v9 =	vadd.f32 v9, v10  }
0xda: {  	v55 =	vld [tilespmem:$0xE0];
	v3 =	vmul.f32 v58, v60;
	v15 =	vadd.f32 v15, v19;
	v48 =	vsub.f32 v53, v30  }
0xdb: {  	v10 =	vld [tilespmem:$0x8D0];
	v58 =	vmul.f32 v2, v1;
	v19 =	vsub.f32 v41, v30;
	v2 =	vadd.f32 v2, v5  }
0xdc: {  	v60 =	vld [tilespmem:$0x1E0];
	v6 =	vadd.f32 v6, v18;
	v18 =	vmul.f32 v47, v47;
	v20 =	vmul.f32 v20, v20  }
0xdd: {  	v30 =	vld [tilespmem:$0x8E0];
	v8 =	vadd.f32 v56, v8;
	v52 =	vmul.f32 v49, v49;
	v54 =	vmul.f32 v21, v21  }
0xde: {  	v41 =	vld [tilespmem:$0x4E0];
	v12 =	vmul.f32 v12, v12;
	v7 =	vadd.f32 v3, v7;
	v43 =	vadd.f32 v40, v15  }
0xdf: {  	v3 =	vld.idx.msk [tilespmem:v62+s29+$0x0], $0xffff;
	v22 =	vmul.f32 v48, v48;
	v62 =	vsub.f32 v37, v27;
	v19 =	vmul.f32 v19, v19  }
0xe0: {  	v56 =	vld [tilespmem:$0x160];
	v37 =	vmul.f32 v39, v1;
	v8 =	vmul.f32 v8, v63;
	v50 =	vadd.f32 v18, v11  }
0xe1: {  	v47 =	vld [tilespmem:$0xA70];
	v4 =	vmul.f32 v6, v4;
	v17 =	vsub.f32 v45, v27;
	v11 =	vsub.f32 v51, v23  }
0xe2: {  	v49 =	vld [tilespmem:$0x670];
	v15 =	vmul.f32 v43, v44;
	v53 =	vadd.f32 v20, v22;
	v12 =	vadd.f32 v12, v19  }
0xe3: {  	v63 =	vld [tilespmem:$0x2E0];
	v20 =	vmul.f32 v59, v59;
	v40 =	vsub.f32 v55, v26;
	v43 =	vsub.f32 v61, v26  }
0xe4: {  	v45 =	vld [tilespmem:$0x5E0];
	v31 =	vmul.f32 v62, v62;
	v59 =	vsub.f32 v32, v23;
	v8 =	vadd.f32 v8, v14  }
0xe5: {  	v44 =	vld [tilespmem:$0x560];
	v4 =	vadd.f32 v4, v9;
	v6 =	vadd.f32 v52, v50;
	v10 =	vmul.f32 v10, v1  }
0xe6: {  	v55 =	vld [tilespmem:$0x770];
	v34 =	vmul.f32 v17, v17;
	v1 =	vmul.f32 v46, v1;
	v42 =	vsub.f32 v60, v23  }
0xe7: {  	v32 =	vld [tilespmem:$0x2F0];
	v11 =	vmul.f32 v11, v11;
	v17 =	vsub.f32 v35, v26;
	v61 =	vsub.f32 v41, v23  }
0xe8: {  	v52 =	vld [tilespmem:$0x6F0];
	v13 =	vadd.f32 v15, v13;
	v57 =	vadd.f32 v54, v53;
	v15 =	vmul.f32 v40, v40  }
0xe9: {  	v60 =	vld [tilespmem:$0xF0];
	v16 =	vadd.f32 v20, v16;
	v19 =	vmul.f32 v43, v43;
	v23 =	vmul.f32 v59, v59  }
0xea: {  	v9 =	vsub.f32 v56, v29;
	v40 =	vld [tilespmem:$0x470];
	v6 =	vmul.f32 v6, v58;
	v14 =	vmul.f32 v42, v42  }
0xeb: {  	v39 =	vadd.f32 v34, v12;
	v12 =	vld [tilespmem:$0x960];
	v54 =	vmul.f32 v0, v3;
	v24 =	vmul.f32 v17, v17  }
0xec: {  	v58 =	vld [tilespmem:$0x70];
	v27 =	vmul.f32 v61, v61;
	v0 =	vadd.f32 v0, v2;
	v36 =	vadd.f32 v31, v16  }
0xed: {  	v34 =	vld [tilespmem:$0x9E0];
	v10 =	vmul.f32 v57, v10;
	v46 =	vsub.f32 v63, v29;
	v48 =	vadd.f32 v15, v11  }
0xee: {  	v42 =	vld [tilespmem:$0x5F0];
	v9 =	vmul.f32 v9, v9;
	v31 =	vsub.f32 v38, v29;
	v33 =	vsub.f32 v45, v29  }
0xef: {  	v57 =	vmul.f32 v30, v3;
	v63 =	vld [tilespmem:$0x1F0];
	v6 =	vadd.f32 v6, v7;
	v50 =	vadd.f32 v19, v14  }
0xf0: {  	v30 =	vld [tilespmem:$0x170];
	v1 =	vmul.f32 v39, v1;
	v62 =	vsub.f32 v44, v26;
	v18 =	vsub.f32 v32, v55  }
0xf1: {  	v45 =	vld [tilespmem:$0x870];
	v8 =	vadd.f32 v10, v8;
	v7 =	vmul.f32 v36, v37;
	v51 =	vmul.f32 v46, v46  }
0xf2: {  	v26 =	vld [tilespmem:$0x270];
	v53 =	vadd.f32 v9, v48;
	v19 =	vsub.f32 v60, v52;
	v9 =	vmul.f32 v31, v31  }
0xf3: {  	v35 =	vld.idx.msk [tilespmem:v47+s29+$0x0], $0xffff;
	v1 =	vadd.f32 v1, v4;
	v28 =	vmul.f32 v62, v62;
	v18 =	vmul.f32 v18, v18  }
0xf4: {  	v39 =	vld [tilespmem:$0x570];
	v7 =	vadd.f32 v7, v13;
	v56 =	vadd.f32 v51, v50;
	v4 =	vmul.f32 v53, v54  }
0xf5: {  	v36 =	vld [tilespmem:$0x370];
	v14 =	vsub.f32 v58, v49;
	v19 =	vmul.f32 v19, v19;
	v13 =	vmul.f32 v33, v33  }
0xf6: {  	v37 =	vld [tilespmem:$0x3F0];
	v41 =	vmul.f32 v12, v3;
	v51 =	vsub.f32 v40, v55;
	v10 =	vsub.f32 v42, v55  }
0xf7: {  	v3 =	vmul.f32 v34, v3;
	v20 =	vsub.f32 v63, v49;
	v16 =	vsub.f32 v30, v55  }
0xf8: {  	v38 =	vld [tilespmem:$0x4F0];
	v0 =	vadd.f32 v45, v0;
	v5 =	vmul.f32 v56, v57;
	v4 =	vadd.f32 v4, v6  }
0xf9: {  	v6 =	vadd.f32 v24, v23;
	v17 =	vsub.f32 v26, v52;
	v14 =	vmul.f32 v14, v14  }
0xfa: {  	v15 =	vsub.f32 v39, v52;
	v55 =	vmul.f32 v45, v35;
	v20 =	vmul.f32 v20, v20  }
0xfb: {  	v47 =	vsub.f32 v36, v49;
	v48 =	vsub.f32 v37, v52;
	v17 =	vmul.f32 v17, v17  }
0xfc: {  	v46 =	vld [tilespmem:$0x8F0];
	v56 =	vmul.f32 v51, v51;
	v5 =	vadd.f32 v5, v8;
	v8 =	vadd.f32 v28, v27  }
0xfd: {  	v50 =	vld [tilespmem:$0x970];
	v16 =	vmul.f32 v16, v16;
	v49 =	vsub.f32 v38, v49;
	v17 =	vadd.f32 v17, v20  }
0xfe: {  	v14 =	vadd.f32 v19, v14;
	v53 =	vmul.f32 v15, v15;
	v8 =	vadd.f32 v13, v8  }
0xff: {  	v52 =	vld [tilespmem:$0x9F0];
	v44 =	vadd.f32 v18, v17;
	v17 =	vmul.f32 v47, v47;
	v18 =	vmul.f32 v48, v48  }
0x100: {  	v6 =	vadd.f32 v9, v6;
	v3 =	vmul.f32 v8, v3;
	v8 =	vmul.f32 v49, v49  }
0x101: {  	v10 =	vmul.f32 v10, v10;
	v43 =	vadd.f32 v16, v14;
	v54 =	vadd.f32 v18, v17  }
0x102: {  	v9 =	vmul.f32 v46, v35;
	v11 =	vmul.f32 v50, v35;
	v8 =	vadd.f32 v53, v8  }
0x103: {  	v6 =	vmul.f32 v6, v41;
	v57 =	vmul.f32 v43, v55;
	v58 =	vadd.f32 v56, v54  }
0x104: {  	v59 =	vmul.f32 v52, v35;
	v9 =	vmul.f32 v44, v9;
	v8 =	vadd.f32 v10, v8  }
0x105: {  	v6 =	vadd.f32 v6, v7;
	v4 =	vadd.f32 v57, v4;
	v60 =	vmul.f32 v58, v11  }
0x106: {  	[tilespmem:$0xFC0] =	vst v0;
	v1 =	vadd.f32 v3, v1;
	v61 =	vadd.f32 v9, v5;
	v62 =	vmul.f32 v8, v59  }
0x107: {  	[tilespmem:$0xF80] =	vst v4;
	v63 =	vadd.f32 v60, v6  }
0x108: {  	[tilespmem:$0xF90] =	vst v61;
	v1 =	vadd.f32 v62, v1  }
0x109: {  	s3 =	sadd.s32 s20, s3;
	[tilespmem:$0xFA0] =	vst v63  }
0x10a: {  	s30 =	simm.s32 $0xF80;
	s31 =	simm.s32 $0x5;
	s3 =	sadd.s32 $0x2200, s3;
	[tilespmem:$0xFB0] =	vst v1  }
0x10b: {  	[hbm4b:s3+s2] =	stream.linear.scatter [tilespmem:s30], [sflag:$0x5], $0x80, $0x38;
	[tilespmem:$0x1000] =	vst v63  }
0x10c: {  	_ =	swait.ge [sflag:s31], $0x80  }
0x10d: {  	[sflag:s31] =	ssyncset.done $0x0  }
0x10e: {  	[sflag:s31] =	ssyncadd.s32 $0xFFFFFF80  }
0x10f: {  	_ =	sfence.sel $0x180000  }
0x110: {  	[bflag:$0x0] =	sbarrier.arrive $0xFFFF  }
0x111: {  	p0 =	sne.s32 s1, $0x0;
	_ =	strace $0x90000047  }
0x112: {  	s0 =	sadd.s32 @!p0 $0x100000, s0;
	[bflag:$0x2] =	sbarrier.arrive $0xFFFF  }
0x113: {  	[sflag:s0] =	ssyncadd.tile.s32 @!p0 $0x1;
	_ =	shalt  }
.Lfunc_end2:
_tile_overlayer_lowered:
.L_overlay_start_2:
0x114: {  	(tag) =	ssettag $0x2  }
0x115: {  	s0 =	rddreg [dreg:$0x0];
	s2 =	stileid.u32  }
0x116: {  	s1 =	rddreg [dreg:$0x1];
	p0 =	sne.s32 s2, $0x0  }
0x117: {  	s3 =	rddreg [dreg:$0x2];
	[bflag:$0x3] =	sbarrier.arrive $0xFFFF;
	s2 =	simm.s32 @!p0 $0x1C05  }
0x118: {  	[timem:s3], [sflag:s2] =	dma.local @!p0 [hbm:s0], s1  }
0x119: {  	s0 =	simm.s32 @!p0 $0x5  }
0x11a: {  	_ =	swait.ge @!p0 [sflag:s0], s1  }
0x11b: {  	s1 =	ssub.s32 @!p0 $0x0, s1;
	[sflag:s0] =	ssyncset.done @!p0 $0x0  }
0x11c: {  	[sflag:s0] =	ssyncadd.s32 @!p0 s1  }
0x11d: {  	[bflag:$0x3] =	sbarrier.arrive $0xFFFF  }
0x11e: {  	_ =	shalt  }

</sc_bundles>
